<compile_context>
chip_gen: v7x
topology: tpu7x:2x2x1
jax: 0.10.2.dev20260603
libtpu: 0.0.44.dev20260713+nightly
codegen_flags: <defaults>
</compile_context>

<pallas_src>
import jax
import jax.numpy as jnp
from jax import lax
from jax.experimental import pallas as pl
from jax.experimental.pallas import tpu as pltpu
from jax.experimental.pallas import tpu_sc as plsc

_V = 25
_H = 234
_B = 16384
_NW = 32
_ROWS = _B // _NW
_CHUNK = 128
_NCHUNK = _ROWS // _CHUNK
_HPAD = 240
_NG = _HPAD // 16


def _body(in_hbm, idx_hbm, out_hbm, idx_v, in_v, buf0, buf1, sem0, sem1):
    wid = lax.axis_index("s") * 2 + lax.axis_index("c")
    base_row = wid * _ROWS
    pltpu.sync_copy(idx_hbm, idx_v)
    pltpu.sync_copy(in_hbm.at[pl.ds(base_row * _V, _ROWS * _V)], in_v)

    lanes = lax.iota(jnp.int32, 16)
    tail_mask = lanes < (16 - (_HPAD - _H))
    verb_vecs = [idx_v[pl.ds(g * 16, 16)] for g in range(_NG)]

    bufs = (buf0, buf1)
    sems = (sem0, sem1)
    copies = [None, None]

    for c in range(_NCHUNK):
        bi = c % 2
        if copies[bi] is not None:
            copies[bi].wait()
        buf = bufs[bi]

        @plsc.parallel_loop(0, _CHUNK, unroll=4)
        def row_body(r, c=c, buf=buf):
            in_base = (c * _CHUNK + r) * _V
            out_base = r * _H
            for g in range(_NG):
                gidx = verb_vecs[g] + in_base
                vals = plsc.load_gather(in_v, [gidx])
                oidx = lanes + (out_base + g * 16)
                if g == _NG - 1:
                    plsc.store_scatter(buf, [oidx], vals, mask=tail_mask)
                else:
                    plsc.store_scatter(buf, [oidx], vals)

        copies[bi] = pltpu.async_copy(
            buf,
            out_hbm.at[pl.ds((base_row + c * _CHUNK) * _H, _CHUNK * _H)],
            sems[bi],
        )

    copies[0].wait()
    copies[1].wait()


def kernel(verb_scores, hoi_to_verb):
    idx_pad = jnp.concatenate(
        [hoi_to_verb.astype(jnp.int32), jnp.zeros((_HPAD - _H,), jnp.int32)]
    )
    in_flat = verb_scores.reshape(_B * _V)

    mesh = plsc.VectorSubcoreMesh(core_axis_name="c", subcore_axis_name="s")
    k = pl.kernel(
        _body,
        out_type=jax.ShapeDtypeStruct((_B * _H,), jnp.float32),
        mesh=mesh,
        compiler_params=pltpu.CompilerParams(needs_layout_passes=False),
        scratch_types=[
            pltpu.VMEM((_HPAD,), jnp.int32),
            pltpu.VMEM((_ROWS * _V,), jnp.float32),
            pltpu.VMEM((_CHUNK * _H,), jnp.float32),
            pltpu.VMEM((_CHUNK * _H,), jnp.float32),
            pltpu.SemaphoreType.DMA,
            pltpu.SemaphoreType.DMA,
        ],
    )
    out_flat = k(in_flat, idx_pad)
    return out_flat.reshape(_B, _H)

# --- scband reference (transcript-rebuilt; emitter-appended) ---
"""Pipeline reference for scband-scatter-verbs-to-hois-234-18408229831251 (READ-ONLY COPY).

The authoritative reference and input builder live on the scoring server;
editing this copy changes nothing except your own understanding.
"""

import jax, jax.numpy as jnp
import numpy as np

NUM_VERBS = 25
NUM_HOIS = 234
BATCH = 16384


def setup_inputs(seed: int = 0) -> dict:
    key = jax.random.key(seed)
    k1, k2 = jax.random.split(key)
    verb_scores = jax.random.normal(k1, (BATCH, NUM_VERBS), dtype=jnp.float32)
    # Emulates the hoi_dict/verb_to_id JSON metadata: each of the 234 hois maps
    # to one of the 25 (verb, role) entries. Values are 0-based column indices.
    hoi_to_verb = jax.random.randint(k2, (NUM_HOIS,), 0, NUM_VERBS, dtype=jnp.int32)
    return {"verb_scores": verb_scores, "hoi_to_verb": hoi_to_verb}


def reference(verb_scores, hoi_to_verb):
    # Original loop: hoi_scores[:, hoi_idx] = verb_scores[:, verb_idx] for every hoi.
    # Every hoi column is written exactly once, so this is a column gather.
    hoi_scores = jnp.take(verb_scores, hoi_to_verb, axis=1)
    return hoi_scores

if __name__ == "__main__":
    import jax
    _d = setup_inputs()
    print(jax.jit(kernel)(*tuple(_d.values())))

</pallas_src>

<mosaic_0001>
#map = affine_map<(d0, d1) -> (0)>
module attributes {stable_mosaic.version = 14 : i64} {
  func.func @_body(%arg0: i32, %arg1: i32, %arg2: memref<409600xf32, #tpu.memory_space<hbm>>, %arg3: memref<240xi32, #tpu.memory_space<hbm>>, %arg4: memref<3833856xf32, #tpu.memory_space<hbm>>, %arg5: memref<240xi32, #tpu.memory_space<vmem>>, %arg6: memref<12800xf32, #tpu.memory_space<vmem>>, %arg7: memref<29952xf32, #tpu.memory_space<vmem>>, %arg8: memref<29952xf32, #tpu.memory_space<vmem>>, %arg9: memref<!tpu.dma_semaphore, #tpu.memory_space<semaphore_mem>>, %arg10: memref<!tpu.dma_semaphore, #tpu.memory_space<semaphore_mem>>) attributes {dimension_semantics = [#tpu.dimension_semantics<core_parallel>, #tpu.dimension_semantics<subcore_parallel>], iteration_bounds = array<i64: 2, 16>, scalar_prefetch = 0 : i64, scratch_operands = 6 : i64, tpu.core_type = #tpu.core_type<sc_vector_subcore>, window_params = [{transform_indices = #map}, {transform_indices = #map}, {transform_indices = #map}]} {
    %mul3A = arith.constant 2 : i32
    %mul3A_0 = arith.muli %arg1, %mul3A : i32
    %add3A = arith.addi %mul3A_0, %arg0 : i32
    %mul3A_1 = arith.constant 512 : i32
    %mul3A_2 = arith.muli %add3A, %mul3A_1 : i32
    "tpu.region"() ({
      %run_scoped3A = tpu.sem_alloc : memref<!tpu.dma_semaphore, #tpu.memory_space<semaphore_mem>>
      tpu.enqueue_dma source(%arg3 : memref<240xi32, #tpu.memory_space<hbm>>) target(%arg5 : memref<240xi32, #tpu.memory_space<vmem>>) target_semaphore(%run_scoped3A : memref<!tpu.dma_semaphore, #tpu.memory_space<semaphore_mem>>)
      tpu.wait_dma2 semaphore(%run_scoped3A : memref<!tpu.dma_semaphore, #tpu.memory_space<semaphore_mem>>) src(%arg3 : memref<240xi32, #tpu.memory_space<hbm>>) dst(%arg5 : memref<240xi32, #tpu.memory_space<vmem>>)
      tpu.yield
    }) : () -> ()
    %mul3A_3 = arith.constant 25 : i32
    %mul3A_4 = arith.muli %mul3A_2, %mul3A_3 : i32
    "tpu.region"() ({
      %run_scoped3A = tpu.sem_alloc : memref<!tpu.dma_semaphore, #tpu.memory_space<semaphore_mem>>
      %dma_start3A_77 = tpu.memref_slice %arg2[%mul3A_4] : memref<409600xf32, #tpu.memory_space<hbm>> -> memref<12800xf32, #tpu.memory_space<hbm>>
      %dma_start3A_78 = tpu.memref_slice %arg2[%mul3A_4] : memref<409600xf32, #tpu.memory_space<hbm>> -> memref<12800xf32, #tpu.memory_space<hbm>>
      tpu.enqueue_dma source(%dma_start3A_78 : memref<12800xf32, #tpu.memory_space<hbm>>) target(%arg6 : memref<12800xf32, #tpu.memory_space<vmem>>) target_semaphore(%run_scoped3A : memref<!tpu.dma_semaphore, #tpu.memory_space<semaphore_mem>>)
      %dma_wait3A_79 = tpu.memref_slice %arg2[%mul3A_4] : memref<409600xf32, #tpu.memory_space<hbm>> -> memref<12800xf32, #tpu.memory_space<hbm>>
      %dma_wait3A_80 = tpu.memref_slice %arg2[%mul3A_4] : memref<409600xf32, #tpu.memory_space<hbm>> -> memref<12800xf32, #tpu.memory_space<hbm>>
      tpu.wait_dma2 semaphore(%run_scoped3A : memref<!tpu.dma_semaphore, #tpu.memory_space<semaphore_mem>>) src(%dma_wait3A_80 : memref<12800xf32, #tpu.memory_space<hbm>>) dst(%arg6 : memref<12800xf32, #tpu.memory_space<vmem>>)
      tpu.yield
    }) : () -> ()
    %iota3A = tpu.iota {dimensions = array<i32: 0>} : vector<16xi32>
    %lt3A = arith.constant 10 : i32
    %lt3A_5 = vector.broadcast %lt3A : i32 to vector<16xi32>
    %lt3A_6 = arith.cmpi slt, %iota3A, %lt3A_5 : vector<16xi32>
    %get3A = arith.constant 0 : index
    %get3A_7 = tpu.vector_load %arg5[%get3A] {strides = array<i32>} : memref<240xi32, #tpu.memory_space<vmem>>, vector<16xi32>,
    %get3A_8 = arith.constant 16 : index
    %get3A_9 = tpu.vector_load %arg5[%get3A_8] {strides = array<i32>} : memref<240xi32, #tpu.memory_space<vmem>>, vector<16xi32>,
    %get3A_10 = arith.constant 32 : index
    %get3A_11 = tpu.vector_load %arg5[%get3A_10] {strides = array<i32>} : memref<240xi32, #tpu.memory_space<vmem>>, vector<16xi32>,
    %get3A_12 = arith.constant 48 : index
    %get3A_13 = tpu.vector_load %arg5[%get3A_12] {strides = array<i32>} : memref<240xi32, #tpu.memory_space<vmem>>, vector<16xi32>,
    %get3A_14 = arith.constant 64 : index
    %get3A_15 = tpu.vector_load %arg5[%get3A_14] {strides = array<i32>} : memref<240xi32, #tpu.memory_space<vmem>>, vector<16xi32>,
    %get3A_16 = arith.constant 80 : index
    %get3A_17 = tpu.vector_load %arg5[%get3A_16] {strides = array<i32>} : memref<240xi32, #tpu.memory_space<vmem>>, vector<16xi32>,
    %get3A_18 = arith.constant 96 : index
    %get3A_19 = tpu.vector_load %arg5[%get3A_18] {strides = array<i32>} : memref<240xi32, #tpu.memory_space<vmem>>, vector<16xi32>,
    %get3A_20 = arith.constant 112 : index
    %get3A_21 = tpu.vector_load %arg5[%get3A_20] {strides = array<i32>} : memref<240xi32, #tpu.memory_space<vmem>>, vector<16xi32>,
    %get3A_22 = arith.constant 128 : index
    %get3A_23 = tpu.vector_load %arg5[%get3A_22] {strides = array<i32>} : memref<240xi32, #tpu.memory_space<vmem>>, vector<16xi32>,
    %get3A_24 = arith.constant 144 : index
    %get3A_25 = tpu.vector_load %arg5[%get3A_24] {strides = array<i32>} : memref<240xi32, #tpu.memory_space<vmem>>, vector<16xi32>,
    %get3A_26 = arith.constant 160 : index
    %get3A_27 = tpu.vector_load %arg5[%get3A_26] {strides = array<i32>} : memref<240xi32, #tpu.memory_space<vmem>>, vector<16xi32>,
    %get3A_28 = arith.constant 176 : index
    %get3A_29 = tpu.vector_load %arg5[%get3A_28] {strides = array<i32>} : memref<240xi32, #tpu.memory_space<vmem>>, vector<16xi32>,
    %get3A_30 = arith.constant 192 : index
    %get3A_31 = tpu.vector_load %arg5[%get3A_30] {strides = array<i32>} : memref<240xi32, #tpu.memory_space<vmem>>, vector<16xi32>,
    %get3A_32 = arith.constant 208 : index
    %get3A_33 = tpu.vector_load %arg5[%get3A_32] {strides = array<i32>} : memref<240xi32, #tpu.memory_space<vmem>>, vector<16xi32>,
    %get3A_34 = arith.constant 224 : index
    %get3A_35 = tpu.vector_load %arg5[%get3A_34] {strides = array<i32>} : memref<240xi32, #tpu.memory_space<vmem>>, vector<16xi32>,
    %parallel_loop3A = arith.constant 0 : i32
    %parallel_loop3A_36 = arith.constant 128 : i32
    %parallel_loop3A_37 = arith.constant 1 : i32
    scf.for %parallel_loop3A_77 = %parallel_loop3A to %parallel_loop3A_36 step %parallel_loop3A_37  : i32 {
      %parallel_loop3A_78 = arith.constant 0 : i32
      %parallel_loop3A_79 = arith.addi %parallel_loop3A_78, %parallel_loop3A_77 : i32
      %parallel_loop3A_80 = arith.constant 25 : i32
      %parallel_loop3A_81 = arith.muli %parallel_loop3A_79, %parallel_loop3A_80 : i32
      %parallel_loop3A_82 = arith.constant 234 : i32
      %parallel_loop3A_83 = arith.muli %parallel_loop3A_77, %parallel_loop3A_82 : i32
      %parallel_loop3A_84 = vector.broadcast %parallel_loop3A_81 : i32 to vector<16xi32>
      %parallel_loop3A_85 = arith.addi %get3A_7, %parallel_loop3A_84 : vector<16xi32>
      %parallel_loop3A_86 = tpu.vector_load_idx %arg6[%parallel_loop3A_85] : memref<12800xf32, #tpu.memory_space<vmem>>[vector<16xi32>], vector<16xf32>,
      %parallel_loop3A_87 = arith.constant 0 : i32
      %parallel_loop3A_88 = arith.addi %parallel_loop3A_83, %parallel_loop3A_87 : i32
      %parallel_loop3A_89 = vector.broadcast %parallel_loop3A_88 : i32 to vector<16xi32>
      %parallel_loop3A_90 = arith.addi %iota3A, %parallel_loop3A_89 : vector<16xi32>
      tpu.vector_store_idx %arg7[%parallel_loop3A_90], %parallel_loop3A_86 : memref<29952xf32, #tpu.memory_space<vmem>>[vector<16xi32>], vector<16xf32>,
      %parallel_loop3A_91 = vector.broadcast %parallel_loop3A_81 : i32 to vector<16xi32>
      %parallel_loop3A_92 = arith.addi %get3A_9, %parallel_loop3A_91 : vector<16xi32>
      %parallel_loop3A_93 = tpu.vector_load_idx %arg6[%parallel_loop3A_92] : memref<12800xf32, #tpu.memory_space<vmem>>[vector<16xi32>], vector<16xf32>,
      %parallel_loop3A_94 = arith.constant 16 : i32
      %parallel_loop3A_95 = arith.addi %parallel_loop3A_83, %parallel_loop3A_94 : i32
      %parallel_loop3A_96 = vector.broadcast %parallel_loop3A_95 : i32 to vector<16xi32>
      %parallel_loop3A_97 = arith.addi %iota3A, %parallel_loop3A_96 : vector<16xi32>
      tpu.vector_store_idx %arg7[%parallel_loop3A_97], %parallel_loop3A_93 : memref<29952xf32, #tpu.memory_space<vmem>>[vector<16xi32>], vector<16xf32>,
      %parallel_loop3A_98 = vector.broadcast %parallel_loop3A_81 : i32 to vector<16xi32>
      %parallel_loop3A_99 = arith.addi %get3A_11, %parallel_loop3A_98 : vector<16xi32>
      %parallel_loop3A_100 = tpu.vector_load_idx %arg6[%parallel_loop3A_99] : memref<12800xf32, #tpu.memory_space<vmem>>[vector<16xi32>], vector<16xf32>,
      %parallel_loop3A_101 = arith.constant 32 : i32
      %parallel_loop3A_102 = arith.addi %parallel_loop3A_83, %parallel_loop3A_101 : i32
      %parallel_loop3A_103 = vector.broadcast %parallel_loop3A_102 : i32 to vector<16xi32>
      %parallel_loop3A_104 = arith.addi %iota3A, %parallel_loop3A_103 : vector<16xi32>
      tpu.vector_store_idx %arg7[%parallel_loop3A_104], %parallel_loop3A_100 : memref<29952xf32, #tpu.memory_space<vmem>>[vector<16xi32>], vector<16xf32>,
      %parallel_loop3A_105 = vector.broadcast %parallel_loop3A_81 : i32 to vector<16xi32>
      %parallel_loop3A_106 = arith.addi %get3A_13, %parallel_loop3A_105 : vector<16xi32>
      %parallel_loop3A_107 = tpu.vector_load_idx %arg6[%parallel_loop3A_106] : memref<12800xf32, #tpu.memory_space<vmem>>[vector<16xi32>], vector<16xf32>,
      %parallel_loop3A_108 = arith.constant 48 : i32
      %parallel_loop3A_109 = arith.addi %parallel_loop3A_83, %parallel_loop3A_108 : i32
      %parallel_loop3A_110 = vector.broadcast %parallel_loop3A_109 : i32 to vector<16xi32>
      %parallel_loop3A_111 = arith.addi %iota3A, %parallel_loop3A_110 : vector<16xi32>
      tpu.vector_store_idx %arg7[%parallel_loop3A_111], %parallel_loop3A_107 : memref<29952xf32, #tpu.memory_space<vmem>>[vector<16xi32>], vector<16xf32>,
      %parallel_loop3A_112 = vector.broadcast %parallel_loop3A_81 : i32 to vector<16xi32>
      %parallel_loop3A_113 = arith.addi %get3A_15, %parallel_loop3A_112 : vector<16xi32>
      %parallel_loop3A_114 = tpu.vector_load_idx %arg6[%parallel_loop3A_113] : memref<12800xf32, #tpu.memory_space<vmem>>[vector<16xi32>], vector<16xf32>,
      %parallel_loop3A_115 = arith.constant 64 : i32
      %parallel_loop3A_116 = arith.addi %parallel_loop3A_83, %parallel_loop3A_115 : i32
      %parallel_loop3A_117 = vector.broadcast %parallel_loop3A_116 : i32 to vector<16xi32>
      %parallel_loop3A_118 = arith.addi %iota3A, %parallel_loop3A_117 : vector<16xi32>
      tpu.vector_store_idx %arg7[%parallel_loop3A_118], %parallel_loop3A_114 : memref<29952xf32, #tpu.memory_space<vmem>>[vector<16xi32>], vector<16xf32>,
      %parallel_loop3A_119 = vector.broadcast %parallel_loop3A_81 : i32 to vector<16xi32>
      %parallel_loop3A_120 = arith.addi %get3A_17, %parallel_loop3A_119 : vector<16xi32>
      %parallel_loop3A_121 = tpu.vector_load_idx %arg6[%parallel_loop3A_120] : memref<12800xf32, #tpu.memory_space<vmem>>[vector<16xi32>], vector<16xf32>,
      %parallel_loop3A_122 = arith.constant 80 : i32
      %parallel_loop3A_123 = arith.addi %parallel_loop3A_83, %parallel_loop3A_122 : i32
      %parallel_loop3A_124 = vector.broadcast %parallel_loop3A_123 : i32 to vector<16xi32>
      %parallel_loop3A_125 = arith.addi %iota3A, %parallel_loop3A_124 : vector<16xi32>
      tpu.vector_store_idx %arg7[%parallel_loop3A_125], %parallel_loop3A_121 : memref<29952xf32, #tpu.memory_space<vmem>>[vector<16xi32>], vector<16xf32>,
      %parallel_loop3A_126 = vector.broadcast %parallel_loop3A_81 : i32 to vector<16xi32>
      %parallel_loop3A_127 = arith.addi %get3A_19, %parallel_loop3A_126 : vector<16xi32>
      %parallel_loop3A_128 = tpu.vector_load_idx %arg6[%parallel_loop3A_127] : memref<12800xf32, #tpu.memory_space<vmem>>[vector<16xi32>], vector<16xf32>,
      %parallel_loop3A_129 = arith.constant 96 : i32
      %parallel_loop3A_130 = arith.addi %parallel_loop3A_83, %parallel_loop3A_129 : i32
      %parallel_loop3A_131 = vector.broadcast %parallel_loop3A_130 : i32 to vector<16xi32>
      %parallel_loop3A_132 = arith.addi %iota3A, %parallel_loop3A_131 : vector<16xi32>
      tpu.vector_store_idx %arg7[%parallel_loop3A_132], %parallel_loop3A_128 : memref<29952xf32, #tpu.memory_space<vmem>>[vector<16xi32>], vector<16xf32>,
      %parallel_loop3A_133 = vector.broadcast %parallel_loop3A_81 : i32 to vector<16xi32>
      %parallel_loop3A_134 = arith.addi %get3A_21, %parallel_loop3A_133 : vector<16xi32>
      %parallel_loop3A_135 = tpu.vector_load_idx %arg6[%parallel_loop3A_134] : memref<12800xf32, #tpu.memory_space<vmem>>[vector<16xi32>], vector<16xf32>,
      %parallel_loop3A_136 = arith.constant 112 : i32
      %parallel_loop3A_137 = arith.addi %parallel_loop3A_83, %parallel_loop3A_136 : i32
      %parallel_loop3A_138 = vector.broadcast %parallel_loop3A_137 : i32 to vector<16xi32>
      %parallel_loop3A_139 = arith.addi %iota3A, %parallel_loop3A_138 : vector<16xi32>
      tpu.vector_store_idx %arg7[%parallel_loop3A_139], %parallel_loop3A_135 : memref<29952xf32, #tpu.memory_space<vmem>>[vector<16xi32>], vector<16xf32>,
      %parallel_loop3A_140 = vector.broadcast %parallel_loop3A_81 : i32 to vector<16xi32>
      %parallel_loop3A_141 = arith.addi %get3A_23, %parallel_loop3A_140 : vector<16xi32>
      %parallel_loop3A_142 = tpu.vector_load_idx %arg6[%parallel_loop3A_141] : memref<12800xf32, #tpu.memory_space<vmem>>[vector<16xi32>], vector<16xf32>,
      %parallel_loop3A_143 = arith.constant 128 : i32
      %parallel_loop3A_144 = arith.addi %parallel_loop3A_83, %parallel_loop3A_143 : i32
      %parallel_loop3A_145 = vector.broadcast %parallel_loop3A_144 : i32 to vector<16xi32>
      %parallel_loop3A_146 = arith.addi %iota3A, %parallel_loop3A_145 : vector<16xi32>
      tpu.vector_store_idx %arg7[%parallel_loop3A_146], %parallel_loop3A_142 : memref<29952xf32, #tpu.memory_space<vmem>>[vector<16xi32>], vector<16xf32>,
      %parallel_loop3A_147 = vector.broadcast %parallel_loop3A_81 : i32 to vector<16xi32>
      %parallel_loop3A_148 = arith.addi %get3A_25, %parallel_loop3A_147 : vector<16xi32>
      %parallel_loop3A_149 = tpu.vector_load_idx %arg6[%parallel_loop3A_148] : memref<12800xf32, #tpu.memory_space<vmem>>[vector<16xi32>], vector<16xf32>,
      %parallel_loop3A_150 = arith.constant 144 : i32
      %parallel_loop3A_151 = arith.addi %parallel_loop3A_83, %parallel_loop3A_150 : i32
      %parallel_loop3A_152 = vector.broadcast %parallel_loop3A_151 : i32 to vector<16xi32>
      %parallel_loop3A_153 = arith.addi %iota3A, %parallel_loop3A_152 : vector<16xi32>
      tpu.vector_store_idx %arg7[%parallel_loop3A_153], %parallel_loop3A_149 : memref<29952xf32, #tpu.memory_space<vmem>>[vector<16xi32>], vector<16xf32>,
      %parallel_loop3A_154 = vector.broadcast %parallel_loop3A_81 : i32 to vector<16xi32>
      %parallel_loop3A_155 = arith.addi %get3A_27, %parallel_loop3A_154 : vector<16xi32>
      %parallel_loop3A_156 = tpu.vector_load_idx %arg6[%parallel_loop3A_155] : memref<12800xf32, #tpu.memory_space<vmem>>[vector<16xi32>], vector<16xf32>,
      %parallel_loop3A_157 = arith.constant 160 : i32
      %parallel_loop3A_158 = arith.addi %parallel_loop3A_83, %parallel_loop3A_157 : i32
      %parallel_loop3A_159 = vector.broadcast %parallel_loop3A_158 : i32 to vector<16xi32>
      %parallel_loop3A_160 = arith.addi %iota3A, %parallel_loop3A_159 : vector<16xi32>
      tpu.vector_store_idx %arg7[%parallel_loop3A_160], %parallel_loop3A_156 : memref<29952xf32, #tpu.memory_space<vmem>>[vector<16xi32>], vector<16xf32>,
      %parallel_loop3A_161 = vector.broadcast %parallel_loop3A_81 : i32 to vector<16xi32>
      %parallel_loop3A_162 = arith.addi %get3A_29, %parallel_loop3A_161 : vector<16xi32>
      %parallel_loop3A_163 = tpu.vector_load_idx %arg6[%parallel_loop3A_162] : memref<12800xf32, #tpu.memory_space<vmem>>[vector<16xi32>], vector<16xf32>,
      %parallel_loop3A_164 = arith.constant 176 : i32
      %parallel_loop3A_165 = arith.addi %parallel_loop3A_83, %parallel_loop3A_164 : i32
      %parallel_loop3A_166 = vector.broadcast %parallel_loop3A_165 : i32 to vector<16xi32>
      %parallel_loop3A_167 = arith.addi %iota3A, %parallel_loop3A_166 : vector<16xi32>
      tpu.vector_store_idx %arg7[%parallel_loop3A_167], %parallel_loop3A_163 : memref<29952xf32, #tpu.memory_space<vmem>>[vector<16xi32>], vector<16xf32>,
      %parallel_loop3A_168 = vector.broadcast %parallel_loop3A_81 : i32 to vector<16xi32>
      %parallel_loop3A_169 = arith.addi %get3A_31, %parallel_loop3A_168 : vector<16xi32>
      %parallel_loop3A_170 = tpu.vector_load_idx %arg6[%parallel_loop3A_169] : memref<12800xf32, #tpu.memory_space<vmem>>[vector<16xi32>], vector<16xf32>,
      %parallel_loop3A_171 = arith.constant 192 : i32
      %parallel_loop3A_172 = arith.addi %parallel_loop3A_83, %parallel_loop3A_171 : i32
      %parallel_loop3A_173 = vector.broadcast %parallel_loop3A_172 : i32 to vector<16xi32>
      %parallel_loop3A_174 = arith.addi %iota3A, %parallel_loop3A_173 : vector<16xi32>
      tpu.vector_store_idx %arg7[%parallel_loop3A_174], %parallel_loop3A_170 : memref<29952xf32, #tpu.memory_space<vmem>>[vector<16xi32>], vector<16xf32>,
      %parallel_loop3A_175 = vector.broadcast %parallel_loop3A_81 : i32 to vector<16xi32>
      %parallel_loop3A_176 = arith.addi %get3A_33, %parallel_loop3A_175 : vector<16xi32>
      %parallel_loop3A_177 = tpu.vector_load_idx %arg6[%parallel_loop3A_176] : memref<12800xf32, #tpu.memory_space<vmem>>[vector<16xi32>], vector<16xf32>,
      %parallel_loop3A_178 = arith.constant 208 : i32
      %parallel_loop3A_179 = arith.addi %parallel_loop3A_83, %parallel_loop3A_178 : i32
      %parallel_loop3A_180 = vector.broadcast %parallel_loop3A_179 : i32 to vector<16xi32>
      %parallel_loop3A_181 = arith.addi %iota3A, %parallel_loop3A_180 : vector<16xi32>
      tpu.vector_store_idx %arg7[%parallel_loop3A_181], %parallel_loop3A_177 : memref<29952xf32, #tpu.memory_space<vmem>>[vector<16xi32>], vector<16xf32>,
      %parallel_loop3A_182 = vector.broadcast %parallel_loop3A_81 : i32 to vector<16xi32>
      %parallel_loop3A_183 = arith.addi %get3A_35, %parallel_loop3A_182 : vector<16xi32>
      %parallel_loop3A_184 = tpu.vector_load_idx %arg6[%parallel_loop3A_183] : memref<12800xf32, #tpu.memory_space<vmem>>[vector<16xi32>], vector<16xf32>,
      %parallel_loop3A_185 = arith.constant 224 : i32
      %parallel_loop3A_186 = arith.addi %parallel_loop3A_83, %parallel_loop3A_185 : i32
      %parallel_loop3A_187 = vector.broadcast %parallel_loop3A_186 : i32 to vector<16xi32>
      %parallel_loop3A_188 = arith.addi %iota3A, %parallel_loop3A_187 : vector<16xi32>
      tpu.vector_store_idx %arg7[%parallel_loop3A_188], %parallel_loop3A_184 masked %lt3A_6 : memref<29952xf32, #tpu.memory_space<vmem>>[vector<16xi32>], vector<16xf32>, vector<16xi1>
    } {sc.loop_unroll_factor = 4 : i64, sc.parallel_access}
    %add3A_38 = arith.constant 0 : i32
    %add3A_39 = arith.addi %mul3A_2, %add3A_38 : i32
    %mul3A_40 = arith.constant 234 : i32
    %mul3A_41 = arith.muli %add3A_39, %mul3A_40 : i32
    %dma_start3A = tpu.memref_slice %arg4[%mul3A_41] : memref<3833856xf32, #tpu.memory_space<hbm>> -> memref<29952xf32, #tpu.memory_space<hbm>>
    %dma_start3A_42 = tpu.memref_slice %arg4[%mul3A_41] : memref<3833856xf32, #tpu.memory_space<hbm>> -> memref<29952xf32, #tpu.memory_space<hbm>>
    tpu.enqueue_dma source(%arg7 : memref<29952xf32, #tpu.memory_space<vmem>>) target(%dma_start3A_42 : memref<29952xf32, #tpu.memory_space<hbm>>) target_semaphore(%arg9 : memref<!tpu.dma_semaphore, #tpu.memory_space<semaphore_mem>>)
    %parallel_loop3A_43 = arith.constant 0 : i32
    %parallel_loop3A_44 = arith.constant 128 : i32
    %parallel_loop3A_45 = arith.constant 1 : i32
    scf.for %parallel_loop3A_77 = %parallel_loop3A_43 to %parallel_loop3A_44 step %parallel_loop3A_45  : i32 {
      %parallel_loop3A_78 = arith.constant 128 : i32
      %parallel_loop3A_79 = arith.addi %parallel_loop3A_78, %parallel_loop3A_77 : i32
      %parallel_loop3A_80 = arith.constant 25 : i32
      %parallel_loop3A_81 = arith.muli %parallel_loop3A_79, %parallel_loop3A_80 : i32
      %parallel_loop3A_82 = arith.constant 234 : i32
      %parallel_loop3A_83 = arith.muli %parallel_loop3A_77, %parallel_loop3A_82 : i32
      %parallel_loop3A_84 = vector.broadcast %parallel_loop3A_81 : i32 to vector<16xi32>
      %parallel_loop3A_85 = arith.addi %get3A_7, %parallel_loop3A_84 : vector<16xi32>
      %parallel_loop3A_86 = tpu.vector_load_idx %arg6[%parallel_loop3A_85] : memref<12800xf32, #tpu.memory_space<vmem>>[vector<16xi32>], vector<16xf32>,
      %parallel_loop3A_87 = arith.constant 0 : i32
      %parallel_loop3A_88 = arith.addi %parallel_loop3A_83, %parallel_loop3A_87 : i32
      %parallel_loop3A_89 = vector.broadcast %parallel_loop3A_88 : i32 to vector<16xi32>
      %parallel_loop3A_90 = arith.addi %iota3A, %parallel_loop3A_89 : vector<16xi32>
      tpu.vector_store_idx %arg8[%parallel_loop3A_90], %parallel_loop3A_86 : memref<29952xf32, #tpu.memory_space<vmem>>[vector<16xi32>], vector<16xf32>,
      %parallel_loop3A_91 = vector.broadcast %parallel_loop3A_81 : i32 to vector<16xi32>
      %parallel_loop3A_92 = arith.addi %get3A_9, %parallel_loop3A_91 : vector<16xi32>
      %parallel_loop3A_93 = tpu.vector_load_idx %arg6[%parallel_loop3A_92] : memref<12800xf32, #tpu.memory_space<vmem>>[vector<16xi32>], vector<16xf32>,
      %parallel_loop3A_94 = arith.constant 16 : i32
      %parallel_loop3A_95 = arith.addi %parallel_loop3A_83, %parallel_loop3A_94 : i32
      %parallel_loop3A_96 = vector.broadcast %parallel_loop3A_95 : i32 to vector<16xi32>
      %parallel_loop3A_97 = arith.addi %iota3A, %parallel_loop3A_96 : vector<16xi32>
      tpu.vector_store_idx %arg8[%parallel_loop3A_97], %parallel_loop3A_93 : memref<29952xf32, #tpu.memory_space<vmem>>[vector<16xi32>], vector<16xf32>,
      %parallel_loop3A_98 = vector.broadcast %parallel_loop3A_81 : i32 to vector<16xi32>
      %parallel_loop3A_99 = arith.addi %get3A_11, %parallel_loop3A_98 : vector<16xi32>
      %parallel_loop3A_100 = tpu.vector_load_idx %arg6[%parallel_loop3A_99] : memref<12800xf32, #tpu.memory_space<vmem>>[vector<16xi32>], vector<16xf32>,
      %parallel_loop3A_101 = arith.constant 32 : i32
      %parallel_loop3A_102 = arith.addi %parallel_loop3A_83, %parallel_loop3A_101 : i32
      %parallel_loop3A_103 = vector.broadcast %parallel_loop3A_102 : i32 to vector<16xi32>
      %parallel_loop3A_104 = arith.addi %iota3A, %parallel_loop3A_103 : vector<16xi32>
      tpu.vector_store_idx %arg8[%parallel_loop3A_104], %parallel_loop3A_100 : memref<29952xf32, #tpu.memory_space<vmem>>[vector<16xi32>], vector<16xf32>,
      %parallel_loop3A_105 = vector.broadcast %parallel_loop3A_81 : i32 to vector<16xi32>
      %parallel_loop3A_106 = arith.addi %get3A_13, %parallel_loop3A_105 : vector<16xi32>
      %parallel_loop3A_107 = tpu.vector_load_idx %arg6[%parallel_loop3A_106] : memref<12800xf32, #tpu.memory_space<vmem>>[vector<16xi32>], vector<16xf32>,
      %parallel_loop3A_108 = arith.constant 48 : i32
      %parallel_loop3A_109 = arith.addi %parallel_loop3A_83, %parallel_loop3A_108 : i32
      %parallel_loop3A_110 = vector.broadcast %parallel_loop3A_109 : i32 to vector<16xi32>
      %parallel_loop3A_111 = arith.addi %iota3A, %parallel_loop3A_110 : vector<16xi32>
      tpu.vector_store_idx %arg8[%parallel_loop3A_111], %parallel_loop3A_107 : memref<29952xf32, #tpu.memory_space<vmem>>[vector<16xi32>], vector<16xf32>,
      %parallel_loop3A_112 = vector.broadcast %parallel_loop3A_81 : i32 to vector<16xi32>
      %parallel_loop3A_113 = arith.addi %get3A_15, %parallel_loop3A_112 : vector<16xi32>
      %parallel_loop3A_114 = tpu.vector_load_idx %arg6[%parallel_loop3A_113] : memref<12800xf32, #tpu.memory_space<vmem>>[vector<16xi32>], vector<16xf32>,
      %parallel_loop3A_115 = arith.constant 64 : i32
      %parallel_loop3A_116 = arith.addi %parallel_loop3A_83, %parallel_loop3A_115 : i32
      %parallel_loop3A_117 = vector.broadcast %parallel_loop3A_116 : i32 to vector<16xi32>
      %parallel_loop3A_118 = arith.addi %iota3A, %parallel_loop3A_117 : vector<16xi32>
      tpu.vector_store_idx %arg8[%parallel_loop3A_118], %parallel_loop3A_114 : memref<29952xf32, #tpu.memory_space<vmem>>[vector<16xi32>], vector<16xf32>,
      %parallel_loop3A_119 = vector.broadcast %parallel_loop3A_81 : i32 to vector<16xi32>
      %parallel_loop3A_120 = arith.addi %get3A_17, %parallel_loop3A_119 : vector<16xi32>
      %parallel_loop3A_121 = tpu.vector_load_idx %arg6[%parallel_loop3A_120] : memref<12800xf32, #tpu.memory_space<vmem>>[vector<16xi32>], vector<16xf32>,
      %parallel_loop3A_122 = arith.constant 80 : i32
      %parallel_loop3A_123 = arith.addi %parallel_loop3A_83, %parallel_loop3A_122 : i32
      %parallel_loop3A_124 = vector.broadcast %parallel_loop3A_123 : i32 to vector<16xi32>
      %parallel_loop3A_125 = arith.addi %iota3A, %parallel_loop3A_124 : vector<16xi32>
      tpu.vector_store_idx %arg8[%parallel_loop3A_125], %parallel_loop3A_121 : memref<29952xf32, #tpu.memory_space<vmem>>[vector<16xi32>], vector<16xf32>,
      %parallel_loop3A_126 = vector.broadcast %parallel_loop3A_81 : i32 to vector<16xi32>
      %parallel_loop3A_127 = arith.addi %get3A_19, %parallel_loop3A_126 : vector<16xi32>
      %parallel_loop3A_128 = tpu.vector_load_idx %arg6[%parallel_loop3A_127] : memref<12800xf32, #tpu.memory_space<vmem>>[vector<16xi32>], vector<16xf32>,
      %parallel_loop3A_129 = arith.constant 96 : i32
      %parallel_loop3A_130 = arith.addi %parallel_loop3A_83, %parallel_loop3A_129 : i32
      %parallel_loop3A_131 = vector.broadcast %parallel_loop3A_130 : i32 to vector<16xi32>
      %parallel_loop3A_132 = arith.addi %iota3A, %parallel_loop3A_131 : vector<16xi32>
      tpu.vector_store_idx %arg8[%parallel_loop3A_132], %parallel_loop3A_128 : memref<29952xf32, #tpu.memory_space<vmem>>[vector<16xi32>], vector<16xf32>,
      %parallel_loop3A_133 = vector.broadcast %parallel_loop3A_81 : i32 to vector<16xi32>
      %parallel_loop3A_134 = arith.addi %get3A_21, %parallel_loop3A_133 : vector<16xi32>
      %parallel_loop3A_135 = tpu.vector_load_idx %arg6[%parallel_loop3A_134] : memref<12800xf32, #tpu.memory_space<vmem>>[vector<16xi32>], vector<16xf32>,
      %parallel_loop3A_136 = arith.constant 112 : i32
      %parallel_loop3A_137 = arith.addi %parallel_loop3A_83, %parallel_loop3A_136 : i32
      %parallel_loop3A_138 = vector.broadcast %parallel_loop3A_137 : i32 to vector<16xi32>
      %parallel_loop3A_139 = arith.addi %iota3A, %parallel_loop3A_138 : vector<16xi32>
      tpu.vector_store_idx %arg8[%parallel_loop3A_139], %parallel_loop3A_135 : memref<29952xf32, #tpu.memory_space<vmem>>[vector<16xi32>], vector<16xf32>,
      %parallel_loop3A_140 = vector.broadcast %parallel_loop3A_81 : i32 to vector<16xi32>
      %parallel_loop3A_141 = arith.addi %get3A_23, %parallel_loop3A_140 : vector<16xi32>
      %parallel_loop3A_142 = tpu.vector_load_idx %arg6[%parallel_loop3A_141] : memref<12800xf32, #tpu.memory_space<vmem>>[vector<16xi32>], vector<16xf32>,
      %parallel_loop3A_143 = arith.constant 128 : i32
      %parallel_loop3A_144 = arith.addi %parallel_loop3A_83, %parallel_loop3A_143 : i32
      %parallel_loop3A_145 = vector.broadcast %parallel_loop3A_144 : i32 to vector<16xi32>
      %parallel_loop3A_146 = arith.addi %iota3A, %parallel_loop3A_145 : vector<16xi32>
      tpu.vector_store_idx %arg8[%parallel_loop3A_146], %parallel_loop3A_142 : memref<29952xf32, #tpu.memory_space<vmem>>[vector<16xi32>], vector<16xf32>,
      %parallel_loop3A_147 = vector.broadcast %parallel_loop3A_81 : i32 to vector<16xi32>
      %parallel_loop3A_148 = arith.addi %get3A_25, %parallel_loop3A_147 : vector<16xi32>
      %parallel_loop3A_149 = tpu.vector_load_idx %arg6[%parallel_loop3A_148] : memref<12800xf32, #tpu.memory_space<vmem>>[vector<16xi32>], vector<16xf32>,
      %parallel_loop3A_150 = arith.constant 144 : i32
      %parallel_loop3A_151 = arith.addi %parallel_loop3A_83, %parallel_loop3A_150 : i32
      %parallel_loop3A_152 = vector.broadcast %parallel_loop3A_151 : i32 to vector<16xi32>
      %parallel_loop3A_153 = arith.addi %iota3A, %parallel_loop3A_152 : vector<16xi32>
      tpu.vector_store_idx %arg8[%parallel_loop3A_153], %parallel_loop3A_149 : memref<29952xf32, #tpu.memory_space<vmem>>[vector<16xi32>], vector<16xf32>,
      %parallel_loop3A_154 = vector.broadcast %parallel_loop3A_81 : i32 to vector<16xi32>
      %parallel_loop3A_155 = arith.addi %get3A_27, %parallel_loop3A_154 : vector<16xi32>
      %parallel_loop3A_156 = tpu.vector_load_idx %arg6[%parallel_loop3A_155] : memref<12800xf32, #tpu.memory_space<vmem>>[vector<16xi32>], vector<16xf32>,
      %parallel_loop3A_157 = arith.constant 160 : i32
      %parallel_loop3A_158 = arith.addi %parallel_loop3A_83, %parallel_loop3A_157 : i32
      %parallel_loop3A_159 = vector.broadcast %parallel_loop3A_158 : i32 to vector<16xi32>
      %parallel_loop3A_160 = arith.addi %iota3A, %parallel_loop3A_159 : vector<16xi32>
      tpu.vector_store_idx %arg8[%parallel_loop3A_160], %parallel_loop3A_156 : memref<29952xf32, #tpu.memory_space<vmem>>[vector<16xi32>], vector<16xf32>,
      %parallel_loop3A_161 = vector.broadcast %parallel_loop3A_81 : i32 to vector<16xi32>
      %parallel_loop3A_162 = arith.addi %get3A_29, %parallel_loop3A_161 : vector<16xi32>
      %parallel_loop3A_163 = tpu.vector_load_idx %arg6[%parallel_loop3A_162] : memref<12800xf32, #tpu.memory_space<vmem>>[vector<16xi32>], vector<16xf32>,
      %parallel_loop3A_164 = arith.constant 176 : i32
      %parallel_loop3A_165 = arith.addi %parallel_loop3A_83, %parallel_loop3A_164 : i32
      %parallel_loop3A_166 = vector.broadcast %parallel_loop3A_165 : i32 to vector<16xi32>
      %parallel_loop3A_167 = arith.addi %iota3A, %parallel_loop3A_166 : vector<16xi32>
      tpu.vector_store_idx %arg8[%parallel_loop3A_167], %parallel_loop3A_163 : memref<29952xf32, #tpu.memory_space<vmem>>[vector<16xi32>], vector<16xf32>,
      %parallel_loop3A_168 = vector.broadcast %parallel_loop3A_81 : i32 to vector<16xi32>
      %parallel_loop3A_169 = arith.addi %get3A_31, %parallel_loop3A_168 : vector<16xi32>
      %parallel_loop3A_170 = tpu.vector_load_idx %arg6[%parallel_loop3A_169] : memref<12800xf32, #tpu.memory_space<vmem>>[vector<16xi32>], vector<16xf32>,
      %parallel_loop3A_171 = arith.constant 192 : i32
      %parallel_loop3A_172 = arith.addi %parallel_loop3A_83, %parallel_loop3A_171 : i32
      %parallel_loop3A_173 = vector.broadcast %parallel_loop3A_172 : i32 to vector<16xi32>
      %parallel_loop3A_174 = arith.addi %iota3A, %parallel_loop3A_173 : vector<16xi32>
      tpu.vector_store_idx %arg8[%parallel_loop3A_174], %parallel_loop3A_170 : memref<29952xf32, #tpu.memory_space<vmem>>[vector<16xi32>], vector<16xf32>,
      %parallel_loop3A_175 = vector.broadcast %parallel_loop3A_81 : i32 to vector<16xi32>
      %parallel_loop3A_176 = arith.addi %get3A_33, %parallel_loop3A_175 : vector<16xi32>
      %parallel_loop3A_177 = tpu.vector_load_idx %arg6[%parallel_loop3A_176] : memref<12800xf32, #tpu.memory_space<vmem>>[vector<16xi32>], vector<16xf32>,
      %parallel_loop3A_178 = arith.constant 208 : i32
      %parallel_loop3A_179 = arith.addi %parallel_loop3A_83, %parallel_loop3A_178 : i32
      %parallel_loop3A_180 = vector.broadcast %parallel_loop3A_179 : i32 to vector<16xi32>
      %parallel_loop3A_181 = arith.addi %iota3A, %parallel_loop3A_180 : vector<16xi32>
      tpu.vector_store_idx %arg8[%parallel_loop3A_181], %parallel_loop3A_177 : memref<29952xf32, #tpu.memory_space<vmem>>[vector<16xi32>], vector<16xf32>,
      %parallel_loop3A_182 = vector.broadcast %parallel_loop3A_81 : i32 to vector<16xi32>
      %parallel_loop3A_183 = arith.addi %get3A_35, %parallel_loop3A_182 : vector<16xi32>
      %parallel_loop3A_184 = tpu.vector_load_idx %arg6[%parallel_loop3A_183] : memref<12800xf32, #tpu.memory_space<vmem>>[vector<16xi32>], vector<16xf32>,
      %parallel_loop3A_185 = arith.constant 224 : i32
      %parallel_loop3A_186 = arith.addi %parallel_loop3A_83, %parallel_loop3A_185 : i32
      %parallel_loop3A_187 = vector.broadcast %parallel_loop3A_186 : i32 to vector<16xi32>
      %parallel_loop3A_188 = arith.addi %iota3A, %parallel_loop3A_187 : vector<16xi32>
      tpu.vector_store_idx %arg8[%parallel_loop3A_188], %parallel_loop3A_184 masked %lt3A_6 : memref<29952xf32, #tpu.memory_space<vmem>>[vector<16xi32>], vector<16xf32>, vector<16xi1>
    } {sc.loop_unroll_factor = 4 : i64, sc.parallel_access}
    %add3A_46 = arith.constant 128 : i32
    %add3A_47 = arith.addi %mul3A_2, %add3A_46 : i32
    %mul3A_48 = arith.constant 234 : i32
    %mul3A_49 = arith.muli %add3A_47, %mul3A_48 : i32
    %dma_start3A_50 = tpu.memref_slice %arg4[%mul3A_49] : memref<3833856xf32, #tpu.memory_space<hbm>> -> memref<29952xf32, #tpu.memory_space<hbm>>
    %dma_start3A_51 = tpu.memref_slice %arg4[%mul3A_49] : memref<3833856xf32, #tpu.memory_space<hbm>> -> memref<29952xf32, #tpu.memory_space<hbm>>
    tpu.enqueue_dma source(%arg8 : memref<29952xf32, #tpu.memory_space<vmem>>) target(%dma_start3A_51 : memref<29952xf32, #tpu.memory_space<hbm>>) target_semaphore(%arg10 : memref<!tpu.dma_semaphore, #tpu.memory_space<semaphore_mem>>)
    %dma_wait3A = tpu.memref_slice %arg4[%mul3A_41] : memref<3833856xf32, #tpu.memory_space<hbm>> -> memref<29952xf32, #tpu.memory_space<hbm>>
    %dma_wait3A_52 = tpu.memref_slice %arg4[%mul3A_41] : memref<3833856xf32, #tpu.memory_space<hbm>> -> memref<29952xf32, #tpu.memory_space<hbm>>
    tpu.wait_dma2 semaphore(%arg9 : memref<!tpu.dma_semaphore, #tpu.memory_space<semaphore_mem>>) src(%arg7 : memref<29952xf32, #tpu.memory_space<vmem>>) dst(%dma_wait3A_52 : memref<29952xf32, #tpu.memory_space<hbm>>)
    %parallel_loop3A_53 = arith.constant 0 : i32
    %parallel_loop3A_54 = arith.constant 128 : i32
    %parallel_loop3A_55 = arith.constant 1 : i32
    scf.for %parallel_loop3A_77 = %parallel_loop3A_53 to %parallel_loop3A_54 step %parallel_loop3A_55  : i32 {
      %parallel_loop3A_78 = arith.constant 256 : i32
      %parallel_loop3A_79 = arith.addi %parallel_loop3A_78, %parallel_loop3A_77 : i32
      %parallel_loop3A_80 = arith.constant 25 : i32
      %parallel_loop3A_81 = arith.muli %parallel_loop3A_79, %parallel_loop3A_80 : i32
      %parallel_loop3A_82 = arith.constant 234 : i32
      %parallel_loop3A_83 = arith.muli %parallel_loop3A_77, %parallel_loop3A_82 : i32
      %parallel_loop3A_84 = vector.broadcast %parallel_loop3A_81 : i32 to vector<16xi32>
      %parallel_loop3A_85 = arith.addi %get3A_7, %parallel_loop3A_84 : vector<16xi32>
      %parallel_loop3A_86 = tpu.vector_load_idx %arg6[%parallel_loop3A_85] : memref<12800xf32, #tpu.memory_space<vmem>>[vector<16xi32>], vector<16xf32>,
      %parallel_loop3A_87 = arith.constant 0 : i32
      %parallel_loop3A_88 = arith.addi %parallel_loop3A_83, %parallel_loop3A_87 : i32
      %parallel_loop3A_89 = vector.broadcast %parallel_loop3A_88 : i32 to vector<16xi32>
      %parallel_loop3A_90 = arith.addi %iota3A, %parallel_loop3A_89 : vector<16xi32>
      tpu.vector_store_idx %arg7[%parallel_loop3A_90], %parallel_loop3A_86 : memref<29952xf32, #tpu.memory_space<vmem>>[vector<16xi32>], vector<16xf32>,
      %parallel_loop3A_91 = vector.broadcast %parallel_loop3A_81 : i32 to vector<16xi32>
      %parallel_loop3A_92 = arith.addi %get3A_9, %parallel_loop3A_91 : vector<16xi32>
      %parallel_loop3A_93 = tpu.vector_load_idx %arg6[%parallel_loop3A_92] : memref<12800xf32, #tpu.memory_space<vmem>>[vector<16xi32>], vector<16xf32>,
      %parallel_loop3A_94 = arith.constant 16 : i32
      %parallel_loop3A_95 = arith.addi %parallel_loop3A_83, %parallel_loop3A_94 : i32
      %parallel_loop3A_96 = vector.broadcast %parallel_loop3A_95 : i32 to vector<16xi32>
      %parallel_loop3A_97 = arith.addi %iota3A, %parallel_loop3A_96 : vector<16xi32>
      tpu.vector_store_idx %arg7[%parallel_loop3A_97], %parallel_loop3A_93 : memref<29952xf32, #tpu.memory_space<vmem>>[vector<16xi32>], vector<16xf32>,
      %parallel_loop3A_98 = vector.broadcast %parallel_loop3A_81 : i32 to vector<16xi32>
      %parallel_loop3A_99 = arith.addi %get3A_11, %parallel_loop3A_98 : vector<16xi32>
      %parallel_loop3A_100 = tpu.vector_load_idx %arg6[%parallel_loop3A_99] : memref<12800xf32, #tpu.memory_space<vmem>>[vector<16xi32>], vector<16xf32>,
      %parallel_loop3A_101 = arith.constant 32 : i32
      %parallel_loop3A_102 = arith.addi %parallel_loop3A_83, %parallel_loop3A_101 : i32
      %parallel_loop3A_103 = vector.broadcast %parallel_loop3A_102 : i32 to vector<16xi32>
      %parallel_loop3A_104 = arith.addi %iota3A, %parallel_loop3A_103 : vector<16xi32>
      tpu.vector_store_idx %arg7[%parallel_loop3A_104], %parallel_loop3A_100 : memref<29952xf32, #tpu.memory_space<vmem>>[vector<16xi32>], vector<16xf32>,
      %parallel_loop3A_105 = vector.broadcast %parallel_loop3A_81 : i32 to vector<16xi32>
      %parallel_loop3A_106 = arith.addi %get3A_13, %parallel_loop3A_105 : vector<16xi32>
      %parallel_loop3A_107 = tpu.vector_load_idx %arg6[%parallel_loop3A_106] : memref<12800xf32, #tpu.memory_space<vmem>>[vector<16xi32>], vector<16xf32>,
      %parallel_loop3A_108 = arith.constant 48 : i32
      %parallel_loop3A_109 = arith.addi %parallel_loop3A_83, %parallel_loop3A_108 : i32
      %parallel_loop3A_110 = vector.broadcast %parallel_loop3A_109 : i32 to vector<16xi32>
      %parallel_loop3A_111 = arith.addi %iota3A, %parallel_loop3A_110 : vector<16xi32>
      tpu.vector_store_idx %arg7[%parallel_loop3A_111], %parallel_loop3A_107 : memref<29952xf32, #tpu.memory_space<vmem>>[vector<16xi32>], vector<16xf32>,
      %parallel_loop3A_112 = vector.broadcast %parallel_loop3A_81 : i32 to vector<16xi32>
      %parallel_loop3A_113 = arith.addi %get3A_15, %parallel_loop3A_112 : vector<16xi32>
      %parallel_loop3A_114 = tpu.vector_load_idx %arg6[%parallel_loop3A_113] : memref<12800xf32, #tpu.memory_space<vmem>>[vector<16xi32>], vector<16xf32>,
      %parallel_loop3A_115 = arith.constant 64 : i32
      %parallel_loop3A_116 = arith.addi %parallel_loop3A_83, %parallel_loop3A_115 : i32
      %parallel_loop3A_117 = vector.broadcast %parallel_loop3A_116 : i32 to vector<16xi32>
      %parallel_loop3A_118 = arith.addi %iota3A, %parallel_loop3A_117 : vector<16xi32>
      tpu.vector_store_idx %arg7[%parallel_loop3A_118], %parallel_loop3A_114 : memref<29952xf32, #tpu.memory_space<vmem>>[vector<16xi32>], vector<16xf32>,
      %parallel_loop3A_119 = vector.broadcast %parallel_loop3A_81 : i32 to vector<16xi32>
      %parallel_loop3A_120 = arith.addi %get3A_17, %parallel_loop3A_119 : vector<16xi32>
      %parallel_loop3A_121 = tpu.vector_load_idx %arg6[%parallel_loop3A_120] : memref<12800xf32, #tpu.memory_space<vmem>>[vector<16xi32>], vector<16xf32>,
      %parallel_loop3A_122 = arith.constant 80 : i32
      %parallel_loop3A_123 = arith.addi %parallel_loop3A_83, %parallel_loop3A_122 : i32
      %parallel_loop3A_124 = vector.broadcast %parallel_loop3A_123 : i32 to vector<16xi32>
      %parallel_loop3A_125 = arith.addi %iota3A, %parallel_loop3A_124 : vector<16xi32>
      tpu.vector_store_idx %arg7[%parallel_loop3A_125], %parallel_loop3A_121 : memref<29952xf32, #tpu.memory_space<vmem>>[vector<16xi32>], vector<16xf32>,
      %parallel_loop3A_126 = vector.broadcast %parallel_loop3A_81 : i32 to vector<16xi32>
      %parallel_loop3A_127 = arith.addi %get3A_19, %parallel_loop3A_126 : vector<16xi32>
      %parallel_loop3A_128 = tpu.vector_load_idx %arg6[%parallel_loop3A_127] : memref<12800xf32, #tpu.memory_space<vmem>>[vector<16xi32>], vector<16xf32>,
      %parallel_loop3A_129 = arith.constant 96 : i32
      %parallel_loop3A_130 = arith.addi %parallel_loop3A_83, %parallel_loop3A_129 : i32
      %parallel_loop3A_131 = vector.broadcast %parallel_loop3A_130 : i32 to vector<16xi32>
      %parallel_loop3A_132 = arith.addi %iota3A, %parallel_loop3A_131 : vector<16xi32>
      tpu.vector_store_idx %arg7[%parallel_loop3A_132], %parallel_loop3A_128 : memref<29952xf32, #tpu.memory_space<vmem>>[vector<16xi32>], vector<16xf32>,
      %parallel_loop3A_133 = vector.broadcast %parallel_loop3A_81 : i32 to vector<16xi32>
      %parallel_loop3A_134 = arith.addi %get3A_21, %parallel_loop3A_133 : vector<16xi32>
      %parallel_loop3A_135 = tpu.vector_load_idx %arg6[%parallel_loop3A_134] : memref<12800xf32, #tpu.memory_space<vmem>>[vector<16xi32>], vector<16xf32>,
      %parallel_loop3A_136 = arith.constant 112 : i32
      %parallel_loop3A_137 = arith.addi %parallel_loop3A_83, %parallel_loop3A_136 : i32
      %parallel_loop3A_138 = vector.broadcast %parallel_loop3A_137 : i32 to vector<16xi32>
      %parallel_loop3A_139 = arith.addi %iota3A, %parallel_loop3A_138 : vector<16xi32>
      tpu.vector_store_idx %arg7[%parallel_loop3A_139], %parallel_loop3A_135 : memref<29952xf32, #tpu.memory_space<vmem>>[vector<16xi32>], vector<16xf32>,
      %parallel_loop3A_140 = vector.broadcast %parallel_loop3A_81 : i32 to vector<16xi32>
      %parallel_loop3A_141 = arith.addi %get3A_23, %parallel_loop3A_140 : vector<16xi32>
      %parallel_loop3A_142 = tpu.vector_load_idx %arg6[%parallel_loop3A_141] : memref<12800xf32, #tpu.memory_space<vmem>>[vector<16xi32>], vector<16xf32>,
      %parallel_loop3A_143 = arith.constant 128 : i32
      %parallel_loop3A_144 = arith.addi %parallel_loop3A_83, %parallel_loop3A_143 : i32
      %parallel_loop3A_145 = vector.broadcast %parallel_loop3A_144 : i32 to vector<16xi32>
      %parallel_loop3A_146 = arith.addi %iota3A, %parallel_loop3A_145 : vector<16xi32>
      tpu.vector_store_idx %arg7[%parallel_loop3A_146], %parallel_loop3A_142 : memref<29952xf32, #tpu.memory_space<vmem>>[vector<16xi32>], vector<16xf32>,
      %parallel_loop3A_147 = vector.broadcast %parallel_loop3A_81 : i32 to vector<16xi32>
      %parallel_loop3A_148 = arith.addi %get3A_25, %parallel_loop3A_147 : vector<16xi32>
      %parallel_loop3A_149 = tpu.vector_load_idx %arg6[%parallel_loop3A_148] : memref<12800xf32, #tpu.memory_space<vmem>>[vector<16xi32>], vector<16xf32>,
      %parallel_loop3A_150 = arith.constant 144 : i32
      %parallel_loop3A_151 = arith.addi %parallel_loop3A_83, %parallel_loop3A_150 : i32
      %parallel_loop3A_152 = vector.broadcast %parallel_loop3A_151 : i32 to vector<16xi32>
      %parallel_loop3A_153 = arith.addi %iota3A, %parallel_loop3A_152 : vector<16xi32>
      tpu.vector_store_idx %arg7[%parallel_loop3A_153], %parallel_loop3A_149 : memref<29952xf32, #tpu.memory_space<vmem>>[vector<16xi32>], vector<16xf32>,
      %parallel_loop3A_154 = vector.broadcast %parallel_loop3A_81 : i32 to vector<16xi32>
      %parallel_loop3A_155 = arith.addi %get3A_27, %parallel_loop3A_154 : vector<16xi32>
      %parallel_loop3A_156 = tpu.vector_load_idx %arg6[%parallel_loop3A_155] : memref<12800xf32, #tpu.memory_space<vmem>>[vector<16xi32>], vector<16xf32>,
      %parallel_loop3A_157 = arith.constant 160 : i32
      %parallel_loop3A_158 = arith.addi %parallel_loop3A_83, %parallel_loop3A_157 : i32
      %parallel_loop3A_159 = vector.broadcast %parallel_loop3A_158 : i32 to vector<16xi32>
      %parallel_loop3A_160 = arith.addi %iota3A, %parallel_loop3A_159 : vector<16xi32>
      tpu.vector_store_idx %arg7[%parallel_loop3A_160], %parallel_loop3A_156 : memref<29952xf32, #tpu.memory_space<vmem>>[vector<16xi32>], vector<16xf32>,
      %parallel_loop3A_161 = vector.broadcast %parallel_loop3A_81 : i32 to vector<16xi32>
      %parallel_loop3A_162 = arith.addi %get3A_29, %parallel_loop3A_161 : vector<16xi32>
      %parallel_loop3A_163 = tpu.vector_load_idx %arg6[%parallel_loop3A_162] : memref<12800xf32, #tpu.memory_space<vmem>>[vector<16xi32>], vector<16xf32>,
      %parallel_loop3A_164 = arith.constant 176 : i32
      %parallel_loop3A_165 = arith.addi %parallel_loop3A_83, %parallel_loop3A_164 : i32
      %parallel_loop3A_166 = vector.broadcast %parallel_loop3A_165 : i32 to vector<16xi32>
      %parallel_loop3A_167 = arith.addi %iota3A, %parallel_loop3A_166 : vector<16xi32>
      tpu.vector_store_idx %arg7[%parallel_loop3A_167], %parallel_loop3A_163 : memref<29952xf32, #tpu.memory_space<vmem>>[vector<16xi32>], vector<16xf32>,
      %parallel_loop3A_168 = vector.broadcast %parallel_loop3A_81 : i32 to vector<16xi32>
      %parallel_loop3A_169 = arith.addi %get3A_31, %parallel_loop3A_168 : vector<16xi32>
      %parallel_loop3A_170 = tpu.vector_load_idx %arg6[%parallel_loop3A_169] : memref<12800xf32, #tpu.memory_space<vmem>>[vector<16xi32>], vector<16xf32>,
      %parallel_loop3A_171 = arith.constant 192 : i32
      %parallel_loop3A_172 = arith.addi %parallel_loop3A_83, %parallel_loop3A_171 : i32
      %parallel_loop3A_173 = vector.broadcast %parallel_loop3A_172 : i32 to vector<16xi32>
      %parallel_loop3A_174 = arith.addi %iota3A, %parallel_loop3A_173 : vector<16xi32>
      tpu.vector_store_idx %arg7[%parallel_loop3A_174], %parallel_loop3A_170 : memref<29952xf32, #tpu.memory_space<vmem>>[vector<16xi32>], vector<16xf32>,
      %parallel_loop3A_175 = vector.broadcast %parallel_loop3A_81 : i32 to vector<16xi32>
      %parallel_loop3A_176 = arith.addi %get3A_33, %parallel_loop3A_175 : vector<16xi32>
      %parallel_loop3A_177 = tpu.vector_load_idx %arg6[%parallel_loop3A_176] : memref<12800xf32, #tpu.memory_space<vmem>>[vector<16xi32>], vector<16xf32>,
      %parallel_loop3A_178 = arith.constant 208 : i32
      %parallel_loop3A_179 = arith.addi %parallel_loop3A_83, %parallel_loop3A_178 : i32
      %parallel_loop3A_180 = vector.broadcast %parallel_loop3A_179 : i32 to vector<16xi32>
      %parallel_loop3A_181 = arith.addi %iota3A, %parallel_loop3A_180 : vector<16xi32>
      tpu.vector_store_idx %arg7[%parallel_loop3A_181], %parallel_loop3A_177 : memref<29952xf32, #tpu.memory_space<vmem>>[vector<16xi32>], vector<16xf32>,
      %parallel_loop3A_182 = vector.broadcast %parallel_loop3A_81 : i32 to vector<16xi32>
      %parallel_loop3A_183 = arith.addi %get3A_35, %parallel_loop3A_182 : vector<16xi32>
      %parallel_loop3A_184 = tpu.vector_load_idx %arg6[%parallel_loop3A_183] : memref<12800xf32, #tpu.memory_space<vmem>>[vector<16xi32>], vector<16xf32>,
      %parallel_loop3A_185 = arith.constant 224 : i32
      %parallel_loop3A_186 = arith.addi %parallel_loop3A_83, %parallel_loop3A_185 : i32
      %parallel_loop3A_187 = vector.broadcast %parallel_loop3A_186 : i32 to vector<16xi32>
      %parallel_loop3A_188 = arith.addi %iota3A, %parallel_loop3A_187 : vector<16xi32>
      tpu.vector_store_idx %arg7[%parallel_loop3A_188], %parallel_loop3A_184 masked %lt3A_6 : memref<29952xf32, #tpu.memory_space<vmem>>[vector<16xi32>], vector<16xf32>, vector<16xi1>
    } {sc.loop_unroll_factor = 4 : i64, sc.parallel_access}
    %add3A_56 = arith.constant 256 : i32
    %add3A_57 = arith.addi %mul3A_2, %add3A_56 : i32
    %mul3A_58 = arith.constant 234 : i32
    %mul3A_59 = arith.muli %add3A_57, %mul3A_58 : i32
    %dma_start3A_60 = tpu.memref_slice %arg4[%mul3A_59] : memref<3833856xf32, #tpu.memory_space<hbm>> -> memref<29952xf32, #tpu.memory_space<hbm>>
    %dma_start3A_61 = tpu.memref_slice %arg4[%mul3A_59] : memref<3833856xf32, #tpu.memory_space<hbm>> -> memref<29952xf32, #tpu.memory_space<hbm>>
    tpu.enqueue_dma source(%arg7 : memref<29952xf32, #tpu.memory_space<vmem>>) target(%dma_start3A_61 : memref<29952xf32, #tpu.memory_space<hbm>>) target_semaphore(%arg9 : memref<!tpu.dma_semaphore, #tpu.memory_space<semaphore_mem>>)
    %dma_wait3A_62 = tpu.memref_slice %arg4[%mul3A_49] : memref<3833856xf32, #tpu.memory_space<hbm>> -> memref<29952xf32, #tpu.memory_space<hbm>>
    %dma_wait3A_63 = tpu.memref_slice %arg4[%mul3A_49] : memref<3833856xf32, #tpu.memory_space<hbm>> -> memref<29952xf32, #tpu.memory_space<hbm>>
    tpu.wait_dma2 semaphore(%arg10 : memref<!tpu.dma_semaphore, #tpu.memory_space<semaphore_mem>>) src(%arg8 : memref<29952xf32, #tpu.memory_space<vmem>>) dst(%dma_wait3A_63 : memref<29952xf32, #tpu.memory_space<hbm>>)
    %parallel_loop3A_64 = arith.constant 0 : i32
    %parallel_loop3A_65 = arith.constant 128 : i32
    %parallel_loop3A_66 = arith.constant 1 : i32
    scf.for %parallel_loop3A_77 = %parallel_loop3A_64 to %parallel_loop3A_65 step %parallel_loop3A_66  : i32 {
      %parallel_loop3A_78 = arith.constant 384 : i32
      %parallel_loop3A_79 = arith.addi %parallel_loop3A_78, %parallel_loop3A_77 : i32
      %parallel_loop3A_80 = arith.constant 25 : i32
      %parallel_loop3A_81 = arith.muli %parallel_loop3A_79, %parallel_loop3A_80 : i32
      %parallel_loop3A_82 = arith.constant 234 : i32
      %parallel_loop3A_83 = arith.muli %parallel_loop3A_77, %parallel_loop3A_82 : i32
      %parallel_loop3A_84 = vector.broadcast %parallel_loop3A_81 : i32 to vector<16xi32>
      %parallel_loop3A_85 = arith.addi %get3A_7, %parallel_loop3A_84 : vector<16xi32>
      %parallel_loop3A_86 = tpu.vector_load_idx %arg6[%parallel_loop3A_85] : memref<12800xf32, #tpu.memory_space<vmem>>[vector<16xi32>], vector<16xf32>,
      %parallel_loop3A_87 = arith.constant 0 : i32
      %parallel_loop3A_88 = arith.addi %parallel_loop3A_83, %parallel_loop3A_87 : i32
      %parallel_loop3A_89 = vector.broadcast %parallel_loop3A_88 : i32 to vector<16xi32>
      %parallel_loop3A_90 = arith.addi %iota3A, %parallel_loop3A_89 : vector<16xi32>
      tpu.vector_store_idx %arg8[%parallel_loop3A_90], %parallel_loop3A_86 : memref<29952xf32, #tpu.memory_space<vmem>>[vector<16xi32>], vector<16xf32>,
      %parallel_loop3A_91 = vector.broadcast %parallel_loop3A_81 : i32 to vector<16xi32>
      %parallel_loop3A_92 = arith.addi %get3A_9, %parallel_loop3A_91 : vector<16xi32>
      %parallel_loop3A_93 = tpu.vector_load_idx %arg6[%parallel_loop3A_92] : memref<12800xf32, #tpu.memory_space<vmem>>[vector<16xi32>], vector<16xf32>,
      %parallel_loop3A_94 = arith.constant 16 : i32
      %parallel_loop3A_95 = arith.addi %parallel_loop3A_83, %parallel_loop3A_94 : i32
      %parallel_loop3A_96 = vector.broadcast %parallel_loop3A_95 : i32 to vector<16xi32>
      %parallel_loop3A_97 = arith.addi %iota3A, %parallel_loop3A_96 : vector<16xi32>
      tpu.vector_store_idx %arg8[%parallel_loop3A_97], %parallel_loop3A_93 : memref<29952xf32, #tpu.memory_space<vmem>>[vector<16xi32>], vector<16xf32>,
      %parallel_loop3A_98 = vector.broadcast %parallel_loop3A_81 : i32 to vector<16xi32>
      %parallel_loop3A_99 = arith.addi %get3A_11, %parallel_loop3A_98 : vector<16xi32>
      %parallel_loop3A_100 = tpu.vector_load_idx %arg6[%parallel_loop3A_99] : memref<12800xf32, #tpu.memory_space<vmem>>[vector<16xi32>], vector<16xf32>,
      %parallel_loop3A_101 = arith.constant 32 : i32
      %parallel_loop3A_102 = arith.addi %parallel_loop3A_83, %parallel_loop3A_101 : i32
      %parallel_loop3A_103 = vector.broadcast %parallel_loop3A_102 : i32 to vector<16xi32>
      %parallel_loop3A_104 = arith.addi %iota3A, %parallel_loop3A_103 : vector<16xi32>
      tpu.vector_store_idx %arg8[%parallel_loop3A_104], %parallel_loop3A_100 : memref<29952xf32, #tpu.memory_space<vmem>>[vector<16xi32>], vector<16xf32>,
      %parallel_loop3A_105 = vector.broadcast %parallel_loop3A_81 : i32 to vector<16xi32>
      %parallel_loop3A_106 = arith.addi %get3A_13, %parallel_loop3A_105 : vector<16xi32>
      %parallel_loop3A_107 = tpu.vector_load_idx %arg6[%parallel_loop3A_106] : memref<12800xf32, #tpu.memory_space<vmem>>[vector<16xi32>], vector<16xf32>,
      %parallel_loop3A_108 = arith.constant 48 : i32
      %parallel_loop3A_109 = arith.addi %parallel_loop3A_83, %parallel_loop3A_108 : i32
      %parallel_loop3A_110 = vector.broadcast %parallel_loop3A_109 : i32 to vector<16xi32>
      %parallel_loop3A_111 = arith.addi %iota3A, %parallel_loop3A_110 : vector<16xi32>
      tpu.vector_store_idx %arg8[%parallel_loop3A_111], %parallel_loop3A_107 : memref<29952xf32, #tpu.memory_space<vmem>>[vector<16xi32>], vector<16xf32>,
      %parallel_loop3A_112 = vector.broadcast %parallel_loop3A_81 : i32 to vector<16xi32>
      %parallel_loop3A_113 = arith.addi %get3A_15, %parallel_loop3A_112 : vector<16xi32>
      %parallel_loop3A_114 = tpu.vector_load_idx %arg6[%parallel_loop3A_113] : memref<12800xf32, #tpu.memory_space<vmem>>[vector<16xi32>], vector<16xf32>,
      %parallel_loop3A_115 = arith.constant 64 : i32
      %parallel_loop3A_116 = arith.addi %parallel_loop3A_83, %parallel_loop3A_115 : i32
      %parallel_loop3A_117 = vector.broadcast %parallel_loop3A_116 : i32 to vector<16xi32>
      %parallel_loop3A_118 = arith.addi %iota3A, %parallel_loop3A_117 : vector<16xi32>
      tpu.vector_store_idx %arg8[%parallel_loop3A_118], %parallel_loop3A_114 : memref<29952xf32, #tpu.memory_space<vmem>>[vector<16xi32>], vector<16xf32>,
      %parallel_loop3A_119 = vector.broadcast %parallel_loop3A_81 : i32 to vector<16xi32>
      %parallel_loop3A_120 = arith.addi %get3A_17, %parallel_loop3A_119 : vector<16xi32>
      %parallel_loop3A_121 = tpu.vector_load_idx %arg6[%parallel_loop3A_120] : memref<12800xf32, #tpu.memory_space<vmem>>[vector<16xi32>], vector<16xf32>,
      %parallel_loop3A_122 = arith.constant 80 : i32
      %parallel_loop3A_123 = arith.addi %parallel_loop3A_83, %parallel_loop3A_122 : i32
      %parallel_loop3A_124 = vector.broadcast %parallel_loop3A_123 : i32 to vector<16xi32>
      %parallel_loop3A_125 = arith.addi %iota3A, %parallel_loop3A_124 : vector<16xi32>
      tpu.vector_store_idx %arg8[%parallel_loop3A_125], %parallel_loop3A_121 : memref<29952xf32, #tpu.memory_space<vmem>>[vector<16xi32>], vector<16xf32>,
      %parallel_loop3A_126 = vector.broadcast %parallel_loop3A_81 : i32 to vector<16xi32>
      %parallel_loop3A_127 = arith.addi %get3A_19, %parallel_loop3A_126 : vector<16xi32>
      %parallel_loop3A_128 = tpu.vector_load_idx %arg6[%parallel_loop3A_127] : memref<12800xf32, #tpu.memory_space<vmem>>[vector<16xi32>], vector<16xf32>,
      %parallel_loop3A_129 = arith.constant 96 : i32
      %parallel_loop3A_130 = arith.addi %parallel_loop3A_83, %parallel_loop3A_129 : i32
      %parallel_loop3A_131 = vector.broadcast %parallel_loop3A_130 : i32 to vector<16xi32>
      %parallel_loop3A_132 = arith.addi %iota3A, %parallel_loop3A_131 : vector<16xi32>
      tpu.vector_store_idx %arg8[%parallel_loop3A_132], %parallel_loop3A_128 : memref<29952xf32, #tpu.memory_space<vmem>>[vector<16xi32>], vector<16xf32>,
      %parallel_loop3A_133 = vector.broadcast %parallel_loop3A_81 : i32 to vector<16xi32>
      %parallel_loop3A_134 = arith.addi %get3A_21, %parallel_loop3A_133 : vector<16xi32>
      %parallel_loop3A_135 = tpu.vector_load_idx %arg6[%parallel_loop3A_134] : memref<12800xf32, #tpu.memory_space<vmem>>[vector<16xi32>], vector<16xf32>,
      %parallel_loop3A_136 = arith.constant 112 : i32
      %parallel_loop3A_137 = arith.addi %parallel_loop3A_83, %parallel_loop3A_136 : i32
      %parallel_loop3A_138 = vector.broadcast %parallel_loop3A_137 : i32 to vector<16xi32>
      %parallel_loop3A_139 = arith.addi %iota3A, %parallel_loop3A_138 : vector<16xi32>
      tpu.vector_store_idx %arg8[%parallel_loop3A_139], %parallel_loop3A_135 : memref<29952xf32, #tpu.memory_space<vmem>>[vector<16xi32>], vector<16xf32>,
      %parallel_loop3A_140 = vector.broadcast %parallel_loop3A_81 : i32 to vector<16xi32>
      %parallel_loop3A_141 = arith.addi %get3A_23, %parallel_loop3A_140 : vector<16xi32>
      %parallel_loop3A_142 = tpu.vector_load_idx %arg6[%parallel_loop3A_141] : memref<12800xf32, #tpu.memory_space<vmem>>[vector<16xi32>], vector<16xf32>,
      %parallel_loop3A_143 = arith.constant 128 : i32
      %parallel_loop3A_144 = arith.addi %parallel_loop3A_83, %parallel_loop3A_143 : i32
      %parallel_loop3A_145 = vector.broadcast %parallel_loop3A_144 : i32 to vector<16xi32>
      %parallel_loop3A_146 = arith.addi %iota3A, %parallel_loop3A_145 : vector<16xi32>
      tpu.vector_store_idx %arg8[%parallel_loop3A_146], %parallel_loop3A_142 : memref<29952xf32, #tpu.memory_space<vmem>>[vector<16xi32>], vector<16xf32>,
      %parallel_loop3A_147 = vector.broadcast %parallel_loop3A_81 : i32 to vector<16xi32>
      %parallel_loop3A_148 = arith.addi %get3A_25, %parallel_loop3A_147 : vector<16xi32>
      %parallel_loop3A_149 = tpu.vector_load_idx %arg6[%parallel_loop3A_148] : memref<12800xf32, #tpu.memory_space<vmem>>[vector<16xi32>], vector<16xf32>,
      %parallel_loop3A_150 = arith.constant 144 : i32
      %parallel_loop3A_151 = arith.addi %parallel_loop3A_83, %parallel_loop3A_150 : i32
      %parallel_loop3A_152 = vector.broadcast %parallel_loop3A_151 : i32 to vector<16xi32>
      %parallel_loop3A_153 = arith.addi %iota3A, %parallel_loop3A_152 : vector<16xi32>
      tpu.vector_store_idx %arg8[%parallel_loop3A_153], %parallel_loop3A_149 : memref<29952xf32, #tpu.memory_space<vmem>>[vector<16xi32>], vector<16xf32>,
      %parallel_loop3A_154 = vector.broadcast %parallel_loop3A_81 : i32 to vector<16xi32>
      %parallel_loop3A_155 = arith.addi %get3A_27, %parallel_loop3A_154 : vector<16xi32>
      %parallel_loop3A_156 = tpu.vector_load_idx %arg6[%parallel_loop3A_155] : memref<12800xf32, #tpu.memory_space<vmem>>[vector<16xi32>], vector<16xf32>,
      %parallel_loop3A_157 = arith.constant 160 : i32
      %parallel_loop3A_158 = arith.addi %parallel_loop3A_83, %parallel_loop3A_157 : i32
      %parallel_loop3A_159 = vector.broadcast %parallel_loop3A_158 : i32 to vector<16xi32>
      %parallel_loop3A_160 = arith.addi %iota3A, %parallel_loop3A_159 : vector<16xi32>
      tpu.vector_store_idx %arg8[%parallel_loop3A_160], %parallel_loop3A_156 : memref<29952xf32, #tpu.memory_space<vmem>>[vector<16xi32>], vector<16xf32>,
      %parallel_loop3A_161 = vector.broadcast %parallel_loop3A_81 : i32 to vector<16xi32>
      %parallel_loop3A_162 = arith.addi %get3A_29, %parallel_loop3A_161 : vector<16xi32>
      %parallel_loop3A_163 = tpu.vector_load_idx %arg6[%parallel_loop3A_162] : memref<12800xf32, #tpu.memory_space<vmem>>[vector<16xi32>], vector<16xf32>,
      %parallel_loop3A_164 = arith.constant 176 : i32
      %parallel_loop3A_165 = arith.addi %parallel_loop3A_83, %parallel_loop3A_164 : i32
      %parallel_loop3A_166 = vector.broadcast %parallel_loop3A_165 : i32 to vector<16xi32>
      %parallel_loop3A_167 = arith.addi %iota3A, %parallel_loop3A_166 : vector<16xi32>
      tpu.vector_store_idx %arg8[%parallel_loop3A_167], %parallel_loop3A_163 : memref<29952xf32, #tpu.memory_space<vmem>>[vector<16xi32>], vector<16xf32>,
      %parallel_loop3A_168 = vector.broadcast %parallel_loop3A_81 : i32 to vector<16xi32>
      %parallel_loop3A_169 = arith.addi %get3A_31, %parallel_loop3A_168 : vector<16xi32>
      %parallel_loop3A_170 = tpu.vector_load_idx %arg6[%parallel_loop3A_169] : memref<12800xf32, #tpu.memory_space<vmem>>[vector<16xi32>], vector<16xf32>,
      %parallel_loop3A_171 = arith.constant 192 : i32
      %parallel_loop3A_172 = arith.addi %parallel_loop3A_83, %parallel_loop3A_171 : i32
      %parallel_loop3A_173 = vector.broadcast %parallel_loop3A_172 : i32 to vector<16xi32>
      %parallel_loop3A_174 = arith.addi %iota3A, %parallel_loop3A_173 : vector<16xi32>
      tpu.vector_store_idx %arg8[%parallel_loop3A_174], %parallel_loop3A_170 : memref<29952xf32, #tpu.memory_space<vmem>>[vector<16xi32>], vector<16xf32>,
      %parallel_loop3A_175 = vector.broadcast %parallel_loop3A_81 : i32 to vector<16xi32>
      %parallel_loop3A_176 = arith.addi %get3A_33, %parallel_loop3A_175 : vector<16xi32>
      %parallel_loop3A_177 = tpu.vector_load_idx %arg6[%parallel_loop3A_176] : memref<12800xf32, #tpu.memory_space<vmem>>[vector<16xi32>], vector<16xf32>,
      %parallel_loop3A_178 = arith.constant 208 : i32
      %parallel_loop3A_179 = arith.addi %parallel_loop3A_83, %parallel_loop3A_178 : i32
      %parallel_loop3A_180 = vector.broadcast %parallel_loop3A_179 : i32 to vector<16xi32>
      %parallel_loop3A_181 = arith.addi %iota3A, %parallel_loop3A_180 : vector<16xi32>
      tpu.vector_store_idx %arg8[%parallel_loop3A_181], %parallel_loop3A_177 : memref<29952xf32, #tpu.memory_space<vmem>>[vector<16xi32>], vector<16xf32>,
      %parallel_loop3A_182 = vector.broadcast %parallel_loop3A_81 : i32 to vector<16xi32>
      %parallel_loop3A_183 = arith.addi %get3A_35, %parallel_loop3A_182 : vector<16xi32>
      %parallel_loop3A_184 = tpu.vector_load_idx %arg6[%parallel_loop3A_183] : memref<12800xf32, #tpu.memory_space<vmem>>[vector<16xi32>], vector<16xf32>,
      %parallel_loop3A_185 = arith.constant 224 : i32
      %parallel_loop3A_186 = arith.addi %parallel_loop3A_83, %parallel_loop3A_185 : i32
      %parallel_loop3A_187 = vector.broadcast %parallel_loop3A_186 : i32 to vector<16xi32>
      %parallel_loop3A_188 = arith.addi %iota3A, %parallel_loop3A_187 : vector<16xi32>
      tpu.vector_store_idx %arg8[%parallel_loop3A_188], %parallel_loop3A_184 masked %lt3A_6 : memref<29952xf32, #tpu.memory_space<vmem>>[vector<16xi32>], vector<16xf32>, vector<16xi1>
    } {sc.loop_unroll_factor = 4 : i64, sc.parallel_access}
    %add3A_67 = arith.constant 384 : i32
    %add3A_68 = arith.addi %mul3A_2, %add3A_67 : i32
    %mul3A_69 = arith.constant 234 : i32
    %mul3A_70 = arith.muli %add3A_68, %mul3A_69 : i32
    %dma_start3A_71 = tpu.memref_slice %arg4[%mul3A_70] : memref<3833856xf32, #tpu.memory_space<hbm>> -> memref<29952xf32, #tpu.memory_space<hbm>>
    %dma_start3A_72 = tpu.memref_slice %arg4[%mul3A_70] : memref<3833856xf32, #tpu.memory_space<hbm>> -> memref<29952xf32, #tpu.memory_space<hbm>>
    tpu.enqueue_dma source(%arg8 : memref<29952xf32, #tpu.memory_space<vmem>>) target(%dma_start3A_72 : memref<29952xf32, #tpu.memory_space<hbm>>) target_semaphore(%arg10 : memref<!tpu.dma_semaphore, #tpu.memory_space<semaphore_mem>>)
    %dma_wait3A_73 = tpu.memref_slice %arg4[%mul3A_59] : memref<3833856xf32, #tpu.memory_space<hbm>> -> memref<29952xf32, #tpu.memory_space<hbm>>
    %dma_wait3A_74 = tpu.memref_slice %arg4[%mul3A_59] : memref<3833856xf32, #tpu.memory_space<hbm>> -> memref<29952xf32, #tpu.memory_space<hbm>>
    tpu.wait_dma2 semaphore(%arg9 : memref<!tpu.dma_semaphore, #tpu.memory_space<semaphore_mem>>) src(%arg7 : memref<29952xf32, #tpu.memory_space<vmem>>) dst(%dma_wait3A_74 : memref<29952xf32, #tpu.memory_space<hbm>>)
    %dma_wait3A_75 = tpu.memref_slice %arg4[%mul3A_70] : memref<3833856xf32, #tpu.memory_space<hbm>> -> memref<29952xf32, #tpu.memory_space<hbm>>
    %dma_wait3A_76 = tpu.memref_slice %arg4[%mul3A_70] : memref<3833856xf32, #tpu.memory_space<hbm>> -> memref<29952xf32, #tpu.memory_space<hbm>>
    tpu.wait_dma2 semaphore(%arg10 : memref<!tpu.dma_semaphore, #tpu.memory_space<semaphore_mem>>) src(%arg8 : memref<29952xf32, #tpu.memory_space<vmem>>) dst(%dma_wait3A_76 : memref<29952xf32, #tpu.memory_space<hbm>>)
    return
  }
}

</mosaic_0001>

<sc_bundles>
// kernel: kernel.3.cloned.1.call-start
scs
__scs_entry_jumppad:
0x0: {  	(pc) =	sbr.rel $0x88, $3  }
0x1: {  	(tag) =	ssettag $0x0;
	lr =	simm.s32 $0x1  }
0x2: {  	[smem:$0x3F9F] =	sst lr;
	_ =	strace $0xD0000000  }
0x3: {  	_ = 	snop  }
0x4: {  	_ = 	snop  }
0x5: {  	_ = 	snop  }
0x6: {  	_ = 	snop  }
0x7: {  	_ = 	snop  }
__scs_overlays_trampoline_lowered:
0x8: {  	[smem:$0x3FAE] =	sst s0  }
0x9: {  	[smem:$0x3FAF] =	sst s1  }
0xa: {  	[smem:$0x3FB0] =	sst s2  }
0xb: {  	[smem:$0x3FB1] =	sst s3  }
0xc: {  	[smem:$0x3FB2] =	sst s4  }
0xd: {  	[smem:$0x3FB3] =	sst s5  }
0xe: {  	[smem:$0x3FB4] =	sst s6  }
0xf: {  	[smem:$0x3FB5] =	sst s7  }
0x10: {  	[smem:$0x3FB6] =	sst s8  }
0x11: {  	[smem:$0x3FB7] =	sst s9;
	s0 =	simm.s32 @!p0 $0x0  }
0x12: {  	s1 =	sld [smem:$0x3F9D];
	s0 =	simm.s32 @p0 $0x1  }
0x13: {  	[smem:$0x3FB8] =	sst s0;
	s0 =	simm.s32 @!p1 $0x0  }
0x14: {  	s2 =	sld [smem:$0x3F9C];
	s0 =	simm.s32 @p1 $0x1  }
0x15: {  	[smem:$0x3FB9] =	sst s0;
	s0 =	simm.s32 @!p2 $0x0  }
0x16: {  	s3 =	sld [smem:$0x3FDB];
	s0 =	simm.s32 @p2 $0x1  }
0x17: {  	s4 =	simm.s32 $0x1BF5;
	[smem:$0x3FBB] =	sst s0  }
0x18: {  	s0 =	sld [smem:$0x3F9E];
	_ =	swait.ge [sflag:s4], $0x0  }
0x19: {  	s7 =	sld [smem:$0x3F9F]  }
0x1a: {  	s8 =	sadd.s32 $0xFFFFE003, lr  }
0x1b: {  	s9 =	sadd.s32 $0xFFFFFEF7, lr;
	s5 =	simm.s32 $0xFFFFFFFF;
	p2 =	slt.u32 s8, $0xFFFFF086  }
0x1c: {  	p1 =	slt.u32 s9, $0xF7A;
	s5 =	simm.s32 @!p2 $0x0  }
0x1d: {  	s5 =	simm.s32 @p1 $0x1;
	p0 =	seq.s32 s7, s2  }
0x1e: {  	s7 =	smul.u32 @!p0 $0xF7A, s2;
	p2 =	seq.s32 @!p0 s5, $0x0  }
0x1f: {  	s9 =	smul.u32 $0xF7A, s1;
	s8 =	simm.s32 @!p0 $0x1BF5;
	p2 =	por !p2, p0  }
0x20: {  	[sflag:s8] =	ssyncset.s32 @!p0 $0xFFFFF086;
	s6 =	sadd.s32 @!p0 s3, s7;
	s7 =	simm.s32 @!p0 $0x108  }
0x21: {  	s3 =	sadd.s32 s3, s9;
	s6 =	sadd.s32 @!p0 $0x88, s6;
	s7 =	simm.s32 @p2 $0x1082  }
0x22: {  	[simem:s7], [sflag:s8] =	dma.local @!p0 [hbm:s6], $0xF7A  }
0x23: {  	s9 =	sor.u32 $0xD0000000, s2;
	s6 =	simm.s32 $0x108;
	_ =	swait.ge @!p0 [sflag:s8], $0x0  }
0x24: {  	s3 =	sadd.s32 $0x88, s3;
	s6 =	simm.s32 @!p1 $0x1082;
	[sflag:s4] =	ssyncset.s32 $0xFFFFF086  }
0x25: {  	[simem:s6], [sflag:s4] =	dma.local [hbm:s3], $0xF7A  }
0x26: {  	[smem:$0x3F9F] =	sst s1;
	(tag) =	ssettag s2;
	_ =	strace s9  }
0x27: {  	s1 =	sld [smem:$0x3FAF]  }
0x28: {  	s2 =	sld [smem:$0x3FB0]  }
0x29: {  	s4 =	sld [smem:$0x3FB2]  }
0x2a: {  	p0 =	seq.s32 s5, $0x0;
	s5 =	sld [smem:$0x3FB3]  }
0x2b: {  	s6 =	sld [smem:$0x3FB4]  }
0x2c: {  	s7 =	sld [smem:$0x3FB5]  }
0x2d: {  	s3 =	simm.s32 $0x108;
	s8 =	sld [smem:$0x3FB6]  }
0x2e: {  	s3 =	simm.s32 @!p0 $0x1082;
	s9 =	sld [smem:$0x3FB7]  }
0x2f: {  	lr =	sadd.s32 s0, s3;
	s0 =	sld [smem:$0x3FAE]  }
0x30: {  	s3 =	sld [smem:$0x3FB1]  }
0x31: {  	[smem:$0x3FBA] =	sst s10  }
0x32: {  	s10 =	sld [smem:$0x3FB8];
	_ =	sdelay $0x3  }
0x33: {  	p0 =	seq.s32 s10, $0x1;
	s10 =	sld [smem:$0x3FBA];
	_ =	sdelay $0x3  }
0x34: {  	[smem:$0x3FBA] =	sst s10  }
0x35: {  	s10 =	sld [smem:$0x3FB9];
	_ =	sdelay $0x3  }
0x36: {  	p1 =	seq.s32 s10, $0x1;
	s10 =	sld [smem:$0x3FBA];
	_ =	sdelay $0x3  }
0x37: {  	[smem:$0x3FBA] =	sst s10  }
0x38: {  	s10 =	sld [smem:$0x3FBB]  }
0x39: {  	_ = 	snop;
	(pc) =	sbr.ind lr, $3  }
0x3a: {  	_ = 	snop  }
0x3b: {  	_ = 	snop  }
0x3c: {  	p2 =	seq.s32 s10, $0x1;
	s10 =	sld [smem:$0x3FBA]  }
0x3d: {  	_ =	shalt  }
0x3e: {  	_ =	shalt  }
0x3f: {  	_ =	shalt  }
0x40: {  	_ =	shalt  }
0x41: {  	_ =	shalt  }
0x42: {  	_ =	shalt  }
0x43: {  	_ =	shalt  }
0x44: {  	_ =	shalt  }
0x45: {  	_ =	shalt  }
0x46: {  	_ =	shalt  }
0x47: {  	_ =	shalt  }
0x48: {  	_ =	shalt  }
0x49: {  	_ =	shalt  }
0x4a: {  	_ =	shalt  }
0x4b: {  	_ =	shalt  }
0x4c: {  	_ =	shalt  }
0x4d: {  	_ =	shalt  }
0x4e: {  	_ =	shalt  }
0x4f: {  	_ =	shalt  }
0x50: {  	_ =	shalt  }
0x51: {  	_ =	shalt  }
0x52: {  	_ =	shalt  }
0x53: {  	_ =	shalt  }
0x54: {  	_ =	shalt  }
0x55: {  	_ =	shalt  }
0x56: {  	_ =	shalt  }
0x57: {  	_ =	shalt  }
0x58: {  	_ =	shalt  }
0x59: {  	_ =	shalt  }
0x5a: {  	_ =	shalt  }
0x5b: {  	_ =	shalt  }
0x5c: {  	_ =	shalt  }
0x5d: {  	_ =	shalt  }
0x5e: {  	_ =	shalt  }
0x5f: {  	_ =	shalt  }
0x60: {  	_ =	shalt  }
0x61: {  	_ =	shalt  }
0x62: {  	_ =	shalt  }
0x63: {  	_ =	shalt  }
0x64: {  	_ =	shalt  }
0x65: {  	_ =	shalt  }
0x66: {  	_ =	shalt  }
0x67: {  	_ =	shalt  }
0x68: {  	_ =	shalt  }
0x69: {  	_ =	shalt  }
0x6a: {  	_ =	shalt  }
0x6b: {  	_ =	shalt  }
0x6c: {  	_ =	shalt  }
0x6d: {  	_ =	shalt  }
0x6e: {  	_ =	shalt  }
0x6f: {  	_ =	shalt  }
0x70: {  	_ =	shalt  }
0x71: {  	_ =	shalt  }
0x72: {  	_ =	shalt  }
0x73: {  	_ =	shalt  }
0x74: {  	_ =	shalt  }
0x75: {  	_ =	shalt  }
0x76: {  	_ =	shalt  }
0x77: {  	_ =	shalt  }
0x78: {  	_ =	shalt  }
0x79: {  	_ =	shalt  }
0x7a: {  	_ =	shalt  }
0x7b: {  	_ =	shalt  }
0x7c: {  	_ =	shalt  }
0x7d: {  	_ =	shalt  }
0x7e: {  	_ =	shalt  }
0x7f: {  	_ =	shalt  }
0x80: {  	_ =	shalt  }
0x81: {  	_ =	shalt  }
0x82: {  	_ =	shalt  }
0x83: {  	_ =	shalt  }
0x84: {  	_ =	shalt  }
0x85: {  	_ =	shalt  }
0x86: {  	_ =	shalt  }
0x87: {  	_ =	shalt  }
.Lfunc_end0:
.L_simem_size_0:
called_computation_lowered:
.L_overlay_start_0:
0x88: {  	s2 =	sld [smem:$0x3FD9]  }
0x89: {  	s3 =	sld [smem:$0x3FFE];
	_ =	sdelay $0x1  }
0x8a: {  	s1 =	srdreg.scid  }
0x8b: {  	s0 =	sand.u32 $0x1, s1  }
0x8c: {  	s17 =	sshll.u32 s0, $0xA;
	s2 =	sadd.s32 s3, s2  }
0x8d: {  	s2 =	sadd.s32 s2, s17  }
0x8e: {  	[smem:$0x3FC6] =	sst s2  }
0x8f: {  	_ = 	snop  }
0x90: {  	s2 =	sld [smem:$0x3FD0];
	(tm) =	ssettm $0x1  }
0x91: {  	s18 =	sld [smem:$0x3FFB];
	_ =	sdelay $0x3  }
0x92: {  	_ =	strace s18  }
0x93: {  	s3 =	sld [smem:$0x3FFC];
	_ =	sdelay $0x3  }
0x94: {  	_ =	strace s3  }
0x95: {  	s3 =	sld [smem:$0x3FFD];
	_ =	sdelay $0x3  }
0x96: {  	_ =	strace s3  }
0x97: {  	_ =	strace $0x8FFFFFFF  }
0x98: {  	s19 =	sld [smem:$0x3FDB];
	_ =	sdelay $0x1  }
0x99: {  	s4 =	simm.s32 $_scs_section_size  }
0x9a: {  	s5 =	simm.s32 $_size__tile_overlayer_lowered;
	s6 =	simm.s32 $_tile_overlayer_lowered  }
0x9b: {  	s22 =	simm.s32 $0x1BFF;
	s21 =	sshll.u32 s6, $0x1;
	s3 =	sadd.s32 s4, s19  }
0x9c: {  	s7 =	simm.s32 $0x0;
	s20 =	sshll.u32 s5, $0x1;
	s5 =	sadd.s32 s21, s3  }
0x9d: {  	[timem:s7], [sflag:s22] =	dma.local [hbm:s5], s20  }
0x9e: {  	_ =	swait.ge [sflag:s22], s20  }
0x9f: {  	s4 =	ssub.s32 $0x0, s20;
	[sflag:s22] =	ssyncset.done $0x0  }
0xa0: {  	[sflag:s22] =	ssyncadd.s32 s4;
	_ =	sdelay $0x1  }
0xa1: {  	s23 =	simm.s32 $0x1B8B  }
0xa2: {  	_ =	swait.ge [sflag:s23], $0x1  }
0xa3: {  	[sflag:s23] =	ssyncset.done $0x0  }
0xa4: {  	s25 =	simm.s32 $0x1B8E;
	s24 =	sld [smem:$0x3FFE];
	[sflag:s23] =	ssyncadd.s32 $0xFFFFFFFF  }
0xa5: {  	s26 =	simm.s32 $execute0_lowered;
	[smem:$0x3FD2] =	sst s25  }
0xa6: {  	s5 =	sshll.u32 s26, $0x1;
	_ =	strace $0x80000046;
	[dreg:$0x1] =	wrdreg $0xFFFFFFFF  }
0xa7: {  	s28 =	simm.s32 $_size_execute0_lowered;
	s3 =	sadd.s32 s3, s5;
	[dreg:$0x0] =	wrdreg $0x0  }
0xa8: {  	s5 =	sshll.u32 s28, $0x1;
	[dreg:$0x2] =	wrdreg s3  }
0xa9: {  	[dreg:$0x3] =	wrdreg s5  }
0xaa: {  	[dreg:$0x4] =	wrdreg $0xC0  }
0xab: {  	_ =	task [dreg:s7], $0x5FFFF  }
0xac: {  	[dreg:$0x1] =	wrdreg $0xFFFFFFFF  }
0xad: {  	[dreg:$0x0] =	wrdreg $0x60  }
0xae: {  	[dreg:$0x2] =	wrdreg s24  }
0xaf: {  	[dreg:$0x3] =	wrdreg s2  }
0xb0: {  	[dreg:$0x4] =	wrdreg $0x9  }
0xb1: {  	_ =	task.clear_ibuf [dreg:s7], $0x5FFFF;
	_ =	strace $0x90000046  }
0xb2: {  	s29 =	simm.s32 $0x9;
	_ =	strace $0x80000048  }
0xb3: {  	_ =	swait.ge [sflag:s29], $0x1  }
0xb4: {  	[sflag:s29] =	ssyncadd.s32 $0xFFFFFFFF  }
0xb5: {  	_ =	strace $0x90000048  }
0xb6: {  	_ =	sfence  }
0xb7: {  	s30 =	sld [smem:$0x0];
	_ =	sdelay $0x2  }
0xb8: {  	s31 =	sshll.u32 s1, $0xD;
	s1 =	sshrl.u32 s1, $0x2  }
0xb9: {  	s3 =	sand.u32 $0x4000, s31;
	s1 =	sadd.s32 s1, s30  }
0xba: {  	s0 =	sor.u32 s3, s0;
	s1 =	sshll.u32 s1, $0x11  }
0xbb: {  	s0 =	sor.u32 s1, s0  }
0xbc: {  	s0 =	sadd.s32 $0x8F2B, s0  }
0xbd: {  	[sflag:s0] =	ssyncadd.remote.s32 $0x1  }
0xbe: {  	_ =	sfence.sel $0xFFFF  }
0xbf: {  	[dreg:$0x0] =	wrdreg $0xFFFFFFFF;
	(pc) =	sbr.abs _section_cstart, $3  }
0xc0: {  	[dreg:$0x1] =	wrdreg $0xFFFFFFFF  }
0xc1: {  	_ =	task.clear_ibuf [dreg:s7], $0x2FFFF;
	_ =	strace $0x9FFFFFFF  }
0xc2: {  	(tm) =	ssettm $0x7FFFFFFF  }
0xc3: {  	_ =	shalt  }
tec
execute0_lowered:
.L_overlay_start_1:
0x0: {  	(tag) =	ssettag $0x1  }
0x1: {  	s1 =	srdreg.scid;
	s3 =	stileid.u32  }
0x2: {  	s0 =	rddreg [dreg:$0x0];
	s1 =	sand.u32 $0x1, s1;
	s3 =	sshll.u32 s3, $0x1  }
0x3: {  	s2 =	rddreg [dreg:$0x1];
	s6 =	simm.s32 $0x0;
	s3 =	sor.u32 s1, s3  }
0x4: {  	[smem:$0x7FF] =	sst s6;
	s4 =	smul.u32 $0x640, s3  }
0x5: {  	s11 =	simm.s32 $0x100;
	_ =	strace $0x80000047;
	s5 =	smul.u32 $0x1D400, s3  }
0x6: {  	s3 =	smul.u32 $0x3A80, s3;
	s4 =	sadd.s32 s4, s0;
	s0 =	sadd.s32 $0xCE00, s0  }
0x7: {  	s5 =	sshrl.u32 s5, $0x3;
	[smem:$0x7F7] =	sst s0;
	s28 =	sadd.s32 $0x600, s4  }
0x8: {  	s29 =	sadd.s32 s2, s5;
	s2 =	sadd.s32 s2, s3;
	[smem:$0x7F8] =	sst s28  }
0x9: {  	s26 =	ssub.s32 $0x2, s1;
	[smem:$0x7F9] =	sst s2;
	s30 =	sadd.s32 $0xEA0, s29  }
0xa: {  	s1 =	sshrl.u32 s26, $0x1;
	s31 =	sadd.s32 $0x1D40, s29;
	[smem:$0x7FA] =	sst s30  }
0xb: {  	s0 =	ssub.s32 s26, s1;
	s1 =	sadd.s32 $0x2BE0, s29;
	[smem:$0x7FB] =	sst s31  }
0xc: {  	s12 =	simm.s32 $0x3300;
	s0 =	smax.u32 s0, $0x1;
	[smem:$0x7FC] =	sst s1  }
0xd: {  	s13 =	simm.s32 $0xA800;
	v0 =	vlaneseq.u32;
	s2 =	simm.s32 $0x0;
	[smem:$0x7FD] =	sst s0  }
.LBB2_1:
0xe: {  	s0 =	sld [smem:$0x7F7];
	_ =	sdelay $0x1  }
0xf: {  	[smem:$0x7EF] =	sst s2;
	s1 =	simm.s32 $0x3  }
0x10: {  	[tilespmem:s6], [sflag:$0x3] =	stream.linear.gather [hbm4b:s0+s6], $0x100, $0x38;
	[tilespmem:$0x11D00] =	vst v63  }
0x11: {  	_ =	swait.ge [sflag:s1], $0x100  }
0x12: {  	s2 =	sld [smem:$0x7F8]  }
0x13: {  	[sflag:s1] =	ssyncset.done $0x0  }
0x14: {  	[sflag:s1] =	ssyncadd.s32 $0xFFFFFF00  }
0x15: {  	[tilespmem:s11], [sflag:$0x3] =	stream.linear.gather [hbm4b:s2+s6], $0x3200, $0x38;
	[tilespmem:$0x11D00] =	vst v63  }
0x16: {  	_ =	swait.ge [sflag:s1], $0x3200  }
0x17: {  	[sflag:s1] =	ssyncset.done $0x0  }
0x18: {  	[sflag:s1] =	ssyncadd.s32 $0xFFFFCE00  }
0x19: {  	v8 =	vld [tilespmem:$0x0]  }
0x1a: {  	v9 =	vld [tilespmem:$0x10]  }
0x1b: {  	v10 =	vld [tilespmem:$0x20]  }
0x1c: {  	v11 =	vld [tilespmem:$0x30]  }
0x1d: {  	v12 =	vld [tilespmem:$0x40]  }
0x1e: {  	s24 =	simm.s32 $0x0;
	v13 =	vld [tilespmem:$0x50]  }
0x1f: {  	v14 =	vld [tilespmem:$0x60];
	v1 =	vadd.s32 s24, v8  }
0x20: {  	v15 =	vld [tilespmem:$0x70]  }
0x21: {  	v7 =	vld [tilespmem:$0x80]  }
0x22: {  	v6 =	vld [tilespmem:$0x90]  }
0x23: {  	s20 =	simm.s32 $0x4B;
	s3 =	simm.s32 $0x0;
	v5 =	vld [tilespmem:$0xA0]  }
0x24: {  	v18 =	vadd.s32 s3, v0;
	v16 =	vadd.s32 s20, v8;
	v17 =	vld.idx.msk [tilespmem:v1+s11+$0x0], $0xffff  }
0x25: {  	v4 =	vld [tilespmem:$0xB0];
	v19 =	vadd.s32 s24, v9  }
0x26: {  	v3 =	vld [tilespmem:$0xC0]  }
0x27: {  	s1 =	simm.s32 $0x19;
	v2 =	vld [tilespmem:$0xD0]  }
0x28: {  	s26 =	simm.s32 $0x32;
	s4 =	simm.s32 $0x2BE;
	v20 =	vadd.s32 s1, v8;
	v1 =	vld [tilespmem:$0xE0]  }
0x29: {  	s5 =	simm.s32 $0x10;
	v22 =	vadd.s32 s4, v0;
	v21 =	vadd.s32 s26, v8;
	v16 =	vld.idx.msk [tilespmem:v16+s11+$0x0], $0xffff;
	[tilespmem:v18+s12+$0x0] =	vst.idx.msk $0xffff, v17  }
0x2a: {  	v17 =	vadd.s32 s20, v9;
	v18 =	vld.idx.msk [tilespmem:v19+s11+$0x0], $0xffff;
	v19 =	vadd.s32 s5, v0  }
0x2b: {  	v23 =	vadd.s32 s24, v10  }
0x2c: {  	s6 =	simm.s32 $0xEA  }
0x2d: {  	s7 =	simm.s32 $0x1D4;
	v24 =	vadd.s32 s6, v0;
	v20 =	vld.idx.msk [tilespmem:v20+s11+$0x0], $0xffff  }
0x2e: {  	s8 =	simm.s32 $0x2CE;
	v26 =	vadd.s32 s7, v0;
	v25 =	vadd.s32 s1, v9;
	v21 =	vld.idx.msk [tilespmem:v21+s11+$0x0], $0xffff;
	[tilespmem:v22+s12+$0x0] =	vst.idx.msk $0xffff, v16  }
0x2f: {  	s9 =	simm.s32 $0x20;
	v16 =	vadd.s32 s26, v9;
	v22 =	vadd.s32 s8, v0;
	v17 =	vld.idx.msk [tilespmem:v17+s11+$0x0], $0xffff;
	[tilespmem:v19+s12+$0x0] =	vst.idx.msk $0xffff, v18  }
0x30: {  	v18 =	vadd.s32 s20, v10;
	v19 =	vld.idx.msk [tilespmem:v23+s11+$0x0], $0xffff;
	v23 =	vadd.s32 s9, v0  }
0x31: {  	v27 =	vadd.s32 s24, v11  }
0x32: {  	s10 =	simm.s32 $0xFA;
	[tilespmem:v24+s12+$0x0] =	vst.idx.msk $0xffff, v20  }
0x33: {  	s14 =	simm.s32 $0x1E4;
	v24 =	vadd.s32 s10, v0;
	[tilespmem:v26+s12+$0x0] =	vst.idx.msk $0xffff, v21;
	v20 =	vld.idx.msk [tilespmem:v25+s11+$0x0], $0xffff  }
0x34: {  	s15 =	simm.s32 $0x2DE;
	v21 =	vadd.s32 s14, v0;
	v16 =	vld.idx.msk [tilespmem:v16+s11+$0x0], $0xffff;
	[tilespmem:v22+s12+$0x0] =	vst.idx.msk $0xffff, v17;
	v17 =	vadd.s32 s1, v10  }
0x35: {  	s16 =	simm.s32 $0x30;
	v25 =	vadd.s32 s26, v10;
	v22 =	vadd.s32 s15, v0;
	v18 =	vld.idx.msk [tilespmem:v18+s11+$0x0], $0xffff;
	[tilespmem:v23+s12+$0x0] =	vst.idx.msk $0xffff, v19  }
0x36: {  	v26 =	vadd.s32 s16, v0;
	v19 =	vadd.s32 s20, v11;
	v23 =	vld.idx.msk [tilespmem:v27+s11+$0x0], $0xffff  }
0x37: {  	v27 =	vadd.s32 s24, v12  }
0x38: {  	s17 =	simm.s32 $0x10A;
	[tilespmem:v24+s12+$0x0] =	vst.idx.msk $0xffff, v20  }
0x39: {  	s18 =	simm.s32 $0x1F4;
	v20 =	vadd.s32 s17, v0;
	[tilespmem:v21+s12+$0x0] =	vst.idx.msk $0xffff, v16;
	v17 =	vld.idx.msk [tilespmem:v17+s11+$0x0], $0xffff  }
0x3a: {  	s19 =	simm.s32 $0x2EE;
	v16 =	vadd.s32 s1, v11;
	v21 =	vadd.s32 s18, v0;
	[tilespmem:v22+s12+$0x0] =	vst.idx.msk $0xffff, v18;
	v18 =	vld.idx.msk [tilespmem:v25+s11+$0x0], $0xffff  }
0x3b: {  	s21 =	simm.s32 $0x40;
	v24 =	vadd.s32 s26, v11;
	v22 =	vadd.s32 s19, v0;
	v19 =	vld.idx.msk [tilespmem:v19+s11+$0x0], $0xffff;
	[tilespmem:v26+s12+$0x0] =	vst.idx.msk $0xffff, v23  }
0x3c: {  	v23 =	vadd.s32 s20, v12;
	v26 =	vadd.s32 s21, v0;
	v25 =	vld.idx.msk [tilespmem:v27+s11+$0x0], $0xffff  }
0x3d: {  	v27 =	vadd.s32 s24, v13  }
0x3e: {  	s22 =	simm.s32 $0x11A;
	[tilespmem:v20+s12+$0x0] =	vst.idx.msk $0xffff, v17  }
0x3f: {  	s23 =	simm.s32 $0x204;
	v17 =	vadd.s32 s22, v0;
	v16 =	vld.idx.msk [tilespmem:v16+s11+$0x0], $0xffff;
	[tilespmem:v21+s12+$0x0] =	vst.idx.msk $0xffff, v18  }
0x40: {  	s25 =	simm.s32 $0x2FE;
	v20 =	vadd.s32 s23, v0;
	v18 =	vadd.s32 s1, v12;
	[tilespmem:v22+s12+$0x0] =	vst.idx.msk $0xffff, v19;
	v19 =	vld.idx.msk [tilespmem:v24+s11+$0x0], $0xffff  }
0x41: {  	s3 =	simm.s32 $0x50;
	v22 =	vadd.s32 s25, v0;
	v21 =	vld.idx.msk [tilespmem:v23+s11+$0x0], $0xffff;
	v23 =	vadd.s32 s26, v12;
	[tilespmem:v26+s12+$0x0] =	vst.idx.msk $0xffff, v25  }
0x42: {  	v24 =	vadd.s32 s20, v13;
	v26 =	vadd.s32 s3, v0;
	v25 =	vld.idx.msk [tilespmem:v27+s11+$0x0], $0xffff  }
0x43: {  	v27 =	vadd.s32 s24, v14  }
0x44: {  	s4 =	simm.s32 $0x12A;
	[tilespmem:v17+s12+$0x0] =	vst.idx.msk $0xffff, v16  }
0x45: {  	s5 =	simm.s32 $0x214;
	v17 =	vadd.s32 s4, v0;
	v16 =	vld.idx.msk [tilespmem:v18+s11+$0x0], $0xffff;
	[tilespmem:v20+s12+$0x0] =	vst.idx.msk $0xffff, v19  }
0x46: {  	s6 =	simm.s32 $0x30E;
	v18 =	vadd.s32 s1, v13;
	v20 =	vadd.s32 s5, v0;
	[tilespmem:v22+s12+$0x0] =	vst.idx.msk $0xffff, v21;
	v19 =	vld.idx.msk [tilespmem:v23+s11+$0x0], $0xffff  }
0x47: {  	s7 =	simm.s32 $0x60;
	v22 =	vadd.s32 s6, v0;
	v23 =	vadd.s32 s26, v13;
	v21 =	vld.idx.msk [tilespmem:v24+s11+$0x0], $0xffff;
	[tilespmem:v26+s12+$0x0] =	vst.idx.msk $0xffff, v25  }
0x48: {  	v24 =	vadd.s32 s20, v14;
	v26 =	vadd.s32 s7, v0;
	v25 =	vld.idx.msk [tilespmem:v27+s11+$0x0], $0xffff  }
0x49: {  	v27 =	vadd.s32 s24, v15  }
0x4a: {  	s8 =	simm.s32 $0x13A;
	[tilespmem:v17+s12+$0x0] =	vst.idx.msk $0xffff, v16  }
0x4b: {  	s9 =	simm.s32 $0x224;
	v17 =	vadd.s32 s8, v0;
	v16 =	vld.idx.msk [tilespmem:v18+s11+$0x0], $0xffff;
	[tilespmem:v20+s12+$0x0] =	vst.idx.msk $0xffff, v19  }
0x4c: {  	s10 =	simm.s32 $0x31E;
	v19 =	vadd.s32 s1, v14;
	v20 =	vadd.s32 s9, v0;
	[tilespmem:v22+s12+$0x0] =	vst.idx.msk $0xffff, v21;
	v18 =	vld.idx.msk [tilespmem:v23+s11+$0x0], $0xffff  }
0x4d: {  	s14 =	simm.s32 $0x70;
	v22 =	vadd.s32 s10, v0;
	v23 =	vadd.s32 s26, v14;
	v21 =	vld.idx.msk [tilespmem:v24+s11+$0x0], $0xffff;
	[tilespmem:v26+s12+$0x0] =	vst.idx.msk $0xffff, v25  }
0x4e: {  	v24 =	vadd.s32 s20, v15;
	v26 =	vadd.s32 s14, v0;
	v25 =	vld.idx.msk [tilespmem:v27+s11+$0x0], $0xffff  }
0x4f: {  	s3 =	simm.s32 $0xAF;
	v27 =	vadd.s32 s24, v7  }
0x50: {  	s15 =	simm.s32 $0x14A;
	s23 =	simm.s32 $0x64;
	[tilespmem:v17+s12+$0x0] =	vst.idx.msk $0xffff, v16;
	v16 =	vadd.s32 s3, v8  }
0x51: {  	s16 =	simm.s32 $0x234;
	v17 =	vld.idx.msk [tilespmem:v19+s11+$0x0], $0xffff;
	[tilespmem:v20+s12+$0x0] =	vst.idx.msk $0xffff, v18;
	v18 =	vadd.s32 s15, v0;
	v19 =	vadd.s32 s23, v8  }
0x52: {  	[tilespmem:v22+s12+$0x0] =	vst.idx.msk $0xffff, v21;
	v20 =	vld.idx.msk [tilespmem:v23+s11+$0x0], $0xffff;
	v21 =	vadd.s32 s1, v15;
	v22 =	vadd.s32 s16, v0  }
0x53: {  	s30 =	simm.s32 $0x7D;
	s17 =	simm.s32 $0x80;
	v23 =	vld.idx.msk [tilespmem:v24+s11+$0x0], $0xffff;
	v24 =	vadd.s32 s26, v15;
	[tilespmem:v26+s12+$0x0] =	vst.idx.msk $0xffff, v25  }
0x54: {  	s18 =	simm.s32 $0x666;
	v25 =	vadd.s32 s30, v8;
	v26 =	vld.idx.msk [tilespmem:v27+s11+$0x0], $0xffff;
	v27 =	vadd.s32 s17, v0  }
0x55: {  	v30 =	vadd.s32 s18, v0;
	s19 =	simm.s32 $0x3A8;
	v29 =	vld.idx.msk [tilespmem:v16+s11+$0x0], $0xffff  }
0x56: {  	s22 =	simm.s32 $0x15A;
	[tilespmem:v18+s12+$0x0] =	vst.idx.msk $0xffff, v17;
	v17 =	vld.idx.msk [tilespmem:v19+s11+$0x0], $0xffff;
	v18 =	vadd.s32 s19, v0;
	v19 =	vadd.s32 s3, v9  }
0x57: {  	s21 =	simm.s32 $0x96;
	s25 =	simm.s32 $0x244;
	v21 =	vld.idx.msk [tilespmem:v21+s11+$0x0], $0xffff;
	[tilespmem:v22+s12+$0x0] =	vst.idx.msk $0xffff, v20;
	v20 =	vadd.s32 s22, v0;
	v22 =	vadd.s32 s23, v9  }
0x58: {  	s2 =	simm.s32 $0x492;
	v28 =	vadd.s32 s21, v8;
	v31 =	vadd.s32 s25, v0;
	v24 =	vld.idx.msk [tilespmem:v24+s11+$0x0], $0xffff  }
0x59: {  	v33 =	vadd.s32 s2, v0;
	v25 =	vld.idx.msk [tilespmem:v25+s11+$0x0], $0xffff;
	[tilespmem:v27+s12+$0x0] =	vst.idx.msk $0xffff, v26;
	v26 =	vadd.s32 s26, v7  }
0x5a: {  	s5 =	simm.s32 $0x676;
	v27 =	vadd.s32 s30, v9;
	[tilespmem:v30+s12+$0x0] =	vst.idx.msk $0xffff, v29  }
0x5b: {  	s6 =	simm.s32 $0x3B8;
	v29 =	vadd.s32 s24, v6;
	[tilespmem:v18+s12+$0x0] =	vst.idx.msk $0xffff, v17;
	v18 =	vld.idx.msk [tilespmem:v19+s11+$0x0], $0xffff;
	v19 =	vadd.s32 s5, v0  }
0x5c: {  	s8 =	simm.s32 $0x57C;
	[tilespmem:v20+s12+$0x0] =	vst.idx.msk $0xffff, v21;
	v20 =	vld.idx.msk [tilespmem:v22+s11+$0x0], $0xffff;
	v21 =	vadd.s32 s6, v0;
	v22 =	vadd.s32 s3, v10  }
0x5d: {  	v28 =	vld.idx.msk [tilespmem:v28+s11+$0x0], $0xffff;
	s7 =	simm.s32 $0x32E;
	v42 =	vadd.s32 s8, v0;
	v30 =	vadd.s32 s23, v10;
	[tilespmem:v31+s12+$0x0] =	vst.idx.msk $0xffff, v24  }
0x5e: {  	v32 =	vadd.s32 s1, v7;
	s10 =	simm.s32 $0x254;
	v31 =	vadd.s32 s7, v0;
	[tilespmem:v33+s12+$0x0] =	vst.idx.msk $0xffff, v25;
	v25 =	vld.idx.msk [tilespmem:v26+s11+$0x0], $0xffff  }
0x5f: {  	v36 =	vadd.s32 s24, v5;
	v43 =	vadd.s32 s21, v9;
	v34 =	vadd.s32 s10, v0;
	s14 =	simm.s32 $0x4A2;
	v27 =	vld.idx.msk [tilespmem:v27+s11+$0x0], $0xffff  }
0x60: {  	v35 =	vadd.s32 s14, v0;
	s15 =	simm.s32 $0x90;
	v26 =	vadd.s32 s20, v7;
	[tilespmem:v19+s12+$0x0] =	vst.idx.msk $0xffff, v18;
	v18 =	vld.idx.msk [tilespmem:v29+s11+$0x0], $0xffff  }
0x61: {  	s16 =	simm.s32 $0x686;
	v19 =	vadd.s32 s26, v6;
	[tilespmem:v21+s12+$0x0] =	vst.idx.msk $0xffff, v20;
	v21 =	vld.idx.msk [tilespmem:v22+s11+$0x0], $0xffff;
	v22 =	vadd.s32 s15, v0  }
0x62: {  	s18 =	simm.s32 $0x16A;
	[tilespmem:v42+s12+$0x0] =	vst.idx.msk $0xffff, v28;
	s17 =	simm.s32 $0x3C8;
	v20 =	vadd.s32 s30, v10;
	v29 =	vld.idx.msk [tilespmem:v30+s11+$0x0], $0xffff;
	v30 =	vadd.s32 s16, v0  }
0x63: {  	v44 =	vadd.s32 s18, v0;
	v24 =	vld.idx.msk [tilespmem:v32+s11+$0x0], $0xffff;
	[tilespmem:v31+s12+$0x0] =	vst.idx.msk $0xffff, v23;
	v23 =	vadd.s32 s17, v0  }
0x64: {  	v45 =	vadd.s32 s21, v10;
	v28 =	vadd.s32 s3, v11;
	s19 =	simm.s32 $0x58C;
	v32 =	vld.idx.msk [tilespmem:v43+s11+$0x0], $0xffff;
	[tilespmem:v34+s12+$0x0] =	vst.idx.msk $0xffff, v25  }
0x65: {  	v48 =	vadd.s32 s23, v12;
	s22 =	simm.s32 $0x33E;
	v31 =	vadd.s32 s23, v11;
	v26 =	vld.idx.msk [tilespmem:v26+s11+$0x0], $0xffff;
	[tilespmem:v35+s12+$0x0] =	vst.idx.msk $0xffff, v27;
	v25 =	vadd.s32 s19, v0  }
0x66: {  	s25 =	simm.s32 $0x4B2;
	s4 =	simm.s32 $0x38E;
	v27 =	vadd.s32 s1, v6;
	v19 =	vld.idx.msk [tilespmem:v19+s11+$0x0], $0xffff;
	[tilespmem:v22+s12+$0x0] =	vst.idx.msk $0xffff, v18;
	v18 =	vadd.s32 s22, v0  }
0x67: {  	v16 =	vadd.s32 s4, v0;
	s4 =	simm.s32 $0x264;
	v20 =	vld.idx.msk [tilespmem:v20+s11+$0x0], $0xffff;
	v22 =	vadd.s32 s25, v0;
	[tilespmem:v30+s12+$0x0] =	vst.idx.msk $0xffff, v21  }
0x68: {  	s5 =	simm.s32 $0x696;
	v21 =	vld.idx.msk [tilespmem:v36+s11+$0x0], $0xffff;
	v30 =	vadd.s32 s20, v6;
	[tilespmem:v23+s12+$0x0] =	vst.idx.msk $0xffff, v29;
	v29 =	vadd.s32 s4, v0  }
0x69: {  	s6 =	simm.s32 $0x3D8;
	v46 =	vadd.s32 s5, v0;
	[tilespmem:v44+s12+$0x0] =	vst.idx.msk $0xffff, v24;
	v23 =	vadd.s32 s30, v11;
	v28 =	vld.idx.msk [tilespmem:v28+s11+$0x0], $0xffff  }
0x6a: {  	s7 =	simm.s32 $0x17A;
	v47 =	vadd.s32 s6, v0;
	v24 =	vadd.s32 s26, v5;
	v31 =	vld.idx.msk [tilespmem:v31+s11+$0x0], $0xffff;
	[tilespmem:v25+s12+$0x0] =	vst.idx.msk $0xffff, v32  }
0x6b: {  	s9 =	simm.s32 $0x736;
	s8 =	simm.s32 $0x59C;
	v49 =	vadd.s32 s7, v0;
	v25 =	vadd.s32 s3, v12;
	v27 =	vld.idx.msk [tilespmem:v27+s11+$0x0], $0xffff;
	[tilespmem:v18+s12+$0x0] =	vst.idx.msk $0xffff, v26  }
0x6c: {  	v17 =	vadd.s32 s9, v0;
	s9 =	simm.s32 $0x34E;
	v34 =	vld.idx.msk [tilespmem:v45+s11+$0x0], $0xffff;
	[tilespmem:v22+s12+$0x0] =	vst.idx.msk $0xffff, v20;
	v18 =	vadd.s32 s8, v0  }
0x6d: {  	s10 =	simm.s32 $0x4C2;
	v20 =	vadd.s32 s1, v5;
	v22 =	vld.idx.msk [tilespmem:v30+s11+$0x0], $0xffff;
	[tilespmem:v29+s12+$0x0] =	vst.idx.msk $0xffff, v19;
	v19 =	vadd.s32 s9, v0  }
0x6e: {  	s14 =	simm.s32 $0x274;
	v26 =	vadd.s32 s21, v11;
	v23 =	vld.idx.msk [tilespmem:v23+s11+$0x0], $0xffff;
	v29 =	vadd.s32 s10, v0;
	[tilespmem:v46+s12+$0x0] =	vst.idx.msk $0xffff, v28  }
0x6f: {  	s15 =	simm.s32 $0x6A6;
	v24 =	vld.idx.msk [tilespmem:v24+s11+$0x0], $0xffff;
	v28 =	vadd.s32 s20, v5;
	[tilespmem:v47+s12+$0x0] =	vst.idx.msk $0xffff, v31;
	v31 =	vadd.s32 s14, v0  }
0x70: {  	s16 =	simm.s32 $0x3E8;
	v50 =	vadd.s32 s15, v0;
	v30 =	vadd.s32 s30, v12;
	v25 =	vld.idx.msk [tilespmem:v25+s11+$0x0], $0xffff;
	[tilespmem:v49+s12+$0x0] =	vst.idx.msk $0xffff, v27  }
0x71: {  	s17 =	simm.s32 $0x18A;
	v51 =	vadd.s32 s16, v0;
	v32 =	vld.idx.msk [tilespmem:v48+s11+$0x0], $0xffff;
	v27 =	vadd.s32 s26, v4;
	[tilespmem:v18+s12+$0x0] =	vst.idx.msk $0xffff, v34  }
0x72: {  	s18 =	simm.s32 $0x5AC;
	v52 =	vadd.s32 s23, v13;
	v53 =	vadd.s32 s17, v0;
	v20 =	vld.idx.msk [tilespmem:v20+s11+$0x0], $0xffff;
	[tilespmem:v19+s12+$0x0] =	vst.idx.msk $0xffff, v22  }
0x73: {  	v18 =	vadd.s32 s3, v13;
	v26 =	vld.idx.msk [tilespmem:v26+s11+$0x0], $0xffff;
	[tilespmem:v29+s12+$0x0] =	vst.idx.msk $0xffff, v23;
	v19 =	vadd.s32 s18, v0  }
0x74: {  	s19 =	simm.s32 $0x35E;
	v22 =	vadd.s32 s1, v4;
	v23 =	vld.idx.msk [tilespmem:v28+s11+$0x0], $0xffff;
	[tilespmem:v31+s12+$0x0] =	vst.idx.msk $0xffff, v24  }
0x75: {  	s22 =	simm.s32 $0x4D2;
	v28 =	vld.idx.msk [tilespmem:v30+s11+$0x0], $0xffff;
	v24 =	vadd.s32 s19, v0;
	[tilespmem:v50+s12+$0x0] =	vst.idx.msk $0xffff, v25  }
0x76: {  	s25 =	simm.s32 $0xA0;
	v29 =	vadd.s32 s21, v12;
	v30 =	vadd.s32 s22, v0;
	v25 =	vld.idx.msk [tilespmem:v27+s11+$0x0], $0xffff;
	[tilespmem:v51+s12+$0x0] =	vst.idx.msk $0xffff, v32  }
0x77: {  	s4 =	simm.s32 $0x6B6;
	v54 =	vadd.s32 s25, v0;
	v27 =	vadd.s32 s20, v4;
	v55 =	vld.idx.msk [tilespmem:v52+s11+$0x0], $0xffff;
	[tilespmem:v53+s12+$0x0] =	vst.idx.msk $0xffff, v20  }
0x78: {  	s5 =	simm.s32 $0x3F8;
	s7 =	simm.s32 $0x39E;
	v56 =	vadd.s32 s4, v0;
	v31 =	vadd.s32 s30, v13;
	v18 =	vld.idx.msk [tilespmem:v18+s11+$0x0], $0xffff;
	[tilespmem:v19+s12+$0x0] =	vst.idx.msk $0xffff, v26  }
0x79: {  	v57 =	vadd.s32 s24, v4;
	v20 =	vadd.s32 s5, v0;
	v22 =	vld.idx.msk [tilespmem:v22+s11+$0x0], $0xffff;
	[smem:$0x7F0] =	sst s7  }
0x7a: {  	s6 =	simm.s32 $0x19A;
	v19 =	vadd.s32 s3, v14;
	[tilespmem:v24+s12+$0x0] =	vst.idx.msk $0xffff, v23  }
0x7b: {  	v58 =	vadd.s32 s6, v0;
	s9 =	simm.s32 $0x5BC;
	v29 =	vld.idx.msk [tilespmem:v29+s11+$0x0], $0xffff;
	[tilespmem:v30+s12+$0x0] =	vst.idx.msk $0xffff, v28  }
0x7c: {  	v26 =	vadd.s32 s23, v14;
	v23 =	vadd.s32 s9, v0;
	[tilespmem:v54+s12+$0x0] =	vst.idx.msk $0xffff, v21;
	v27 =	vld.idx.msk [tilespmem:v27+s11+$0x0], $0xffff  }
0x7d: {  	v24 =	vadd.s32 s1, v3;
	v30 =	vld.idx.msk [tilespmem:v31+s11+$0x0], $0xffff;
	[tilespmem:v56+s12+$0x0] =	vst.idx.msk $0xffff, v18  }
0x7e: {  	s10 =	simm.s32 $0x36E;
	s14 =	simm.s32 $0x2B4;
	v18 =	vld.idx.msk [tilespmem:v57+s11+$0x0], $0xffff;
	[tilespmem:v20+s12+$0x0] =	vst.idx.msk $0xffff, v55  }
0x7f: {  	v21 =	vadd.s32 s10, v0;
	v19 =	vld.idx.msk [tilespmem:v19+s11+$0x0], $0xffff;
	[dreg:$0x18] =	wrdreg s14  }
0x80: {  	s16 =	simm.s32 $0x408;
	v28 =	vadd.s32 s21, v13;
	[tilespmem:v58+s12+$0x0] =	vst.idx.msk $0xffff, v22  }
0x81: {  	s8 =	simm.s32 $0x284;
	v26 =	vld.idx.msk [tilespmem:v26+s11+$0x0], $0xffff;
	v22 =	vadd.s32 s16, v0;
	s16 =	simm.s32 $0x6D6;
	[tilespmem:v23+s12+$0x0] =	vst.idx.msk $0xffff, v29  }
0x82: {  	s25 =	simm.s32 $0x512;
	v31 =	vadd.s32 s8, v0;
	v24 =	vld.idx.msk [tilespmem:v24+s11+$0x0], $0xffff;
	[smem:$0x7F1] =	sst s16  }
0x83: {  	v59 =	vadd.s32 s20, v3;
	s17 =	simm.s32 $0x4E2;
	s4 =	simm.s32 $0xB0;
	[smem:$0x7F2] =	sst s25  }
0x84: {  	v37 =	vadd.s32 s17, v0;
	s17 =	simm.s32 $0x6E6;
	v20 =	vadd.s32 s4, v0;
	[tilespmem:v21+s12+$0x0] =	vst.idx.msk $0xffff, v27  }
0x85: {  	v60 =	vadd.s32 s26, v3;
	s25 =	simm.s32 $0x522;
	v38 =	vld.idx.msk [tilespmem:v28+s11+$0x0], $0xffff;
	[smem:$0x7F3] =	sst s17  }
0x86: {  	s8 =	simm.s32 $0x6C6;
	s4 =	simm.s32 $0x5CC;
	[dreg:$0x1d] =	wrdreg s25  }
0x87: {  	v61 =	vadd.s32 s8, v0;
	v39 =	vadd.s32 s4, v0;
	s4 =	simm.s32 $0x60C;
	[tilespmem:v31+s12+$0x0] =	vst.idx.msk $0xffff, v25  }
0x88: {  	v62 =	vadd.s32 s24, v3;
	v41 =	vld.idx.msk [tilespmem:v59+s11+$0x0], $0xffff;
	[dreg:$0x1c] =	wrdreg s4  }
0x89: {  	s8 =	simm.s32 $0x61C;
	[tilespmem:v20+s12+$0x0] =	vst.idx.msk $0xffff, v18  }
0x8a: {  	s14 =	simm.s32 $0xAF;
	s16 =	simm.s32 $0x6F6;
	v21 =	vld.idx.msk [tilespmem:v60+s11+$0x0], $0xffff;
	[dreg:$0x8] =	wrdreg s8  }
0x8b: {  	s31 =	simm.s32 $0x448;
	v23 =	vadd.s32 s14, v15;
	[dreg:$0x14] =	wrdreg s16  }
0x8c: {  	s29 =	simm.s32 $0x542;
	s28 =	simm.s32 $0x552;
	s17 =	simm.s32 $0x532;
	[tilespmem:v61+s12+$0x0] =	vst.idx.msk $0xffff, v19  }
0x8d: {  	s0 =	simm.s32 $0x4;
	v63 =	vadd.s32 s23, v15;
	s25 =	simm.s32 $0x706;
	v45 =	vld.idx.msk [tilespmem:v62+s11+$0x0], $0xffff;
	[smem:$0x7F4] =	sst s17  }
0x8e: {  	s2 =	simm.s32 $0x1BA;
	s6 =	simm.s32 $0x1AA;
	[dreg:$0xf] =	wrdreg s25  }
0x8f: {  	v40 =	vadd.s32 s30, v14;
	s15 =	simm.s32 $0x2A4;
	s18 =	simm.s32 $0x1CA;
	v25 =	vadd.s32 s6, v0;
	s4 =	simm.s32 $0x62C;
	[tilespmem:v22+s12+$0x0] =	vst.idx.msk $0xffff, v26  }
0x90: {  	v42 =	vadd.s32 s21, v14;
	s19 =	simm.s32 $0x746;
	s7 =	simm.s32 $0x37E;
	v20 =	vld.idx.msk [tilespmem:v23+s11+$0x0], $0xffff;
	[dreg:$0x4] =	wrdreg s4  }
0x91: {  	s22 =	simm.s32 $0x438;
	s5 =	simm.s32 $0xC0;
	v44 =	vadd.s32 s7, v0;
	s6 =	simm.s32 $0x458;
	[tilespmem:v37+s12+$0x0] =	vst.idx.msk $0xffff, v30  }
0x92: {  	v43 =	vadd.s32 s1, v2;
	s3 =	simm.s32 $0x294;
	v46 =	vadd.s32 s5, v0;
	s5 =	simm.s32 $0x418;
	v28 =	vld.idx.msk [tilespmem:v63+s11+$0x0], $0xffff;
	[dreg:$0x9] =	wrdreg s6  }
0x93: {  	v47 =	vadd.s32 s20, v2;
	s10 =	simm.s32 $0xD0;
	s9 =	simm.s32 $0xE0;
	s7 =	simm.s32 $0x4F2;
	[tilespmem:v39+s12+$0x0] =	vst.idx.msk $0xffff, v38  }
0x94: {  	v34 =	vadd.s32 s7, v0;
	s7 =	simm.s32 $0x488;
	v29 =	vadd.s32 s5, v0;
	s5 =	simm.s32 $0x468;
	s17 =	simm.s32 $0x478;
	v32 =	vld.idx.msk [tilespmem:v40+s11+$0x0], $0xffff;
	[tilespmem:v25+s12+$0x0] =	vst.idx.msk $0xffff, v24  }
0x95: {  	v35 =	vadd.s32 s21, v15;
	v27 =	vadd.s32 s3, v0;
	s3 =	simm.s32 $0x726;
	s8 =	simm.s32 $0x5DC;
	v33 =	vld.idx.msk [tilespmem:v42+s11+$0x0], $0xffff;
	[smem:$0x7F5] =	sst s17  }
0x96: {  	v36 =	vadd.s32 s30, v15;
	v18 =	vadd.s32 s1, v1;
	s1 =	simm.s32 $0x562;
	s16 =	simm.s32 $0x716;
	v31 =	vadd.s32 s8, v0;
	s25 =	simm.s32 $0x64C;
	[tilespmem:v44+s12+$0x0] =	vst.idx.msk $0xffff, v41  }
0x97: {  	v19 =	vadd.s32 s30, v1;
	s8 =	simm.s32 $0x113;
	v22 =	vadd.s32 s2, v0;
	v26 =	vadd.s32 s24, v2;
	s2 =	simm.s32 $0x63C;
	v23 =	vld.idx.msk [tilespmem:v43+s11+$0x0], $0xffff;
	[smem:$0x7F6] =	sst s25  }
0x98: {  	v30 =	vadd.s32 s23, v7;
	s6 =	simm.s32 $0x746;
	v25 =	vadd.s32 s26, v2;
	s17 =	simm.s32 $0x572;
	s25 =	simm.s32 $0x65C;
	[tilespmem:v46+s12+$0x0] =	vst.idx.msk $0xffff, v45;
	v24 =	vld.idx.msk [tilespmem:v47+s11+$0x0], $0xffff  }
.LBB2_2:
0x99: {  	[smem:$0x7DC] =	sst s31  }
0x9a: {  	[smem:$0x7E0] =	sst s16  }
0x9b: {  	[smem:$0x7DE] =	sst s29  }
0x9c: {  	[smem:$0x7E4] =	sst s28  }
0x9d: {  	[smem:$0x7E9] =	sst s5  }
0x9e: {  	[smem:$0x7EB] =	sst s2  }
0x9f: {  	[smem:$0x7E6] =	sst s3  }
0xa0: {  	[smem:$0x7ED] =	sst s1;
	s3 =	sadd.s32 $0xFFFFFFB5, s8  }
0xa1: {  	[tilespmem:v27+s12+$0x0] =	vst.idx.msk $0xffff, v21;
	v21 =	vadd.s32 s20, v1;
	s20 =	sadd.s32 $0xFFFFFFE7, s8;
	s4 =	sadd.s32 $0xFFFFFCE2, s19;
	s5 =	sld [smem:$0x7F6]  }
0xa2: {  	v41 =	vadd.s32 s24, v1;
	s24 =	smov.u32 s23;
	s23 =	rddreg [dreg:$0x18];
	v38 =	vadd.s32 s9, v0;
	s9 =	smov.u32 s7  }
0xa3: {  	v26 =	vld.idx.msk [tilespmem:v26+s11+$0x0], $0xffff;
	[tilespmem:v29+s12+$0x0] =	vst.idx.msk $0xffff, v28;
	v28 =	vadd.s32 s10, v0;
	s10 =	sld [smem:$0x7F5];
	s7 =	sadd.s32 $0xFFFFFDBC, s19;
	s19 =	sadd.s32 $0x3A8, s19  }
0xa4: {  	v42 =	vadd.s32 s23, v0;
	[smem:$0x7E7] =	sst s9;
	s29 =	smov.u32 s5;
	s23 =	sadd.s32 $0xFFFFFD02, s19  }
0xa5: {  	v63 =	vadd.s32 s7, v0;
	s7 =	sadd.s32 $0xFFFFFD4C, s19;
	s5 =	sadd.s32 $0xFFFFFD12, s19;
	[smem:$0x7DD] =	sst s23  }
0xa6: {  	s9 =	sadd.s32 $0xFFFFFFCE, s8;
	v45 =	vadd.s32 s7, v0;
	s7 =	sadd.s32 $0xFFFFFFC0, s19;
	[smem:$0x7E3] =	sst s5  }
0xa7: {  	v37 =	vadd.s32 s8, v8;
	v61 =	vadd.s32 s15, v0;
	s15 =	sadd.s32 $0xFFFFFF20, s19;
	s23 =	sadd.s32 $0xFFFFFFD0, s19;
	[smem:$0x7DB] =	sst s7  }
0xa8: {  	v25 =	vld.idx.msk [tilespmem:v25+s11+$0x0], $0xffff;
	v44 =	vadd.s32 s15, v0;
	s15 =	sadd.s32 $0xFFFFFE36, s19;
	s16 =	smov.u32 s10;
	[smem:$0x7E1] =	sst s23  }
0xa9: {  	v30 =	vld.idx.msk [tilespmem:v30+s11+$0x0], $0xffff;
	[tilespmem:v34+s12+$0x0] =	vst.idx.msk $0xffff, v32;
	s10 =	sadd.s32 $0xFFFFFEA6, s6;
	v46 =	vadd.s32 s15, v0;
	s15 =	sadd.s32 $0xFFFFFDFC, s19;
	[smem:$0x7D7] =	sst s16  }
0xaa: {  	v27 =	vadd.s32 s3, v8;
	v40 =	vadd.s32 s4, v0;
	v36 =	vld.idx.msk [tilespmem:v36+s11+$0x0], $0xffff;
	[tilespmem:v31+s12+$0x0] =	vst.idx.msk $0xffff, v33;
	s7 =	sadd.s32 $0xFFFFFFE0, s19;
	s16 =	smov.u32 s22;
	[smem:$0x7DF] =	sst s15  }
0xab: {  	v31 =	vadd.s32 s26, v1;
	[tilespmem:v16+s12+$0x0] =	vst.idx.msk $0xffff, v24;
	v35 =	vld.idx.msk [tilespmem:v35+s11+$0x0], $0xffff;
	s22 =	smov.u32 s25;
	s25 =	smov.u32 s17;
	[smem:$0x7E8] =	sst s7  }
0xac: {  	[tilespmem:v22+s12+$0x0] =	vst.idx.msk $0xffff, v23;
	v24 =	vld.idx.msk [tilespmem:v37+s11+$0x0], $0xffff;
	s17 =	smov.u32 s6;
	s6 =	sadd.s32 $0xFFFFFDEC, s19;
	s7 =	sld [smem:$0x7F0]  }
0xad: {  	s2 =	sadd.s32 $0xFFFFFCF2, s19;
	v29 =	vadd.s32 s9, v8;
	v23 =	vld.idx.msk [tilespmem:v18+s11+$0x0], $0xffff;
	v22 =	vadd.s32 s10, v0;
	[tilespmem:v61+s12+$0x0] =	vst.idx.msk $0xffff, v25;
	s15 =	sadd.s32 $0xFFFFFD22, s19;
	[smem:$0x7DA] =	sst s6  }
0xae: {  	v62 =	vadd.s32 s20, v8;
	s4 =	sadd.s32 $0xFFFFFC62, s19;
	v21 =	vld.idx.msk [tilespmem:v21+s11+$0x0], $0xffff;
	[tilespmem:v28+s12+$0x0] =	vst.idx.msk $0xffff, v26;
	v26 =	vadd.s32 s18, v0;
	s18 =	sadd.s32 $0xFFFFFFB0, s19;
	[smem:$0x7EA] =	sst s15  }
0xaf: {  	s1 =	sadd.s32 $0xFFFFFFA0, s19;
	v16 =	vmov v17;
	v28 =	vadd.s32 s8, v9;
	s15 =	sadd.s32 $0xFFFFFD32, s19;
	v17 =	vld.idx.msk [tilespmem:v27+s11+$0x0], $0xffff;
	v27 =	vadd.s32 s4, v0;
	[smem:$0x7D8] =	sst s18;
	[tilespmem:v40+s12+$0x0] =	vst.idx.msk $0xffff, v30  }
0xb0: {  	s26 =	smov.u32 s21;
	s21 =	smov.u32 s20;
	v25 =	vadd.s32 s3, v9;
	[smem:$0x7F5] =	sst s15;
	v30 =	vld.idx.msk [tilespmem:v31+s11+$0x0], $0xffff;
	[tilespmem:v63+s12+$0x0] =	vst.idx.msk $0xffff, v36  }
0xb1: {  	s18 =	sadd.s32 $0xFFFFFEE6, s19;
	s15 =	smov.u32 s14;
	s14 =	sld [smem:$0x7F1];
	v47 =	vld.idx.msk [tilespmem:v41+s11+$0x0], $0xffff;
	[tilespmem:v44+s12+$0x0] =	vst.idx.msk $0xffff, v24  }
0xb2: {  	v49 =	vadd.s32 s30, v7;
	s20 =	sadd.s32 $0xFFFFFF90, s19;
	[smem:$0x7E2] =	sst s18;
	s18 =	sadd.s32 $0xFFFFFEF6, s19;
	v29 =	vld.idx.msk [tilespmem:v29+s11+$0x0], $0xffff;
	[tilespmem:v22+s12+$0x0] =	vst.idx.msk $0xffff, v35  }
0xb3: {  	s23 =	sadd.s32 $0xFFFFFF30, s19;
	v31 =	vadd.s32 s9, v9;
	[smem:$0x7EC] =	sst s18;
	v24 =	vadd.s32 s7, v0;
	s18 =	sadd.s32 $0xFFFFFE1C, s19;
	[tilespmem:v26+s12+$0x0] =	vst.idx.msk $0x3ff, v23;
	v22 =	vld.idx.msk [tilespmem:v62+s11+$0x0], $0xffff  }
0xb4: {  	s6 =	sadd.s32 $0xFFFFFE0C, s19;
	[smem:$0x7EE] =	sst s18;
	s18 =	sadd.s32 $0xFFFFFC72, s19;
	v23 =	vadd.s32 s26, v7;
	v26 =	vld.idx.msk [tilespmem:v28+s11+$0x0], $0xffff;
	[tilespmem:v27+s12+$0x0] =	vst.idx.msk $0xffff, v17;
	v27 =	vadd.s32 s23, v0  }
0xb5: {  	s5 =	sadd.s32 $0xFFFFFF16, s19;
	s4 =	sadd.s32 $0xFFFFFED6, s19;
	[smem:$0x7E5] =	sst s6;
	v28 =	vadd.s32 s24, v6;
	v25 =	vld.idx.msk [tilespmem:v25+s11+$0x0], $0xffff;
	[tilespmem:v42+s12+$0x0] =	vst.idx.msk $0x3ff, v30;
	v30 =	vadd.s32 s18, v0  }
0xb6: {  	v50 =	vadd.s32 s8, v10;
	s10 =	sadd.s32 $0xFFFFFDCC, s19;
	[smem:$0x7D9] =	sst s4;
	s23 =	sadd.s32 $0xFFFFFFF0, s19;
	[tilespmem:v38+s12+$0x0] =	vst.idx.msk $0x3ff, v47  }
0xb7: {  	v48 =	vadd.s32 s21, v9;
	v51 =	vld.idx.msk [tilespmem:v49+s11+$0x0], $0xffff;
	s18 =	smov.u32 s20;
	s20 =	sadd.s32 $0xFFFFFD5C, s19;
	[tilespmem:v45+s12+$0x0] =	vst.idx.msk $0xffff, v29;
	v29 =	vadd.s32 s14, v0;
	s14 =	smov.u32 s17  }
0xb8: {  	v17 =	vadd.s32 s23, v0;
	s23 =	smov.u32 s3;
	[tilespmem:v24+s12+$0x0] =	vst.idx.msk $0x3ff, v21;
	[smem:$0x7F0] =	sst s14;
	s14 =	sadd.s32 $0xFFFFFEB6, s14;
	v21 =	vld.idx.msk [tilespmem:v31+s11+$0x0], $0xffff;
	v31 =	vadd.s32 s20, v0  }
0xb9: {  	s4 =	sadd.s32 $0xFFFFFE2C, s19;
	v52 =	vadd.s32 s23, v10;
	[smem:$0x7F1] =	sst s18;
	s18 =	smov.u32 s25;
	v23 =	vld.idx.msk [tilespmem:v23+s11+$0x0], $0xffff;
	v24 =	vadd.s32 s14, v0;
	[tilespmem:v27+s12+$0x0] =	vst.idx.msk $0xffff, v26  }
0xba: {  	s17 =	smov.u32 s4;
	s25 =	smov.u32 s22;
	v26 =	vld.idx.msk [tilespmem:v28+s11+$0x0], $0xffff;
	[tilespmem:v30+s12+$0x0] =	vst.idx.msk $0xffff, v25;
	v25 =	vadd.s32 s9, v10;
	v30 =	vadd.s32 s16, v0;
	s16 =	sld [smem:$0x7F2]  }
0xbb: {  	[dreg:$0x18] =	wrdreg s25;
	s25 =	smov.u32 s5;
	s5 =	sadd.s32 $0xFFFFFF40, s19;
	[tilespmem:v46+s12+$0x0] =	vst.idx.msk $0xffff, v22  }
0xbc: {  	v53 =	vadd.s32 s15, v7;
	s22 =	smov.u32 s2;
	s4 =	sadd.s32 $0xFFFFFC82, s19;
	s2 =	sld [smem:$0x7DA];
	v54 =	vadd.s32 s5, v0;
	v28 =	vld.idx.msk [tilespmem:v50+s11+$0x0], $0xffff;
	[tilespmem:v29+s12+$0x0] =	vst.idx.msk $0xffff, v20  }
0xbd: {  	s5 =	sadd.s32 $0xFFFFFE46, s19;
	v36 =	vld.idx.msk [tilespmem:v48+s11+$0x0], $0xffff;
	v20 =	vadd.s32 s4, v0;
	s4 =	smov.u32 s10;
	[tilespmem:v31+s12+$0x0] =	vst.idx.msk $0xffff, v21;
	v57 =	vadd.s32 s16, v0;
	s16 =	sld [smem:$0x7F3]  }
0xbe: {  	v27 =	vadd.s32 s26, v6;
	v33 =	vld.idx.msk [tilespmem:v52+s11+$0x0], $0xffff;
	[smem:$0x7F2] =	sst s4;
	v21 =	vadd.s32 s5, v0;
	s5 =	sadd.s32 $0xFFFFFD6C, s19;
	s4 =	smov.u32 s1;
	[tilespmem:v24+s12+$0x0] =	vst.idx.msk $0xffff, v23  }
0xbf: {  	s28 =	sadd.s32 $0xFFFFFEC6, s19;
	v23 =	vadd.s32 s30, v6;
	[smem:$0x7F3] =	sst s4;
	v25 =	vld.idx.msk [tilespmem:v25+s11+$0x0], $0xffff;
	[tilespmem:v30+s12+$0x0] =	vst.idx.msk $0xffff, v26;
	v30 =	vadd.s32 s5, v0  }
0xc0: {  	v55 =	vadd.s32 s24, v5;
	s3 =	smov.u32 s28;
	v26 =	vadd.s32 s16, v0;
	s16 =	rddreg [dreg:$0x1c]  }
0xc1: {  	s31 =	sadd.s32 $0xFFFFFDDC, s19;
	v22 =	vadd.s32 s8, v11;
	[dreg:$0x1c] =	wrdreg s3  }
0xc2: {  	v29 =	vld.idx.msk [tilespmem:v53+s11+$0x0], $0xffff;
	s5 =	sadd.s32 $0xFFFFFF50, s19;
	s3 =	smov.u32 s31;
	v58 =	vadd.s32 s16, v0;
	s16 =	rddreg [dreg:$0x1d]  }
0xc3: {  	v56 =	vadd.s32 s23, v11;
	v24 =	vld.idx.msk [tilespmem:v27+s11+$0x0], $0xffff;
	v59 =	vadd.s32 s5, v0;
	s5 =	sadd.s32 $0xFFFFFE56, s19;
	[dreg:$0x1d] =	wrdreg s3;
	[tilespmem:v57+s12+$0x0] =	vst.idx.msk $0xffff, v51  }
0xc4: {  	s20 =	smov.u32 s15;
	v27 =	vadd.s32 s21, v10;
	v23 =	vld.idx.msk [tilespmem:v23+s11+$0x0], $0xffff;
	[tilespmem:v30+s12+$0x0] =	vst.idx.msk $0xffff, v25;
	v25 =	vadd.s32 s5, v0;
	s5 =	sld [smem:$0x7D8]  }
0xc5: {  	v31 =	vadd.s32 s20, v6;
	s4 =	sadd.s32 $0xFFFFFC92, s19;
	[tilespmem:v54+s12+$0x0] =	vst.idx.msk $0xffff, v28;
	v28 =	vld.idx.msk [tilespmem:v55+s11+$0x0], $0xffff;
	s3 =	sld [smem:$0x7DD]  }
0xc6: {  	v60 =	vadd.s32 s26, v5;
	v61 =	vadd.s32 s4, v0;
	s4 =	rddreg [dreg:$0x14];
	[tilespmem:v20+s12+$0x0] =	vst.idx.msk $0xffff, v33;
	v22 =	vld.idx.msk [tilespmem:v22+s11+$0x0], $0xffff  }
0xc7: {  	v20 =	vadd.s32 s9, v11;
	[tilespmem:v21+s12+$0x0] =	vst.idx.msk $0xffff, v36;
	v63 =	vadd.s32 s16, v0;
	s16 =	smov.u32 s5;
	s5 =	sld [smem:$0x7D9]  }
0xc8: {  	v32 =	vld.idx.msk [tilespmem:v56+s11+$0x0], $0xffff;
	v21 =	vadd.s32 s8, v12;
	s31 =	smov.u32 s3;
	s3 =	sld [smem:$0x7DF];
	[tilespmem:v26+s12+$0x0] =	vst.idx.msk $0xffff, v29  }
0xc9: {  	v27 =	vld.idx.msk [tilespmem:v27+s11+$0x0], $0xffff;
	v26 =	vadd.s32 s30, v5;
	[tilespmem:v58+s12+$0x0] =	vst.idx.msk $0xffff, v24;
	v24 =	vadd.s32 s4, v0;
	s4 =	rddreg [dreg:$0x8]  }
0xca: {  	v30 =	vadd.s32 s21, v11;
	v29 =	vld.idx.msk [tilespmem:v31+s11+$0x0], $0xffff;
	[dreg:$0x14] =	wrdreg s16;
	s16 =	smov.u32 s5  }
0xcb: {  	v40 =	vadd.s32 s20, v5;
	s1 =	sadd.s32 $0xFFFFFD7C, s19;
	[tilespmem:v59+s12+$0x0] =	vst.idx.msk $0xffff, v22;
	v22 =	vld.idx.msk [tilespmem:v60+s11+$0x0], $0xffff;
	v42 =	vadd.s32 s4, v0;
	[dreg:$0x8] =	wrdreg s16  }
0xcc: {  	s15 =	smov.u32 s29;
	v20 =	vld.idx.msk [tilespmem:v20+s11+$0x0], $0xffff;
	v31 =	vadd.s32 s1, v0;
	s1 =	sadd.s32 $0xFFFFFF60, s19;
	s16 =	sld [smem:$0x7F4]  }
0xcd: {  	v62 =	vadd.s32 s23, v12;
	v21 =	vld.idx.msk [tilespmem:v21+s11+$0x0], $0xffff;
	s4 =	sadd.s32 $0xFFFFFCA2, s19;
	s29 =	smov.u32 s3;
	s3 =	sld [smem:$0x7E2];
	[tilespmem:v63+s12+$0x0] =	vst.idx.msk $0xffff, v23  }
0xce: {  	v44 =	vadd.s32 s1, v0;
	v45 =	vadd.s32 s4, v0;
	s4 =	smov.u32 s2;
	s2 =	sld [smem:$0x7DB];
	[tilespmem:v25+s12+$0x0] =	vst.idx.msk $0xffff, v27;
	v26 =	vld.idx.msk [tilespmem:v26+s11+$0x0], $0xffff  }
0xcf: {  	v41 =	vadd.s32 s9, v12;
	v30 =	vld.idx.msk [tilespmem:v30+s11+$0x0], $0xffff;
	[tilespmem:v24+s12+$0x0] =	vst.idx.msk $0xffff, v29;
	v46 =	vadd.s32 s16, v0;
	s16 =	rddreg [dreg:$0xf]  }
0xd0: {  	v25 =	vadd.s32 s8, v13;
	v29 =	vld.idx.msk [tilespmem:v40+s11+$0x0], $0xffff;
	[tilespmem:v42+s12+$0x0] =	vst.idx.msk $0xffff, v22;
	v22 =	vadd.s32 s16, v0;
	s16 =	sld [smem:$0x7DC]  }
0xd1: {  	[tilespmem:v61+s12+$0x0] =	vst.idx.msk $0xffff, v32;
	v23 =	vadd.s32 s26, v4;
	s5 =	sadd.s32 $0xFFFFFE66, s19;
	[smem:$0x7F4] =	sst s4;
	s4 =	smov.u32 s2  }
0xd2: {  	v43 =	vld.idx.msk [tilespmem:v62+s11+$0x0], $0xffff;
	v27 =	vadd.s32 s23, v13;
	[tilespmem:v31+s12+$0x0] =	vst.idx.msk $0xffff, v20;
	v20 =	vadd.s32 s5, v0;
	s5 =	sadd.s32 $0xFFFFFD8C, s19;
	[dreg:$0xf] =	wrdreg s4  }
0xd3: {  	v24 =	vadd.s32 s30, v4;
	v48 =	vadd.s32 s5, v0;
	[tilespmem:v44+s12+$0x0] =	vst.idx.msk $0xffff, v21;
	s5 =	sadd.s32 $0xFFFFFF70, s19;
	s4 =	sadd.s32 $0xFFFFFCB2, s19;
	v50 =	vadd.s32 s16, v0;
	s16 =	sld [smem:$0x7DE]  }
0xd4: {  	v31 =	vld.idx.msk [tilespmem:v41+s11+$0x0], $0xffff;
	v51 =	vadd.s32 s5, v0;
	s5 =	sadd.s32 $0xFFFFFE76, s19;
	[tilespmem:v46+s12+$0x0] =	vst.idx.msk $0xffff, v26;
	v26 =	vadd.s32 s4, v0;
	s4 =	sld [smem:$0x7E0]  }
0xd5: {  	v47 =	vadd.s32 s21, v12;
	v25 =	vld.idx.msk [tilespmem:v25+s11+$0x0], $0xffff;
	[tilespmem:v22+s12+$0x0] =	vst.idx.msk $0xffff, v29;
	v22 =	vadd.s32 s5, v0;
	s5 =	sld [smem:$0x7E1]  }
0xd6: {  	s2 =	rddreg [dreg:$0x4];
	v21 =	vld.idx.msk [tilespmem:v23+s11+$0x0], $0xffff;
	v23 =	vadd.s32 s20, v4  }
0xd7: {  	v49 =	vadd.s32 s9, v13;
	v52 =	vadd.s32 s24, v4;
	v55 =	vadd.s32 s2, v0;
	s2 =	sld [smem:$0x7E3];
	[tilespmem:v45+s12+$0x0] =	vst.idx.msk $0xffff, v43  }
0xd8: {  	v27 =	vld.idx.msk [tilespmem:v27+s11+$0x0], $0xffff;
	v53 =	vadd.s32 s16, v0;
	[tilespmem:v50+s12+$0x0] =	vst.idx.msk $0xffff, v28;
	v28 =	vadd.s32 s4, v0;
	s16 =	smov.u32 s5;
	s4 =	smov.u32 s3;
	s5 =	rddreg [dreg:$0x9]  }
0xd9: {  	[tilespmem:v20+s12+$0x0] =	vst.idx.msk $0xffff, v30;
	v20 =	vadd.s32 s8, v14;
	v24 =	vld.idx.msk [tilespmem:v24+s11+$0x0], $0xffff;
	s3 =	sadd.s32 $0xFFFFFD9C, s19;
	[dreg:$0x4] =	wrdreg s4  }
0xda: {  	v30 =	vadd.s32 s23, v14;
	v32 =	vld.idx.msk [tilespmem:v47+s11+$0x0], $0xffff;
	s4 =	smov.u32 s2;
	v59 =	vadd.s32 s3, v0;
	s3 =	sld [smem:$0x7E6]  }
0xdb: {  	v54 =	vadd.s32 s21, v13;
	v56 =	vadd.s32 s20, v3;
	[tilespmem:v48+s12+$0x0] =	vst.idx.msk $0xffff, v31;
	v23 =	vld.idx.msk [tilespmem:v23+s11+$0x0], $0xffff;
	[dreg:$0x9] =	wrdreg s4;
	s4 =	sadd.s32 $0xFFFFFE86, s19  }
0xdc: {  	v29 =	vadd.s32 s30, v3;
	v31 =	vld.idx.msk [tilespmem:v49+s11+$0x0], $0xffff;
	[tilespmem:v51+s12+$0x0] =	vst.idx.msk $0xffff, v25;
	v60 =	vadd.s32 s4, v0;
	s4 =	sld [smem:$0x7E8]  }
0xdd: {  	v25 =	vld.idx.msk [tilespmem:v52+s11+$0x0], $0xffff;
	[tilespmem:v26+s12+$0x0] =	vst.idx.msk $0xffff, v27;
	v26 =	vadd.s32 s5, v0;
	v27 =	vadd.s32 s26, v3;
	s5 =	sadd.s32 $0xFFFFFCC2, s19;
	s2 =	sld [smem:$0x7E5]  }
0xde: {  	v58 =	vadd.s32 s24, v3;
	s1 =	sadd.s32 $0xFFFFFF80, s19;
	v20 =	vld.idx.msk [tilespmem:v20+s11+$0x0], $0xffff;
	[tilespmem:v53+s12+$0x0] =	vst.idx.msk $0xffff, v24;
	v24 =	vadd.s32 s5, v0;
	s5 =	sld [smem:$0x7E4]  }
0xdf: {  	v57 =	vadd.s32 s1, v0;
	v30 =	vld.idx.msk [tilespmem:v30+s11+$0x0], $0xffff;
	[tilespmem:v22+s12+$0x0] =	vst.idx.msk $0xffff, v32;
	v43 =	vadd.s32 s3, v0;
	s3 =	smov.u32 s4;
	s4 =	sld [smem:$0x7EB]  }
0xe0: {  	v22 =	vadd.s32 s8, v15;
	v33 =	vld.idx.msk [tilespmem:v54+s11+$0x0], $0xffff;
	s28 =	smov.u32 s2;
	s2 =	sld [smem:$0x7EA]  }
0xe1: {  	[tilespmem:v55+s12+$0x0] =	vst.idx.msk $0xffff, v21;
	v38 =	vld.idx.msk [tilespmem:v29+s11+$0x0], $0xffff;
	v62 =	vadd.s32 s5, v0;
	s5 =	sld [smem:$0x7E9]  }
0xe2: {  	[tilespmem:v28+s12+$0x0] =	vst.idx.msk $0xffff, v23;
	v21 =	vld.idx.msk [tilespmem:v27+s11+$0x0], $0xffff;
	v27 =	vadd.s32 s4, v0;
	s4 =	sld [smem:$0x7EC]  }
0xe3: {  	v35 =	vld.idx.msk [tilespmem:v56+s11+$0x0], $0xffff;
	[tilespmem:v26+s12+$0x0] =	vst.idx.msk $0xffff, v25  }
0xe4: {  	v29 =	vadd.s32 s23, v15;
	[tilespmem:v57+s12+$0x0] =	vst.idx.msk $0xffff, v20;
	v37 =	vld.idx.msk [tilespmem:v58+s11+$0x0], $0xffff  }
0xe5: {  	v61 =	vadd.s32 s21, v14;
	v20 =	vld.idx.msk [tilespmem:v22+s11+$0x0], $0xffff;
	v22 =	vadd.s32 s5, v0;
	s5 =	smov.u32 s2;
	s2 =	smov.u32 s4;
	s4 =	sadd.s32 $0xFFFFFDAC, s19  }
0xe6: {  	v23 =	vadd.s32 s9, v14;
	v34 =	vadd.s32 s4, v0;
	s4 =	sadd.s32 $0xFFFFFE96, s19  }
0xe7: {  	s0 =	sadd.s32 $0x4, s0;
	v63 =	vadd.s32 s30, v2;
	[tilespmem:v59+s12+$0x0] =	vst.idx.msk $0xffff, v31;
	v31 =	vadd.s32 s4, v0;
	s4 =	sld [smem:$0x7ED]  }
0xe8: {  	p0 =	slt.u32 s0, $0x7C;
	[tilespmem:v24+s12+$0x0] =	vst.idx.msk $0xffff, v30;
	v24 =	vadd.s32 s20, v2  }
.Ltmp0:
0xe9: {  	[tilespmem:v60+s12+$0x0] =	vst.idx.msk $0xffff, v33;
	v28 =	vld.idx.msk [tilespmem:v29+s11+$0x0], $0xffff;
	(pc) =	sbr.rel @p0 .LBB2_2-.Ltmp0, $4  }
0xea: {  	s6 =	sadd.s32 $0xFFFFFF06, s19;
	s30 =	smov.u32 s9;
	v33 =	vld.idx.msk [tilespmem:v61+s11+$0x0], $0xffff;
	[tilespmem:v22+s12+$0x0] =	vst.idx.msk $0xffff, v37;
	v22 =	vadd.s32 s4, v0;
	s4 =	sld [smem:$0x7EE]  }
0xeb: {  	v39 =	vadd.s32 s9, v1;
	[smem:$0x7F6] =	sst s6;
	s6 =	smov.u32 s19;
	s7 =	sadd.s32 $0xFFFFFD42, s19;
	v36 =	vadd.s32 s30, v15;
	v32 =	vld.idx.msk [tilespmem:v23+s11+$0x0], $0xffff;
	[tilespmem:v62+s12+$0x0] =	vst.idx.msk $0xffff, v38  }
0xec: {  	s14 =	smov.u32 s8;
	s10 =	sld [smem:$0x7D7];
	s1 =	sadd.s32 $0xFFFFFCD2, s19;
	v26 =	vadd.s32 s24, v2;
	v25 =	vadd.s32 s26, v2;
	[tilespmem:v43+s12+$0x0] =	vst.idx.msk $0xffff, v35;
	v23 =	vld.idx.msk [tilespmem:v63+s11+$0x0], $0xffff  }
0xed: {  	v18 =	vmovc v19;
	v19 =	vmovc v39;
	s8 =	sadd.s32 $0x64, s8;
	s9 =	sld [smem:$0x7E7];
	v30 =	vadd.s32 s23, v7;
	v29 =	vadd.s32 s1, v0;
	v35 =	vadd.s32 s21, v15;
	v24 =	vld.idx.msk [tilespmem:v24+s11+$0x0], $0xffff;
	s1 =	smov.u32 s4  }
0xee: {  	_ =	sdelay $0x3  }
0xef: {  	s0 =	sadd.s32 $0xFFFFFDBC, s19;
	[tilespmem:v34+s12+$0x0] =	vst.idx.msk $0xffff, v32  }
0xf0: {  	v58 =	vadd.s32 s0, v0;
	[tilespmem:v31+s12+$0x0] =	vst.idx.msk $0xffff, v33;
	v34 =	vld.idx.msk [tilespmem:v36+s11+$0x0], $0xffff  }
0xf1: {  	s8 =	sadd.s32 $0xFFFFFEA6, s6;
	s4 =	sld [smem:$0x7F1]  }
0xf2: {  	v31 =	vadd.s32 s8, v0;
	v33 =	vld.idx.msk [tilespmem:v35+s11+$0x0], $0xffff;
	_ =	sdelay $0x1  }
0xf3: {  	v59 =	vadd.s32 s30, v7;
	v37 =	vadd.s32 s4, v0  }
0xf4: {  	v60 =	vadd.s32 s21, v7;
	[tilespmem:v58+s12+$0x0] =	vst.idx.msk $0xffff, v34  }
0xf5: {  	s8 =	sld [smem:$0x7F2]  }
0xf6: {  	[tilespmem:v31+s12+$0x0] =	vst.idx.msk $0xffff, v33  }
0xf7: {  	v38 =	vadd.s32 s14, v7;
	[tilespmem:v29+s12+$0x0] =	vst.idx.msk $0xffff, v28  }
0xf8: {  	s4 =	sadd.s32 $0xFFFFFEB6, s6;
	v31 =	vld.idx.msk [tilespmem:v59+s11+$0x0], $0xffff;
	[tilespmem:v37+s12+$0x0] =	vst.idx.msk $0xffff, v20;
	v61 =	vadd.s32 s8, v0  }
0xf9: {  	v62 =	vadd.s32 s4, v0;
	v28 =	vld.idx.msk [tilespmem:v60+s11+$0x0], $0xffff;
	s8 =	sadd.s32 $0xFFFFFCE2, s19;
	s19 =	sld [smem:$0x7F3]  }
0xfa: {  	v29 =	vadd.s32 s30, v6  }
0xfb: {  	v40 =	vadd.s32 s21, v6;
	v30 =	vld.idx.msk [tilespmem:v30+s11+$0x0], $0xffff;
	v63 =	vadd.s32 s8, v0  }
0xfc: {  	v37 =	vld.idx.msk [tilespmem:v38+s11+$0x0], $0xffff;
	v20 =	vadd.s32 s19, v0  }
0xfd: {  	v41 =	vadd.s32 s23, v6;
	[tilespmem:v61+s12+$0x0] =	vst.idx.msk $0xffff, v31  }
0xfe: {  	v42 =	vadd.s32 s14, v6;
	s4 =	rddreg [dreg:$0x1d];
	[tilespmem:v62+s12+$0x0] =	vst.idx.msk $0xffff, v28  }
0xff: {  	v28 =	vld.idx.msk [tilespmem:v29+s11+$0x0], $0xffff;
	v31 =	vadd.s32 s4, v0;
	s8 =	rddreg [dreg:$0x1c]  }
0x100: {  	[tilespmem:v63+s12+$0x0] =	vst.idx.msk $0xffff, v30;
	v30 =	vld.idx.msk [tilespmem:v40+s11+$0x0], $0xffff;
	v29 =	vadd.s32 s8, v0  }
0x101: {  	[tilespmem:v20+s12+$0x0] =	vst.idx.msk $0xffff, v37  }
0x102: {  	v44 =	vadd.s32 s22, v0;
	v45 =	vadd.s32 s21, v5;
	v34 =	vld.idx.msk [tilespmem:v41+s11+$0x0], $0xffff;
	s19 =	rddreg [dreg:$0x14]  }
0x103: {  	v43 =	vadd.s32 s30, v5;
	v37 =	vld.idx.msk [tilespmem:v42+s11+$0x0], $0xffff;
	v20 =	vadd.s32 s19, v0  }
0x104: {  	v46 =	vadd.s32 s23, v5;
	[tilespmem:v31+s12+$0x0] =	vst.idx.msk $0xffff, v28  }
0x105: {  	v47 =	vadd.s32 s14, v5;
	s22 =	sld [smem:$0x7F4];
	[tilespmem:v29+s12+$0x0] =	vst.idx.msk $0xffff, v30  }
0x106: {  	s4 =	rddreg [dreg:$0x8]  }
0x107: {  	[tilespmem:v44+s12+$0x0] =	vst.idx.msk $0xffff, v34;
	v31 =	vld.idx.msk [tilespmem:v45+s11+$0x0], $0xffff;
	v30 =	vadd.s32 s4, v0  }
0x108: {  	v29 =	vld.idx.msk [tilespmem:v43+s11+$0x0], $0xffff;
	[tilespmem:v20+s12+$0x0] =	vst.idx.msk $0xffff, v37;
	v28 =	vadd.s32 s22, v0  }
0x109: {  	v49 =	vadd.s32 s31, v0;
	v34 =	vld.idx.msk [tilespmem:v46+s11+$0x0], $0xffff;
	s8 =	rddreg [dreg:$0xf]  }
0x10a: {  	v48 =	vadd.s32 s30, v4;
	v51 =	vld.idx.msk [tilespmem:v47+s11+$0x0], $0xffff;
	v20 =	vadd.s32 s8, v0  }
0x10b: {  	v50 =	vadd.s32 s21, v4;
	[tilespmem:v27+s12+$0x0] =	vst.idx.msk $0xffff, v21  }
0x10c: {  	v52 =	vadd.s32 s23, v4;
	[tilespmem:v30+s12+$0x0] =	vst.idx.msk $0xffff, v31  }
0x10d: {  	v21 =	vadd.s32 s14, v4;
	[tilespmem:v28+s12+$0x0] =	vst.idx.msk $0xffff, v29  }
0x10e: {  	s19 =	rddreg [dreg:$0x4];
	[tilespmem:v49+s12+$0x0] =	vst.idx.msk $0xffff, v34  }
0x10f: {  	v27 =	vadd.s32 s29, v0;
	v28 =	vld.idx.msk [tilespmem:v48+s11+$0x0], $0xffff;
	[tilespmem:v20+s12+$0x0] =	vst.idx.msk $0xffff, v51  }
0x110: {  	v31 =	vadd.s32 s30, v3;
	v30 =	vld.idx.msk [tilespmem:v50+s11+$0x0], $0xffff;
	v29 =	vadd.s32 s19, v0;
	s22 =	rddreg [dreg:$0x9]  }
0x111: {  	v54 =	vadd.s32 s21, v3;
	v20 =	vld.idx.msk [tilespmem:v52+s11+$0x0], $0xffff;
	v53 =	vadd.s32 s22, v0  }
0x112: {  	[tilespmem:v22+s12+$0x0] =	vst.idx.msk $0xffff, v23;
	v21 =	vld.idx.msk [tilespmem:v21+s11+$0x0], $0xffff;
	v22 =	vadd.s32 s16, v0;
	v23 =	vadd.s32 s23, v3  }
0x113: {  	v26 =	vld.idx.msk [tilespmem:v26+s11+$0x0], $0xffff;
	v55 =	vadd.s32 s10, v0;
	[tilespmem:v16+s12+$0x0] =	vst.idx.msk $0xffff, v24;
	v16 =	vadd.s32 s14, v3  }
0x114: {  	v24 =	vld.idx.msk [tilespmem:v25+s11+$0x0], $0xffff;
	v25 =	vadd.s32 s15, v0;
	[tilespmem:v27+s12+$0x0] =	vst.idx.msk $0xffff, v28  }
0x115: {  	v28 =	vld.idx.msk [tilespmem:v31+s11+$0x0], $0xffff;
	[tilespmem:v29+s12+$0x0] =	vst.idx.msk $0xffff, v30;
	v29 =	vadd.s32 s28, v0  }
0x116: {  	v31 =	vadd.s32 s2, v0;
	[tilespmem:v53+s12+$0x0] =	vst.idx.msk $0xffff, v20;
	v20 =	vld.idx.msk [tilespmem:v54+s11+$0x0], $0xffff  }
0x117: {  	v27 =	vadd.s32 s26, v1;
	[tilespmem:v22+s12+$0x0] =	vst.idx.msk $0xffff, v21;
	v22 =	vadd.s32 s5, v0;
	v21 =	vld.idx.msk [tilespmem:v23+s11+$0x0], $0xffff  }
0x118: {  	[tilespmem:v55+s12+$0x0] =	vst.idx.msk $0xffff, v26;
	v26 =	vadd.s32 s3, v0;
	v16 =	vld.idx.msk [tilespmem:v16+s11+$0x0], $0xffff  }
0x119: {  	v30 =	vadd.s32 s30, v2;
	[tilespmem:v25+s12+$0x0] =	vst.idx.msk $0xffff, v24  }
0x11a: {  	v57 =	vadd.s32 s18, v0;
	v18 =	vld.idx.msk [tilespmem:v18+s11+$0x0], $0xffff;
	v24 =	vadd.s32 s14, v2;
	s3 =	rddreg [dreg:$0x18];
	[tilespmem:v29+s12+$0x0] =	vst.idx.msk $0xffff, v28  }
0x11b: {  	v23 =	vadd.s32 s21, v2;
	[tilespmem:v31+s12+$0x0] =	vst.idx.msk $0xffff, v20  }
0x11c: {  	v56 =	vadd.s32 s23, v2;
	v58 =	vadd.s32 s3, v0;
	v27 =	vld.idx.msk [tilespmem:v27+s11+$0x0], $0xffff;
	[tilespmem:v22+s12+$0x0] =	vst.idx.msk $0xffff, v21  }
0x11d: {  	s4 =	sld [smem:$0x7F6];
	[tilespmem:v26+s12+$0x0] =	vst.idx.msk $0xffff, v16  }
0x11e: {  	v25 =	vadd.s32 s24, v1;
	v29 =	vld.idx.msk [tilespmem:v30+s11+$0x0], $0xffff;
	v30 =	vadd.s32 s1, v0;
	s5 =	sld [smem:$0x7F5]  }
0x11f: {  	[tilespmem:v57+s12+$0x0] =	vst.idx.msk $0x3ff, v18;
	v18 =	vld.idx.msk [tilespmem:v24+s11+$0x0], $0xffff  }
0x120: {  	v28 =	vadd.s32 s20, v1;
	v20 =	vld.idx.msk [tilespmem:v23+s11+$0x0], $0xffff;
	v21 =	vadd.s32 s4, v0  }
0x121: {  	v23 =	vadd.s32 s21, v1;
	v16 =	vld.idx.msk [tilespmem:v56+s11+$0x0], $0xffff;
	[tilespmem:v58+s12+$0x0] =	vst.idx.msk $0x3ff, v27;
	v22 =	vadd.s32 s5, v0  }
0x122: {  	v27 =	vadd.s32 s14, v1;
	s8 =	sld [smem:$0x7F0]  }
0x123: {  	v25 =	vld.idx.msk [tilespmem:v25+s11+$0x0], $0xffff;
	v26 =	vadd.s32 s9, v0;
	v24 =	vadd.s32 s23, v1;
	[tilespmem:v30+s12+$0x0] =	vst.idx.msk $0xffff, v29  }
0x124: {  	v29 =	vadd.s32 s17, v0;
	v19 =	vld.idx.msk [tilespmem:v19+s11+$0x0], $0xffff;
	[tilespmem:v17+s12+$0x0] =	vst.idx.msk $0xffff, v18  }
0x125: {  	v28 =	vld.idx.msk [tilespmem:v28+s11+$0x0], $0xffff;
	v31 =	vadd.s32 s8, v0;
	[tilespmem:v21+s12+$0x0] =	vst.idx.msk $0xffff, v20  }
0x126: {  	v20 =	vadd.s32 s25, v0;
	[tilespmem:v22+s12+$0x0] =	vst.idx.msk $0xffff, v16;
	v16 =	vld.idx.msk [tilespmem:v23+s11+$0x0], $0xffff  }
0x127: {  	v18 =	vld.idx.msk [tilespmem:v27+s11+$0x0], $0xffff;
	v22 =	vadd.s32 s6, v0  }
0x128: {  	[tilespmem:v26+s12+$0x0] =	vst.idx.msk $0x3ff, v25;
	v21 =	vadd.s32 s7, v0;
	v17 =	vld.idx.msk [tilespmem:v24+s11+$0x0], $0xffff  }
0x129: {  	[tilespmem:v29+s12+$0x0] =	vst.idx.msk $0x3ff, v19  }
0x12a: {  	[tilespmem:v31+s12+$0x0] =	vst.idx.msk $0x3ff, v28  }
0x12b: {  	[tilespmem:v20+s12+$0x0] =	vst.idx.msk $0x3ff, v16  }
0x12c: {  	s24 =	simm.s32 $0xC80;
	[tilespmem:v22+s12+$0x0] =	vst.idx.msk $0x3ff, v18  }
0x12d: {  	v16 =	vadd.s32 s24, v8;
	[tilespmem:v21+s12+$0x0] =	vst.idx.msk $0x3ff, v17  }
0x12e: {  	s10 =	sld [smem:$0x7F9];
	_ =	sdelay $0x1  }
0x12f: {  	s21 =	simm.s32 $0xCCB;
	s9 =	simm.s32 $0x0;
	s14 =	simm.s32 $0x0  }
0x130: {  	[hbm4b:s10+s9] =	stream.linear.scatter [tilespmem:s12], [sflag:$0x1], $0x7500, $0x38;
	[tilespmem:$0x11D00] =	vst v63  }
0x131: {  	v18 =	vadd.s32 s14, v0;
	v17 =	vadd.s32 s21, v8;
	v16 =	vld.idx.msk [tilespmem:v16+s11+$0x0], $0xffff  }
0x132: {  	v19 =	vadd.s32 s24, v9;
	_ =	sdelay $0x1  }
0x133: {  	s1 =	simm.s32 $0xC99  }
0x134: {  	s15 =	simm.s32 $0x2BE;
	s26 =	simm.s32 $0xCB2;
	v20 =	vadd.s32 s1, v8  }
0x135: {  	s16 =	simm.s32 $0x10;
	v22 =	vadd.s32 s15, v0;
	v21 =	vadd.s32 s26, v8;
	v17 =	vld.idx.msk [tilespmem:v17+s11+$0x0], $0xffff;
	[tilespmem:v18+s13+$0x0] =	vst.idx.msk $0xffff, v16  }
0x136: {  	v16 =	vadd.s32 s21, v9;
	v18 =	vld.idx.msk [tilespmem:v19+s11+$0x0], $0xffff;
	v19 =	vadd.s32 s16, v0  }
0x137: {  	v23 =	vadd.s32 s24, v10  }
0x138: {  	s17 =	simm.s32 $0xEA  }
0x139: {  	s18 =	simm.s32 $0x1D4;
	v24 =	vadd.s32 s17, v0;
	v20 =	vld.idx.msk [tilespmem:v20+s11+$0x0], $0xffff  }
0x13a: {  	s19 =	simm.s32 $0x2CE;
	v25 =	vadd.s32 s1, v9;
	v26 =	vadd.s32 s18, v0;
	v21 =	vld.idx.msk [tilespmem:v21+s11+$0x0], $0xffff;
	[tilespmem:v22+s13+$0x0] =	vst.idx.msk $0xffff, v17  }
0x13b: {  	s20 =	simm.s32 $0x20;
	v17 =	vadd.s32 s26, v9;
	v22 =	vadd.s32 s19, v0;
	v16 =	vld.idx.msk [tilespmem:v16+s11+$0x0], $0xffff;
	[tilespmem:v19+s13+$0x0] =	vst.idx.msk $0xffff, v18  }
0x13c: {  	v18 =	vadd.s32 s21, v10;
	v19 =	vld.idx.msk [tilespmem:v23+s11+$0x0], $0xffff;
	v23 =	vadd.s32 s20, v0  }
0x13d: {  	v27 =	vadd.s32 s24, v11  }
0x13e: {  	s22 =	simm.s32 $0xFA;
	[tilespmem:v24+s13+$0x0] =	vst.idx.msk $0xffff, v20  }
0x13f: {  	s23 =	simm.s32 $0x1E4;
	v24 =	vadd.s32 s22, v0;
	[tilespmem:v26+s13+$0x0] =	vst.idx.msk $0xffff, v21;
	v20 =	vld.idx.msk [tilespmem:v25+s11+$0x0], $0xffff  }
0x140: {  	s25 =	simm.s32 $0x2DE;
	v21 =	vadd.s32 s23, v0;
	v17 =	vld.idx.msk [tilespmem:v17+s11+$0x0], $0xffff;
	[tilespmem:v22+s13+$0x0] =	vst.idx.msk $0xffff, v16;
	v16 =	vadd.s32 s1, v10  }
0x141: {  	s3 =	simm.s32 $0x30;
	v25 =	vadd.s32 s26, v10;
	v22 =	vadd.s32 s25, v0;
	v18 =	vld.idx.msk [tilespmem:v18+s11+$0x0], $0xffff;
	[tilespmem:v23+s13+$0x0] =	vst.idx.msk $0xffff, v19  }
0x142: {  	v26 =	vadd.s32 s3, v0;
	v19 =	vadd.s32 s21, v11;
	v23 =	vld.idx.msk [tilespmem:v27+s11+$0x0], $0xffff  }
0x143: {  	v27 =	vadd.s32 s24, v12  }
0x144: {  	s4 =	simm.s32 $0x10A;
	[tilespmem:v24+s13+$0x0] =	vst.idx.msk $0xffff, v20  }
0x145: {  	s5 =	simm.s32 $0x1F4;
	v20 =	vadd.s32 s4, v0;
	[tilespmem:v21+s13+$0x0] =	vst.idx.msk $0xffff, v17;
	v16 =	vld.idx.msk [tilespmem:v16+s11+$0x0], $0xffff  }
0x146: {  	s6 =	simm.s32 $0x2EE;
	v17 =	vadd.s32 s1, v11;
	v21 =	vadd.s32 s5, v0;
	[tilespmem:v22+s13+$0x0] =	vst.idx.msk $0xffff, v18;
	v18 =	vld.idx.msk [tilespmem:v25+s11+$0x0], $0xffff  }
0x147: {  	s7 =	simm.s32 $0x40;
	v24 =	vadd.s32 s26, v11;
	v22 =	vadd.s32 s6, v0;
	v19 =	vld.idx.msk [tilespmem:v19+s11+$0x0], $0xffff;
	[tilespmem:v26+s13+$0x0] =	vst.idx.msk $0xffff, v23  }
0x148: {  	v23 =	vadd.s32 s21, v12;
	v26 =	vadd.s32 s7, v0;
	v25 =	vld.idx.msk [tilespmem:v27+s11+$0x0], $0xffff  }
0x149: {  	v27 =	vadd.s32 s24, v13  }
0x14a: {  	s8 =	simm.s32 $0x11A;
	[tilespmem:v20+s13+$0x0] =	vst.idx.msk $0xffff, v16  }
0x14b: {  	s9 =	simm.s32 $0x204;
	v16 =	vld.idx.msk [tilespmem:v17+s11+$0x0], $0xffff;
	v17 =	vadd.s32 s8, v0;
	[tilespmem:v21+s13+$0x0] =	vst.idx.msk $0xffff, v18  }
0x14c: {  	s10 =	simm.s32 $0x2FE;
	v20 =	vadd.s32 s9, v0;
	v18 =	vadd.s32 s1, v12;
	[tilespmem:v22+s13+$0x0] =	vst.idx.msk $0xffff, v19;
	v19 =	vld.idx.msk [tilespmem:v24+s11+$0x0], $0xffff  }
0x14d: {  	s14 =	simm.s32 $0x50;
	v22 =	vadd.s32 s10, v0;
	v21 =	vld.idx.msk [tilespmem:v23+s11+$0x0], $0xffff;
	v23 =	vadd.s32 s26, v12;
	[tilespmem:v26+s13+$0x0] =	vst.idx.msk $0xffff, v25  }
0x14e: {  	v24 =	vadd.s32 s21, v13;
	v26 =	vadd.s32 s14, v0;
	v25 =	vld.idx.msk [tilespmem:v27+s11+$0x0], $0xffff  }
0x14f: {  	v27 =	vadd.s32 s24, v14  }
0x150: {  	s15 =	simm.s32 $0x12A;
	[tilespmem:v17+s13+$0x0] =	vst.idx.msk $0xffff, v16  }
0x151: {  	s16 =	simm.s32 $0x214;
	v17 =	vadd.s32 s15, v0;
	v16 =	vld.idx.msk [tilespmem:v18+s11+$0x0], $0xffff;
	[tilespmem:v20+s13+$0x0] =	vst.idx.msk $0xffff, v19  }
0x152: {  	s17 =	simm.s32 $0x30E;
	v18 =	vadd.s32 s1, v13;
	v20 =	vadd.s32 s16, v0;
	[tilespmem:v22+s13+$0x0] =	vst.idx.msk $0xffff, v21;
	v19 =	vld.idx.msk [tilespmem:v23+s11+$0x0], $0xffff  }
0x153: {  	s18 =	simm.s32 $0x60;
	v22 =	vadd.s32 s17, v0;
	v23 =	vadd.s32 s26, v13;
	v21 =	vld.idx.msk [tilespmem:v24+s11+$0x0], $0xffff;
	[tilespmem:v26+s13+$0x0] =	vst.idx.msk $0xffff, v25  }
0x154: {  	v24 =	vadd.s32 s21, v14;
	v26 =	vadd.s32 s18, v0;
	v25 =	vld.idx.msk [tilespmem:v27+s11+$0x0], $0xffff  }
0x155: {  	v27 =	vadd.s32 s24, v15  }
0x156: {  	s19 =	simm.s32 $0x13A;
	[tilespmem:v17+s13+$0x0] =	vst.idx.msk $0xffff, v16  }
0x157: {  	s20 =	simm.s32 $0x224;
	v17 =	vadd.s32 s19, v0;
	v16 =	vld.idx.msk [tilespmem:v18+s11+$0x0], $0xffff;
	[tilespmem:v20+s13+$0x0] =	vst.idx.msk $0xffff, v19  }
0x158: {  	s22 =	simm.s32 $0x31E;
	v19 =	vadd.s32 s1, v14;
	v20 =	vadd.s32 s20, v0;
	[tilespmem:v22+s13+$0x0] =	vst.idx.msk $0xffff, v21;
	v18 =	vld.idx.msk [tilespmem:v23+s11+$0x0], $0xffff  }
0x159: {  	s23 =	simm.s32 $0x70;
	v22 =	vadd.s32 s22, v0;
	v23 =	vadd.s32 s26, v14;
	v21 =	vld.idx.msk [tilespmem:v24+s11+$0x0], $0xffff;
	[tilespmem:v26+s13+$0x0] =	vst.idx.msk $0xffff, v25  }
0x15a: {  	v24 =	vadd.s32 s21, v15;
	v26 =	vadd.s32 s23, v0;
	v25 =	vld.idx.msk [tilespmem:v27+s11+$0x0], $0xffff  }
0x15b: {  	s3 =	simm.s32 $0xD2F;
	v27 =	vadd.s32 s24, v7  }
0x15c: {  	s25 =	simm.s32 $0x14A;
	s23 =	simm.s32 $0xCE4;
	[tilespmem:v17+s13+$0x0] =	vst.idx.msk $0xffff, v16;
	v16 =	vadd.s32 s3, v8  }
0x15d: {  	s2 =	simm.s32 $0x234;
	v17 =	vld.idx.msk [tilespmem:v19+s11+$0x0], $0xffff;
	[tilespmem:v20+s13+$0x0] =	vst.idx.msk $0xffff, v18;
	v18 =	vadd.s32 s25, v0;
	v19 =	vadd.s32 s23, v8  }
0x15e: {  	[tilespmem:v22+s13+$0x0] =	vst.idx.msk $0xffff, v21;
	v20 =	vld.idx.msk [tilespmem:v23+s11+$0x0], $0xffff;
	v21 =	vadd.s32 s1, v15;
	v22 =	vadd.s32 s2, v0  }
0x15f: {  	s30 =	simm.s32 $0xCFD;
	s4 =	simm.s32 $0x80;
	v23 =	vld.idx.msk [tilespmem:v24+s11+$0x0], $0xffff;
	v24 =	vadd.s32 s26, v15;
	[tilespmem:v26+s13+$0x0] =	vst.idx.msk $0xffff, v25  }
0x160: {  	s5 =	simm.s32 $0x666;
	v25 =	vadd.s32 s30, v8;
	v26 =	vld.idx.msk [tilespmem:v27+s11+$0x0], $0xffff;
	v27 =	vadd.s32 s4, v0  }
0x161: {  	v30 =	vadd.s32 s5, v0;
	s6 =	simm.s32 $0x3A8;
	v29 =	vld.idx.msk [tilespmem:v16+s11+$0x0], $0xffff  }
0x162: {  	s7 =	simm.s32 $0x15A;
	[tilespmem:v18+s13+$0x0] =	vst.idx.msk $0xffff, v17;
	v17 =	vld.idx.msk [tilespmem:v19+s11+$0x0], $0xffff;
	v18 =	vadd.s32 s6, v0;
	v19 =	vadd.s32 s3, v9  }
0x163: {  	s8 =	simm.s32 $0x244;
	s20 =	simm.s32 $0xD16;
	v21 =	vld.idx.msk [tilespmem:v21+s11+$0x0], $0xffff;
	[tilespmem:v22+s13+$0x0] =	vst.idx.msk $0xffff, v20;
	v20 =	vadd.s32 s7, v0;
	v22 =	vadd.s32 s23, v9  }
0x164: {  	s9 =	simm.s32 $0x492;
	v31 =	vadd.s32 s8, v0;
	v28 =	vadd.s32 s20, v8;
	v24 =	vld.idx.msk [tilespmem:v24+s11+$0x0], $0xffff  }
0x165: {  	v60 =	vadd.s32 s9, v0;
	v25 =	vld.idx.msk [tilespmem:v25+s11+$0x0], $0xffff;
	[tilespmem:v27+s13+$0x0] =	vst.idx.msk $0xffff, v26;
	v26 =	vadd.s32 s26, v7  }
0x166: {  	s14 =	simm.s32 $0x676;
	v27 =	vadd.s32 s30, v9;
	[tilespmem:v30+s13+$0x0] =	vst.idx.msk $0xffff, v29  }
0x167: {  	s15 =	simm.s32 $0x3B8;
	v29 =	vadd.s32 s24, v6;
	[tilespmem:v18+s13+$0x0] =	vst.idx.msk $0xffff, v17;
	v18 =	vld.idx.msk [tilespmem:v19+s11+$0x0], $0xffff;
	v19 =	vadd.s32 s14, v0  }
0x168: {  	s17 =	simm.s32 $0x57C;
	[tilespmem:v20+s13+$0x0] =	vst.idx.msk $0xffff, v21;
	v20 =	vld.idx.msk [tilespmem:v22+s11+$0x0], $0xffff;
	v21 =	vadd.s32 s15, v0;
	v22 =	vadd.s32 s3, v10  }
0x169: {  	s16 =	simm.s32 $0x32E;
	v61 =	vadd.s32 s17, v0;
	v28 =	vld.idx.msk [tilespmem:v28+s11+$0x0], $0xffff;
	v30 =	vadd.s32 s23, v10;
	[tilespmem:v31+s13+$0x0] =	vst.idx.msk $0xffff, v24  }
0x16a: {  	s19 =	simm.s32 $0x254;
	v62 =	vadd.s32 s20, v9;
	v31 =	vadd.s32 s16, v0;
	[tilespmem:v60+s13+$0x0] =	vst.idx.msk $0xffff, v25;
	v25 =	vld.idx.msk [tilespmem:v26+s11+$0x0], $0xffff  }
0x16b: {  	v41 =	vadd.s32 s24, v5;
	v59 =	vadd.s32 s1, v7;
	v63 =	vadd.s32 s19, v0;
	s22 =	simm.s32 $0x4A2;
	v27 =	vld.idx.msk [tilespmem:v27+s11+$0x0], $0xffff  }
0x16c: {  	v40 =	vadd.s32 s22, v0;
	s25 =	simm.s32 $0x90;
	v26 =	vadd.s32 s21, v7;
	[tilespmem:v19+s13+$0x0] =	vst.idx.msk $0xffff, v18;
	v18 =	vld.idx.msk [tilespmem:v29+s11+$0x0], $0xffff  }
0x16d: {  	s4 =	simm.s32 $0x686;
	v19 =	vadd.s32 s26, v6;
	[tilespmem:v21+s13+$0x0] =	vst.idx.msk $0xffff, v20;
	v21 =	vld.idx.msk [tilespmem:v22+s11+$0x0], $0xffff;
	v22 =	vadd.s32 s25, v0  }
0x16e: {  	s5 =	simm.s32 $0x3C8;
	[tilespmem:v61+s13+$0x0] =	vst.idx.msk $0xffff, v28;
	v20 =	vadd.s32 s30, v10;
	v29 =	vld.idx.msk [tilespmem:v30+s11+$0x0], $0xffff;
	v30 =	vadd.s32 s4, v0  }
0x16f: {  	v43 =	vadd.s32 s20, v10;
	s6 =	simm.s32 $0x16A;
	v32 =	vld.idx.msk [tilespmem:v62+s11+$0x0], $0xffff;
	[tilespmem:v31+s13+$0x0] =	vst.idx.msk $0xffff, v23;
	v23 =	vadd.s32 s5, v0  }
0x170: {  	v28 =	vadd.s32 s3, v11;
	s7 =	simm.s32 $0x58C;
	v42 =	vadd.s32 s6, v0;
	v24 =	vld.idx.msk [tilespmem:v59+s11+$0x0], $0xffff;
	[tilespmem:v63+s13+$0x0] =	vst.idx.msk $0xffff, v25  }
0x171: {  	s8 =	simm.s32 $0x33E;
	v46 =	vadd.s32 s23, v12;
	v31 =	vadd.s32 s23, v11;
	v26 =	vld.idx.msk [tilespmem:v26+s11+$0x0], $0xffff;
	[tilespmem:v40+s13+$0x0] =	vst.idx.msk $0xffff, v27;
	v25 =	vadd.s32 s7, v0  }
0x172: {  	s9 =	simm.s32 $0x4B2;
	s10 =	simm.s32 $0x38E;
	v27 =	vadd.s32 s1, v6;
	v19 =	vld.idx.msk [tilespmem:v19+s11+$0x0], $0xffff;
	[tilespmem:v22+s13+$0x0] =	vst.idx.msk $0xffff, v18;
	v18 =	vadd.s32 s8, v0  }
0x173: {  	v16 =	vadd.s32 s10, v0;
	s10 =	simm.s32 $0x264;
	v20 =	vld.idx.msk [tilespmem:v20+s11+$0x0], $0xffff;
	v22 =	vadd.s32 s9, v0;
	[tilespmem:v30+s13+$0x0] =	vst.idx.msk $0xffff, v21  }
0x174: {  	s14 =	simm.s32 $0x696;
	v21 =	vld.idx.msk [tilespmem:v41+s11+$0x0], $0xffff;
	v30 =	vadd.s32 s21, v6;
	[tilespmem:v23+s13+$0x0] =	vst.idx.msk $0xffff, v29;
	v29 =	vadd.s32 s10, v0  }
0x175: {  	s15 =	simm.s32 $0x3D8;
	v44 =	vadd.s32 s14, v0;
	[tilespmem:v42+s13+$0x0] =	vst.idx.msk $0xffff, v24;
	v23 =	vadd.s32 s30, v11;
	v28 =	vld.idx.msk [tilespmem:v28+s11+$0x0], $0xffff  }
0x176: {  	s16 =	simm.s32 $0x17A;
	v45 =	vadd.s32 s15, v0;
	v24 =	vadd.s32 s26, v5;
	v31 =	vld.idx.msk [tilespmem:v31+s11+$0x0], $0xffff;
	[tilespmem:v25+s13+$0x0] =	vst.idx.msk $0xffff, v32  }
0x177: {  	s17 =	simm.s32 $0x59C;
	s18 =	simm.s32 $0x736;
	v47 =	vadd.s32 s16, v0;
	v25 =	vadd.s32 s3, v12;
	v27 =	vld.idx.msk [tilespmem:v27+s11+$0x0], $0xffff;
	[tilespmem:v18+s13+$0x0] =	vst.idx.msk $0xffff, v26  }
0x178: {  	v17 =	vadd.s32 s18, v0;
	s18 =	simm.s32 $0x34E;
	v34 =	vld.idx.msk [tilespmem:v43+s11+$0x0], $0xffff;
	[tilespmem:v22+s13+$0x0] =	vst.idx.msk $0xffff, v20;
	v18 =	vadd.s32 s17, v0  }
0x179: {  	s19 =	simm.s32 $0x4C2;
	v20 =	vadd.s32 s1, v5;
	v22 =	vld.idx.msk [tilespmem:v30+s11+$0x0], $0xffff;
	[tilespmem:v29+s13+$0x0] =	vst.idx.msk $0xffff, v19;
	v19 =	vadd.s32 s18, v0  }
0x17a: {  	s22 =	simm.s32 $0x274;
	v26 =	vadd.s32 s20, v11;
	v23 =	vld.idx.msk [tilespmem:v23+s11+$0x0], $0xffff;
	v29 =	vadd.s32 s19, v0;
	[tilespmem:v44+s13+$0x0] =	vst.idx.msk $0xffff, v28  }
0x17b: {  	s25 =	simm.s32 $0x6A6;
	v24 =	vld.idx.msk [tilespmem:v24+s11+$0x0], $0xffff;
	v28 =	vadd.s32 s21, v5;
	[tilespmem:v45+s13+$0x0] =	vst.idx.msk $0xffff, v31;
	v31 =	vadd.s32 s22, v0  }
0x17c: {  	s4 =	simm.s32 $0x3E8;
	v48 =	vadd.s32 s25, v0;
	v30 =	vadd.s32 s30, v12;
	v25 =	vld.idx.msk [tilespmem:v25+s11+$0x0], $0xffff;
	[tilespmem:v47+s13+$0x0] =	vst.idx.msk $0xffff, v27  }
0x17d: {  	s5 =	simm.s32 $0x18A;
	v49 =	vadd.s32 s4, v0;
	v32 =	vld.idx.msk [tilespmem:v46+s11+$0x0], $0xffff;
	v27 =	vadd.s32 s26, v4;
	[tilespmem:v18+s13+$0x0] =	vst.idx.msk $0xffff, v34  }
0x17e: {  	v50 =	vadd.s32 s23, v13;
	s6 =	simm.s32 $0x5AC;
	v51 =	vadd.s32 s5, v0;
	v20 =	vld.idx.msk [tilespmem:v20+s11+$0x0], $0xffff;
	[tilespmem:v19+s13+$0x0] =	vst.idx.msk $0xffff, v22  }
0x17f: {  	v18 =	vadd.s32 s3, v13;
	v26 =	vld.idx.msk [tilespmem:v26+s11+$0x0], $0xffff;
	[tilespmem:v29+s13+$0x0] =	vst.idx.msk $0xffff, v23;
	v19 =	vadd.s32 s6, v0  }
0x180: {  	s7 =	simm.s32 $0x35E;
	v22 =	vadd.s32 s1, v4;
	v23 =	vld.idx.msk [tilespmem:v28+s11+$0x0], $0xffff;
	[tilespmem:v31+s13+$0x0] =	vst.idx.msk $0xffff, v24  }
0x181: {  	s8 =	simm.s32 $0x4D2;
	v28 =	vld.idx.msk [tilespmem:v30+s11+$0x0], $0xffff;
	v24 =	vadd.s32 s7, v0;
	[tilespmem:v48+s13+$0x0] =	vst.idx.msk $0xffff, v25  }
0x182: {  	s9 =	simm.s32 $0xA0;
	v29 =	vadd.s32 s20, v12;
	v30 =	vadd.s32 s8, v0;
	v25 =	vld.idx.msk [tilespmem:v27+s11+$0x0], $0xffff;
	[tilespmem:v49+s13+$0x0] =	vst.idx.msk $0xffff, v32  }
0x183: {  	s10 =	simm.s32 $0x6B6;
	v52 =	vadd.s32 s9, v0;
	v27 =	vadd.s32 s21, v4;
	v53 =	vld.idx.msk [tilespmem:v50+s11+$0x0], $0xffff;
	[tilespmem:v51+s13+$0x0] =	vst.idx.msk $0xffff, v20  }
0x184: {  	s14 =	simm.s32 $0x3F8;
	s16 =	simm.s32 $0x39E;
	v54 =	vadd.s32 s10, v0;
	v31 =	vadd.s32 s30, v13;
	v18 =	vld.idx.msk [tilespmem:v18+s11+$0x0], $0xffff;
	[tilespmem:v19+s13+$0x0] =	vst.idx.msk $0xffff, v26  }
0x185: {  	v55 =	vadd.s32 s24, v4;
	v20 =	vadd.s32 s14, v0;
	v22 =	vld.idx.msk [tilespmem:v22+s11+$0x0], $0xffff;
	[smem:$0x7D0] =	sst s16  }
0x186: {  	s15 =	simm.s32 $0x19A;
	v19 =	vadd.s32 s3, v14;
	[tilespmem:v24+s13+$0x0] =	vst.idx.msk $0xffff, v23  }
0x187: {  	v56 =	vadd.s32 s15, v0;
	s18 =	simm.s32 $0x5BC;
	v29 =	vld.idx.msk [tilespmem:v29+s11+$0x0], $0xffff;
	[tilespmem:v30+s13+$0x0] =	vst.idx.msk $0xffff, v28  }
0x188: {  	v26 =	vadd.s32 s23, v14;
	v23 =	vadd.s32 s18, v0;
	[tilespmem:v52+s13+$0x0] =	vst.idx.msk $0xffff, v21;
	v27 =	vld.idx.msk [tilespmem:v27+s11+$0x0], $0xffff  }
0x189: {  	v24 =	vadd.s32 s1, v3;
	v30 =	vld.idx.msk [tilespmem:v31+s11+$0x0], $0xffff;
	[tilespmem:v54+s13+$0x0] =	vst.idx.msk $0xffff, v18  }
0x18a: {  	s19 =	simm.s32 $0x36E;
	s22 =	simm.s32 $0x2B4;
	v18 =	vld.idx.msk [tilespmem:v55+s11+$0x0], $0xffff;
	[tilespmem:v20+s13+$0x0] =	vst.idx.msk $0xffff, v53  }
0x18b: {  	v21 =	vadd.s32 s19, v0;
	v19 =	vld.idx.msk [tilespmem:v19+s11+$0x0], $0xffff;
	[dreg:$0x19] =	wrdreg s22  }
0x18c: {  	s17 =	simm.s32 $0x284;
	v28 =	vadd.s32 s20, v13;
	[tilespmem:v56+s13+$0x0] =	vst.idx.msk $0xffff, v22  }
0x18d: {  	s25 =	simm.s32 $0x408;
	v31 =	vadd.s32 s17, v0;
	s17 =	simm.s32 $0x6D6;
	v26 =	vld.idx.msk [tilespmem:v26+s11+$0x0], $0xffff;
	[tilespmem:v23+s13+$0x0] =	vst.idx.msk $0xffff, v29  }
0x18e: {  	v22 =	vadd.s32 s25, v0;
	s25 =	simm.s32 $0x512;
	v24 =	vld.idx.msk [tilespmem:v24+s11+$0x0], $0xffff;
	[smem:$0x7D1] =	sst s17  }
0x18f: {  	v57 =	vadd.s32 s21, v3;
	s4 =	simm.s32 $0xB0;
	[smem:$0x7D2] =	sst s25  }
0x190: {  	v20 =	vadd.s32 s4, v0;
	s17 =	simm.s32 $0x6E6;
	[tilespmem:v21+s13+$0x0] =	vst.idx.msk $0xffff, v27  }
0x191: {  	v58 =	vadd.s32 s26, v3;
	s4 =	simm.s32 $0x4E2;
	s25 =	simm.s32 $0x522;
	v63 =	vld.idx.msk [tilespmem:v28+s11+$0x0], $0xffff;
	[smem:$0x7D3] =	sst s17  }
0x192: {  	s8 =	simm.s32 $0x6C6;
	v62 =	vadd.s32 s4, v0;
	s4 =	simm.s32 $0x5CC;
	[dreg:$0x1f] =	wrdreg s25  }
0x193: {  	v59 =	vadd.s32 s8, v0;
	v39 =	vadd.s32 s4, v0;
	s4 =	simm.s32 $0x60C;
	[tilespmem:v31+s13+$0x0] =	vst.idx.msk $0xffff, v25  }
0x194: {  	v60 =	vadd.s32 s24, v3;
	v41 =	vld.idx.msk [tilespmem:v57+s11+$0x0], $0xffff;
	[dreg:$0x1e] =	wrdreg s4  }
0x195: {  	s8 =	simm.s32 $0x61C;
	[tilespmem:v20+s13+$0x0] =	vst.idx.msk $0xffff, v18  }
0x196: {  	s14 =	simm.s32 $0xD2F;
	s16 =	simm.s32 $0x6F6;
	v21 =	vld.idx.msk [tilespmem:v58+s11+$0x0], $0xffff;
	[dreg:$0xa] =	wrdreg s8  }
0x197: {  	s31 =	simm.s32 $0x448;
	v23 =	vadd.s32 s14, v15;
	[dreg:$0x15] =	wrdreg s16  }
0x198: {  	s0 =	simm.s32 $0x4;
	s29 =	simm.s32 $0x542;
	s17 =	simm.s32 $0x532;
	[tilespmem:v59+s13+$0x0] =	vst.idx.msk $0xffff, v19  }
0x199: {  	s28 =	simm.s32 $0x552;
	v61 =	vadd.s32 s23, v15;
	s25 =	simm.s32 $0x706;
	v45 =	vld.idx.msk [tilespmem:v60+s11+$0x0], $0xffff;
	[smem:$0x7D4] =	sst s17  }
0x19a: {  	s2 =	simm.s32 $0x1BA;
	s6 =	simm.s32 $0x1AA;
	[dreg:$0x10] =	wrdreg s25  }
0x19b: {  	s15 =	simm.s32 $0x2A4;
	s5 =	simm.s32 $0xC0;
	v40 =	vadd.s32 s30, v14;
	v25 =	vadd.s32 s6, v0;
	s4 =	simm.s32 $0x62C;
	[tilespmem:v22+s13+$0x0] =	vst.idx.msk $0xffff, v26  }
0x19c: {  	v42 =	vadd.s32 s20, v14;
	s9 =	simm.s32 $0xE0;
	s7 =	simm.s32 $0x37E;
	v20 =	vld.idx.msk [tilespmem:v23+s11+$0x0], $0xffff;
	[dreg:$0x5] =	wrdreg s4  }
0x19d: {  	s10 =	simm.s32 $0xD0;
	v44 =	vadd.s32 s7, v0;
	s7 =	simm.s32 $0x4F2;
	s6 =	simm.s32 $0x458;
	[tilespmem:v62+s13+$0x0] =	vst.idx.msk $0xffff, v30  }
0x19e: {  	v43 =	vadd.s32 s1, v2;
	v46 =	vadd.s32 s5, v0;
	s5 =	simm.s32 $0x418;
	v34 =	vadd.s32 s7, v0;
	s7 =	simm.s32 $0x488;
	v28 =	vld.idx.msk [tilespmem:v61+s11+$0x0], $0xffff;
	[dreg:$0xb] =	wrdreg s6  }
0x19f: {  	v47 =	vadd.s32 s21, v2;
	s3 =	simm.s32 $0x294;
	s18 =	simm.s32 $0x1CA;
	s19 =	simm.s32 $0x746;
	[tilespmem:v39+s13+$0x0] =	vst.idx.msk $0xffff, v63  }
0x1a0: {  	s22 =	simm.s32 $0x438;
	v29 =	vadd.s32 s5, v0;
	s5 =	simm.s32 $0x468;
	s17 =	simm.s32 $0x478;
	v32 =	vld.idx.msk [tilespmem:v40+s11+$0x0], $0xffff;
	[tilespmem:v25+s13+$0x0] =	vst.idx.msk $0xffff, v24  }
0x1a1: {  	v36 =	vadd.s32 s30, v15;
	v27 =	vadd.s32 s3, v0;
	s3 =	simm.s32 $0x726;
	s8 =	simm.s32 $0x5DC;
	v33 =	vld.idx.msk [tilespmem:v42+s11+$0x0], $0xffff;
	[smem:$0x7D5] =	sst s17  }
0x1a2: {  	v35 =	vadd.s32 s20, v15;
	v18 =	vadd.s32 s1, v1;
	s1 =	simm.s32 $0x562;
	s16 =	simm.s32 $0x716;
	v31 =	vadd.s32 s8, v0;
	s25 =	simm.s32 $0x64C;
	[tilespmem:v44+s13+$0x0] =	vst.idx.msk $0xffff, v41  }
0x1a3: {  	v19 =	vadd.s32 s30, v1;
	s8 =	simm.s32 $0xD93;
	v22 =	vadd.s32 s2, v0;
	v26 =	vadd.s32 s24, v2;
	s2 =	simm.s32 $0x63C;
	v23 =	vld.idx.msk [tilespmem:v43+s11+$0x0], $0xffff;
	[smem:$0x7D6] =	sst s25  }
0x1a4: {  	v30 =	vadd.s32 s23, v7;
	s6 =	simm.s32 $0x746;
	v25 =	vadd.s32 s26, v2;
	s17 =	simm.s32 $0x572;
	s25 =	simm.s32 $0x65C;
	[tilespmem:v46+s13+$0x0] =	vst.idx.msk $0xffff, v45;
	v24 =	vld.idx.msk [tilespmem:v47+s11+$0x0], $0xffff  }
.LBB2_4:
0x1a5: {  	[smem:$0x7BD] =	sst s31  }
0x1a6: {  	[smem:$0x7C1] =	sst s16  }
0x1a7: {  	[smem:$0x7BF] =	sst s29  }
0x1a8: {  	[smem:$0x7C5] =	sst s28  }
0x1a9: {  	[smem:$0x7CA] =	sst s5  }
0x1aa: {  	[smem:$0x7CC] =	sst s2  }
0x1ab: {  	[smem:$0x7C7] =	sst s3  }
0x1ac: {  	[smem:$0x7CE] =	sst s1;
	s3 =	sadd.s32 $0xFFFFFFB5, s8  }
0x1ad: {  	[tilespmem:v27+s13+$0x0] =	vst.idx.msk $0xffff, v21;
	v21 =	vadd.s32 s21, v1;
	s21 =	sadd.s32 $0xFFFFFFE7, s8;
	s4 =	sadd.s32 $0xFFFFFCE2, s19;
	s5 =	sld [smem:$0x7D6]  }
0x1ae: {  	v41 =	vadd.s32 s24, v1;
	s24 =	smov.u32 s23;
	s23 =	rddreg [dreg:$0x19];
	v38 =	vadd.s32 s9, v0;
	s9 =	smov.u32 s7  }
0x1af: {  	v26 =	vld.idx.msk [tilespmem:v26+s11+$0x0], $0xffff;
	[tilespmem:v29+s13+$0x0] =	vst.idx.msk $0xffff, v28;
	v28 =	vadd.s32 s10, v0;
	s10 =	sld [smem:$0x7D5];
	s7 =	sadd.s32 $0xFFFFFDBC, s19;
	s19 =	sadd.s32 $0x3A8, s19  }
0x1b0: {  	v42 =	vadd.s32 s23, v0;
	[smem:$0x7C8] =	sst s9;
	s29 =	smov.u32 s5;
	s23 =	sadd.s32 $0xFFFFFD02, s19  }
0x1b1: {  	v63 =	vadd.s32 s7, v0;
	s7 =	sadd.s32 $0xFFFFFD4C, s19;
	s5 =	sadd.s32 $0xFFFFFD12, s19;
	[smem:$0x7BE] =	sst s23  }
0x1b2: {  	s9 =	sadd.s32 $0xFFFFFFCE, s8;
	v45 =	vadd.s32 s7, v0;
	s7 =	sadd.s32 $0xFFFFFFC0, s19;
	[smem:$0x7C4] =	sst s5  }
0x1b3: {  	v37 =	vadd.s32 s8, v8;
	v61 =	vadd.s32 s15, v0;
	s15 =	sadd.s32 $0xFFFFFF20, s19;
	s23 =	sadd.s32 $0xFFFFFFD0, s19;
	[smem:$0x7BC] =	sst s7  }
0x1b4: {  	v25 =	vld.idx.msk [tilespmem:v25+s11+$0x0], $0xffff;
	v44 =	vadd.s32 s15, v0;
	s15 =	sadd.s32 $0xFFFFFE36, s19;
	s16 =	smov.u32 s10;
	[smem:$0x7C2] =	sst s23  }
0x1b5: {  	v30 =	vld.idx.msk [tilespmem:v30+s11+$0x0], $0xffff;
	[tilespmem:v34+s13+$0x0] =	vst.idx.msk $0xffff, v32;
	s10 =	sadd.s32 $0xFFFFFEA6, s6;
	v46 =	vadd.s32 s15, v0;
	s15 =	sadd.s32 $0xFFFFFDFC, s19;
	[smem:$0x7B8] =	sst s16  }
0x1b6: {  	v27 =	vadd.s32 s3, v8;
	v40 =	vadd.s32 s4, v0;
	v36 =	vld.idx.msk [tilespmem:v36+s11+$0x0], $0xffff;
	[tilespmem:v31+s13+$0x0] =	vst.idx.msk $0xffff, v33;
	s7 =	sadd.s32 $0xFFFFFFE0, s19;
	s16 =	smov.u32 s22;
	[smem:$0x7C0] =	sst s15  }
0x1b7: {  	v31 =	vadd.s32 s26, v1;
	[tilespmem:v16+s13+$0x0] =	vst.idx.msk $0xffff, v24;
	v35 =	vld.idx.msk [tilespmem:v35+s11+$0x0], $0xffff;
	s22 =	smov.u32 s25;
	s25 =	smov.u32 s17;
	[smem:$0x7C9] =	sst s7  }
0x1b8: {  	[tilespmem:v22+s13+$0x0] =	vst.idx.msk $0xffff, v23;
	v24 =	vld.idx.msk [tilespmem:v37+s11+$0x0], $0xffff;
	s17 =	smov.u32 s6;
	s6 =	sadd.s32 $0xFFFFFDEC, s19;
	s7 =	sld [smem:$0x7D0]  }
0x1b9: {  	s2 =	sadd.s32 $0xFFFFFCF2, s19;
	v29 =	vadd.s32 s9, v8;
	v23 =	vld.idx.msk [tilespmem:v18+s11+$0x0], $0xffff;
	v22 =	vadd.s32 s10, v0;
	[tilespmem:v61+s13+$0x0] =	vst.idx.msk $0xffff, v25;
	s15 =	sadd.s32 $0xFFFFFD22, s19;
	[smem:$0x7BB] =	sst s6  }
0x1ba: {  	v62 =	vadd.s32 s21, v8;
	s4 =	sadd.s32 $0xFFFFFC62, s19;
	v21 =	vld.idx.msk [tilespmem:v21+s11+$0x0], $0xffff;
	[tilespmem:v28+s13+$0x0] =	vst.idx.msk $0xffff, v26;
	v26 =	vadd.s32 s18, v0;
	s18 =	sadd.s32 $0xFFFFFFB0, s19;
	[smem:$0x7CB] =	sst s15  }
0x1bb: {  	s1 =	sadd.s32 $0xFFFFFFA0, s19;
	v16 =	vmov v17;
	v28 =	vadd.s32 s8, v9;
	s15 =	sadd.s32 $0xFFFFFD32, s19;
	v17 =	vld.idx.msk [tilespmem:v27+s11+$0x0], $0xffff;
	v27 =	vadd.s32 s4, v0;
	[smem:$0x7B9] =	sst s18;
	[tilespmem:v40+s13+$0x0] =	vst.idx.msk $0xffff, v30  }
0x1bc: {  	s26 =	smov.u32 s20;
	s20 =	smov.u32 s21;
	v25 =	vadd.s32 s3, v9;
	[smem:$0x7D5] =	sst s15;
	v30 =	vld.idx.msk [tilespmem:v31+s11+$0x0], $0xffff;
	[tilespmem:v63+s13+$0x0] =	vst.idx.msk $0xffff, v36  }
0x1bd: {  	s18 =	sadd.s32 $0xFFFFFEE6, s19;
	s15 =	smov.u32 s14;
	s14 =	sld [smem:$0x7D1];
	v47 =	vld.idx.msk [tilespmem:v41+s11+$0x0], $0xffff;
	[tilespmem:v44+s13+$0x0] =	vst.idx.msk $0xffff, v24  }
0x1be: {  	v49 =	vadd.s32 s30, v7;
	s21 =	sadd.s32 $0xFFFFFF90, s19;
	[smem:$0x7C3] =	sst s18;
	s18 =	sadd.s32 $0xFFFFFEF6, s19;
	v29 =	vld.idx.msk [tilespmem:v29+s11+$0x0], $0xffff;
	[tilespmem:v22+s13+$0x0] =	vst.idx.msk $0xffff, v35  }
0x1bf: {  	s23 =	sadd.s32 $0xFFFFFF30, s19;
	v31 =	vadd.s32 s9, v9;
	[smem:$0x7CD] =	sst s18;
	v24 =	vadd.s32 s7, v0;
	s18 =	sadd.s32 $0xFFFFFE1C, s19;
	[tilespmem:v26+s13+$0x0] =	vst.idx.msk $0x3ff, v23;
	v22 =	vld.idx.msk [tilespmem:v62+s11+$0x0], $0xffff  }
0x1c0: {  	s6 =	sadd.s32 $0xFFFFFE0C, s19;
	[smem:$0x7CF] =	sst s18;
	s18 =	sadd.s32 $0xFFFFFC72, s19;
	v23 =	vadd.s32 s26, v7;
	v26 =	vld.idx.msk [tilespmem:v28+s11+$0x0], $0xffff;
	[tilespmem:v27+s13+$0x0] =	vst.idx.msk $0xffff, v17;
	v27 =	vadd.s32 s23, v0  }
0x1c1: {  	s5 =	sadd.s32 $0xFFFFFF16, s19;
	s4 =	sadd.s32 $0xFFFFFED6, s19;
	[smem:$0x7C6] =	sst s6;
	v28 =	vadd.s32 s24, v6;
	v25 =	vld.idx.msk [tilespmem:v25+s11+$0x0], $0xffff;
	[tilespmem:v42+s13+$0x0] =	vst.idx.msk $0x3ff, v30;
	v30 =	vadd.s32 s18, v0  }
0x1c2: {  	v50 =	vadd.s32 s8, v10;
	s10 =	sadd.s32 $0xFFFFFDCC, s19;
	[smem:$0x7BA] =	sst s4;
	s23 =	sadd.s32 $0xFFFFFFF0, s19;
	[tilespmem:v38+s13+$0x0] =	vst.idx.msk $0x3ff, v47  }
0x1c3: {  	v48 =	vadd.s32 s20, v9;
	v51 =	vld.idx.msk [tilespmem:v49+s11+$0x0], $0xffff;
	s18 =	smov.u32 s21;
	s21 =	sadd.s32 $0xFFFFFD5C, s19;
	[tilespmem:v45+s13+$0x0] =	vst.idx.msk $0xffff, v29;
	v29 =	vadd.s32 s14, v0;
	s14 =	smov.u32 s17  }
0x1c4: {  	v17 =	vadd.s32 s23, v0;
	s23 =	smov.u32 s3;
	[tilespmem:v24+s13+$0x0] =	vst.idx.msk $0x3ff, v21;
	[smem:$0x7D0] =	sst s14;
	s14 =	sadd.s32 $0xFFFFFEB6, s14;
	v21 =	vld.idx.msk [tilespmem:v31+s11+$0x0], $0xffff;
	v31 =	vadd.s32 s21, v0  }
0x1c5: {  	s4 =	sadd.s32 $0xFFFFFE2C, s19;
	v52 =	vadd.s32 s23, v10;
	[smem:$0x7D1] =	sst s18;
	s18 =	smov.u32 s25;
	v23 =	vld.idx.msk [tilespmem:v23+s11+$0x0], $0xffff;
	v24 =	vadd.s32 s14, v0;
	[tilespmem:v27+s13+$0x0] =	vst.idx.msk $0xffff, v26  }
0x1c6: {  	s17 =	smov.u32 s4;
	s25 =	smov.u32 s22;
	v26 =	vld.idx.msk [tilespmem:v28+s11+$0x0], $0xffff;
	[tilespmem:v30+s13+$0x0] =	vst.idx.msk $0xffff, v25;
	v25 =	vadd.s32 s9, v10;
	v30 =	vadd.s32 s16, v0;
	s16 =	sld [smem:$0x7D2]  }
0x1c7: {  	[dreg:$0x19] =	wrdreg s25;
	s25 =	smov.u32 s5;
	s5 =	sadd.s32 $0xFFFFFF40, s19;
	[tilespmem:v46+s13+$0x0] =	vst.idx.msk $0xffff, v22  }
0x1c8: {  	v53 =	vadd.s32 s15, v7;
	s22 =	smov.u32 s2;
	s4 =	sadd.s32 $0xFFFFFC82, s19;
	s2 =	sld [smem:$0x7BB];
	v54 =	vadd.s32 s5, v0;
	v28 =	vld.idx.msk [tilespmem:v50+s11+$0x0], $0xffff;
	[tilespmem:v29+s13+$0x0] =	vst.idx.msk $0xffff, v20  }
0x1c9: {  	s5 =	sadd.s32 $0xFFFFFE46, s19;
	v36 =	vld.idx.msk [tilespmem:v48+s11+$0x0], $0xffff;
	v20 =	vadd.s32 s4, v0;
	s4 =	smov.u32 s10;
	[tilespmem:v31+s13+$0x0] =	vst.idx.msk $0xffff, v21;
	v57 =	vadd.s32 s16, v0;
	s16 =	sld [smem:$0x7D3]  }
0x1ca: {  	v27 =	vadd.s32 s26, v6;
	v33 =	vld.idx.msk [tilespmem:v52+s11+$0x0], $0xffff;
	[smem:$0x7D2] =	sst s4;
	v21 =	vadd.s32 s5, v0;
	s5 =	sadd.s32 $0xFFFFFD6C, s19;
	s4 =	smov.u32 s1;
	[tilespmem:v24+s13+$0x0] =	vst.idx.msk $0xffff, v23  }
0x1cb: {  	s28 =	sadd.s32 $0xFFFFFEC6, s19;
	v23 =	vadd.s32 s30, v6;
	[smem:$0x7D3] =	sst s4;
	v25 =	vld.idx.msk [tilespmem:v25+s11+$0x0], $0xffff;
	[tilespmem:v30+s13+$0x0] =	vst.idx.msk $0xffff, v26;
	v30 =	vadd.s32 s5, v0  }
0x1cc: {  	v55 =	vadd.s32 s24, v5;
	s3 =	smov.u32 s28;
	v26 =	vadd.s32 s16, v0;
	s16 =	rddreg [dreg:$0x1e]  }
0x1cd: {  	s31 =	sadd.s32 $0xFFFFFDDC, s19;
	v22 =	vadd.s32 s8, v11;
	[dreg:$0x1e] =	wrdreg s3  }
0x1ce: {  	v29 =	vld.idx.msk [tilespmem:v53+s11+$0x0], $0xffff;
	s5 =	sadd.s32 $0xFFFFFF50, s19;
	s3 =	smov.u32 s31;
	v58 =	vadd.s32 s16, v0;
	s16 =	rddreg [dreg:$0x1f]  }
0x1cf: {  	v56 =	vadd.s32 s23, v11;
	v24 =	vld.idx.msk [tilespmem:v27+s11+$0x0], $0xffff;
	v59 =	vadd.s32 s5, v0;
	s5 =	sadd.s32 $0xFFFFFE56, s19;
	[dreg:$0x1f] =	wrdreg s3;
	[tilespmem:v57+s13+$0x0] =	vst.idx.msk $0xffff, v51  }
0x1d0: {  	s21 =	smov.u32 s15;
	v27 =	vadd.s32 s20, v10;
	v23 =	vld.idx.msk [tilespmem:v23+s11+$0x0], $0xffff;
	[tilespmem:v30+s13+$0x0] =	vst.idx.msk $0xffff, v25;
	v25 =	vadd.s32 s5, v0;
	s5 =	sld [smem:$0x7B9]  }
0x1d1: {  	v31 =	vadd.s32 s21, v6;
	s4 =	sadd.s32 $0xFFFFFC92, s19;
	[tilespmem:v54+s13+$0x0] =	vst.idx.msk $0xffff, v28;
	v28 =	vld.idx.msk [tilespmem:v55+s11+$0x0], $0xffff;
	s3 =	sld [smem:$0x7BE]  }
0x1d2: {  	v60 =	vadd.s32 s26, v5;
	v61 =	vadd.s32 s4, v0;
	s4 =	rddreg [dreg:$0x15];
	[tilespmem:v20+s13+$0x0] =	vst.idx.msk $0xffff, v33;
	v22 =	vld.idx.msk [tilespmem:v22+s11+$0x0], $0xffff  }
0x1d3: {  	v20 =	vadd.s32 s9, v11;
	[tilespmem:v21+s13+$0x0] =	vst.idx.msk $0xffff, v36;
	v63 =	vadd.s32 s16, v0;
	s16 =	smov.u32 s5;
	s5 =	sld [smem:$0x7BA]  }
0x1d4: {  	v32 =	vld.idx.msk [tilespmem:v56+s11+$0x0], $0xffff;
	v21 =	vadd.s32 s8, v12;
	s31 =	smov.u32 s3;
	s3 =	sld [smem:$0x7C0];
	[tilespmem:v26+s13+$0x0] =	vst.idx.msk $0xffff, v29  }
0x1d5: {  	v27 =	vld.idx.msk [tilespmem:v27+s11+$0x0], $0xffff;
	v26 =	vadd.s32 s30, v5;
	[tilespmem:v58+s13+$0x0] =	vst.idx.msk $0xffff, v24;
	v24 =	vadd.s32 s4, v0;
	s4 =	rddreg [dreg:$0xa]  }
0x1d6: {  	v30 =	vadd.s32 s20, v11;
	v29 =	vld.idx.msk [tilespmem:v31+s11+$0x0], $0xffff;
	[dreg:$0x15] =	wrdreg s16;
	s16 =	smov.u32 s5  }
0x1d7: {  	v40 =	vadd.s32 s21, v5;
	s1 =	sadd.s32 $0xFFFFFD7C, s19;
	[tilespmem:v59+s13+$0x0] =	vst.idx.msk $0xffff, v22;
	v22 =	vld.idx.msk [tilespmem:v60+s11+$0x0], $0xffff;
	v42 =	vadd.s32 s4, v0;
	[dreg:$0xa] =	wrdreg s16  }
0x1d8: {  	s15 =	smov.u32 s29;
	v20 =	vld.idx.msk [tilespmem:v20+s11+$0x0], $0xffff;
	v31 =	vadd.s32 s1, v0;
	s1 =	sadd.s32 $0xFFFFFF60, s19;
	s16 =	sld [smem:$0x7D4]  }
0x1d9: {  	v62 =	vadd.s32 s23, v12;
	v21 =	vld.idx.msk [tilespmem:v21+s11+$0x0], $0xffff;
	s4 =	sadd.s32 $0xFFFFFCA2, s19;
	s29 =	smov.u32 s3;
	s3 =	sld [smem:$0x7C3];
	[tilespmem:v63+s13+$0x0] =	vst.idx.msk $0xffff, v23  }
0x1da: {  	v44 =	vadd.s32 s1, v0;
	v45 =	vadd.s32 s4, v0;
	s4 =	smov.u32 s2;
	s2 =	sld [smem:$0x7BC];
	[tilespmem:v25+s13+$0x0] =	vst.idx.msk $0xffff, v27;
	v26 =	vld.idx.msk [tilespmem:v26+s11+$0x0], $0xffff  }
0x1db: {  	v41 =	vadd.s32 s9, v12;
	v30 =	vld.idx.msk [tilespmem:v30+s11+$0x0], $0xffff;
	[tilespmem:v24+s13+$0x0] =	vst.idx.msk $0xffff, v29;
	v46 =	vadd.s32 s16, v0;
	s16 =	rddreg [dreg:$0x10]  }
0x1dc: {  	v25 =	vadd.s32 s8, v13;
	v29 =	vld.idx.msk [tilespmem:v40+s11+$0x0], $0xffff;
	[tilespmem:v42+s13+$0x0] =	vst.idx.msk $0xffff, v22;
	v22 =	vadd.s32 s16, v0;
	s16 =	sld [smem:$0x7BD]  }
0x1dd: {  	[tilespmem:v61+s13+$0x0] =	vst.idx.msk $0xffff, v32;
	v23 =	vadd.s32 s26, v4;
	s5 =	sadd.s32 $0xFFFFFE66, s19;
	[smem:$0x7D4] =	sst s4;
	s4 =	smov.u32 s2  }
0x1de: {  	v43 =	vld.idx.msk [tilespmem:v62+s11+$0x0], $0xffff;
	v27 =	vadd.s32 s23, v13;
	[tilespmem:v31+s13+$0x0] =	vst.idx.msk $0xffff, v20;
	v20 =	vadd.s32 s5, v0;
	s5 =	sadd.s32 $0xFFFFFD8C, s19;
	[dreg:$0x10] =	wrdreg s4  }
0x1df: {  	v24 =	vadd.s32 s30, v4;
	v48 =	vadd.s32 s5, v0;
	[tilespmem:v44+s13+$0x0] =	vst.idx.msk $0xffff, v21;
	s5 =	sadd.s32 $0xFFFFFF70, s19;
	s4 =	sadd.s32 $0xFFFFFCB2, s19;
	v50 =	vadd.s32 s16, v0;
	s16 =	sld [smem:$0x7BF]  }
0x1e0: {  	v31 =	vld.idx.msk [tilespmem:v41+s11+$0x0], $0xffff;
	v51 =	vadd.s32 s5, v0;
	s5 =	sadd.s32 $0xFFFFFE76, s19;
	[tilespmem:v46+s13+$0x0] =	vst.idx.msk $0xffff, v26;
	v26 =	vadd.s32 s4, v0;
	s4 =	sld [smem:$0x7C1]  }
0x1e1: {  	v47 =	vadd.s32 s20, v12;
	v25 =	vld.idx.msk [tilespmem:v25+s11+$0x0], $0xffff;
	[tilespmem:v22+s13+$0x0] =	vst.idx.msk $0xffff, v29;
	v22 =	vadd.s32 s5, v0;
	s5 =	sld [smem:$0x7C2]  }
0x1e2: {  	s2 =	rddreg [dreg:$0x5];
	v21 =	vld.idx.msk [tilespmem:v23+s11+$0x0], $0xffff;
	v23 =	vadd.s32 s21, v4  }
0x1e3: {  	v49 =	vadd.s32 s9, v13;
	v52 =	vadd.s32 s24, v4;
	v55 =	vadd.s32 s2, v0;
	s2 =	sld [smem:$0x7C4];
	[tilespmem:v45+s13+$0x0] =	vst.idx.msk $0xffff, v43  }
0x1e4: {  	v27 =	vld.idx.msk [tilespmem:v27+s11+$0x0], $0xffff;
	v53 =	vadd.s32 s16, v0;
	[tilespmem:v50+s13+$0x0] =	vst.idx.msk $0xffff, v28;
	v28 =	vadd.s32 s4, v0;
	s16 =	smov.u32 s5;
	s4 =	smov.u32 s3;
	s5 =	rddreg [dreg:$0xb]  }
0x1e5: {  	[tilespmem:v20+s13+$0x0] =	vst.idx.msk $0xffff, v30;
	v20 =	vadd.s32 s8, v14;
	v24 =	vld.idx.msk [tilespmem:v24+s11+$0x0], $0xffff;
	s3 =	sadd.s32 $0xFFFFFD9C, s19;
	[dreg:$0x5] =	wrdreg s4  }
0x1e6: {  	v30 =	vadd.s32 s23, v14;
	v32 =	vld.idx.msk [tilespmem:v47+s11+$0x0], $0xffff;
	s4 =	smov.u32 s2;
	v59 =	vadd.s32 s3, v0;
	s3 =	sld [smem:$0x7C7]  }
0x1e7: {  	v54 =	vadd.s32 s20, v13;
	v56 =	vadd.s32 s21, v3;
	[tilespmem:v48+s13+$0x0] =	vst.idx.msk $0xffff, v31;
	v23 =	vld.idx.msk [tilespmem:v23+s11+$0x0], $0xffff;
	[dreg:$0xb] =	wrdreg s4;
	s4 =	sadd.s32 $0xFFFFFE86, s19  }
0x1e8: {  	v29 =	vadd.s32 s30, v3;
	v31 =	vld.idx.msk [tilespmem:v49+s11+$0x0], $0xffff;
	[tilespmem:v51+s13+$0x0] =	vst.idx.msk $0xffff, v25;
	v60 =	vadd.s32 s4, v0;
	s4 =	sld [smem:$0x7C9]  }
0x1e9: {  	v25 =	vld.idx.msk [tilespmem:v52+s11+$0x0], $0xffff;
	[tilespmem:v26+s13+$0x0] =	vst.idx.msk $0xffff, v27;
	v26 =	vadd.s32 s5, v0;
	v27 =	vadd.s32 s26, v3;
	s5 =	sadd.s32 $0xFFFFFCC2, s19;
	s2 =	sld [smem:$0x7C6]  }
0x1ea: {  	v58 =	vadd.s32 s24, v3;
	s1 =	sadd.s32 $0xFFFFFF80, s19;
	v20 =	vld.idx.msk [tilespmem:v20+s11+$0x0], $0xffff;
	[tilespmem:v53+s13+$0x0] =	vst.idx.msk $0xffff, v24;
	v24 =	vadd.s32 s5, v0;
	s5 =	sld [smem:$0x7C5]  }
0x1eb: {  	v57 =	vadd.s32 s1, v0;
	v30 =	vld.idx.msk [tilespmem:v30+s11+$0x0], $0xffff;
	[tilespmem:v22+s13+$0x0] =	vst.idx.msk $0xffff, v32;
	v43 =	vadd.s32 s3, v0;
	s3 =	smov.u32 s4;
	s4 =	sld [smem:$0x7CC]  }
0x1ec: {  	v22 =	vadd.s32 s8, v15;
	v33 =	vld.idx.msk [tilespmem:v54+s11+$0x0], $0xffff;
	s28 =	smov.u32 s2;
	s2 =	sld [smem:$0x7CB]  }
0x1ed: {  	[tilespmem:v55+s13+$0x0] =	vst.idx.msk $0xffff, v21;
	v38 =	vld.idx.msk [tilespmem:v29+s11+$0x0], $0xffff;
	v62 =	vadd.s32 s5, v0;
	s5 =	sld [smem:$0x7CA]  }
0x1ee: {  	[tilespmem:v28+s13+$0x0] =	vst.idx.msk $0xffff, v23;
	v21 =	vld.idx.msk [tilespmem:v27+s11+$0x0], $0xffff;
	v27 =	vadd.s32 s4, v0;
	s4 =	sld [smem:$0x7CD]  }
0x1ef: {  	v35 =	vld.idx.msk [tilespmem:v56+s11+$0x0], $0xffff;
	[tilespmem:v26+s13+$0x0] =	vst.idx.msk $0xffff, v25  }
0x1f0: {  	v29 =	vadd.s32 s23, v15;
	[tilespmem:v57+s13+$0x0] =	vst.idx.msk $0xffff, v20;
	v37 =	vld.idx.msk [tilespmem:v58+s11+$0x0], $0xffff  }
0x1f1: {  	v61 =	vadd.s32 s20, v14;
	v20 =	vld.idx.msk [tilespmem:v22+s11+$0x0], $0xffff;
	v22 =	vadd.s32 s5, v0;
	s5 =	smov.u32 s2;
	s2 =	smov.u32 s4;
	s4 =	sadd.s32 $0xFFFFFDAC, s19  }
0x1f2: {  	v23 =	vadd.s32 s9, v14;
	v34 =	vadd.s32 s4, v0;
	s4 =	sadd.s32 $0xFFFFFE96, s19  }
0x1f3: {  	s0 =	sadd.s32 $0x4, s0;
	v63 =	vadd.s32 s30, v2;
	[tilespmem:v59+s13+$0x0] =	vst.idx.msk $0xffff, v31;
	v31 =	vadd.s32 s4, v0;
	s4 =	sld [smem:$0x7CE]  }
0x1f4: {  	p0 =	slt.u32 s0, $0x7C;
	[tilespmem:v24+s13+$0x0] =	vst.idx.msk $0xffff, v30;
	v24 =	vadd.s32 s21, v2  }
.Ltmp1:
0x1f5: {  	[tilespmem:v60+s13+$0x0] =	vst.idx.msk $0xffff, v33;
	v28 =	vld.idx.msk [tilespmem:v29+s11+$0x0], $0xffff;
	(pc) =	sbr.rel @p0 .LBB2_4-.Ltmp1, $4  }
0x1f6: {  	s6 =	sadd.s32 $0xFFFFFF06, s19;
	s30 =	smov.u32 s9;
	v33 =	vld.idx.msk [tilespmem:v61+s11+$0x0], $0xffff;
	[tilespmem:v22+s13+$0x0] =	vst.idx.msk $0xffff, v37;
	v22 =	vadd.s32 s4, v0;
	s4 =	sld [smem:$0x7CF]  }
0x1f7: {  	v39 =	vadd.s32 s9, v1;
	[smem:$0x7D6] =	sst s6;
	s6 =	smov.u32 s19;
	s7 =	sadd.s32 $0xFFFFFD42, s19;
	v36 =	vadd.s32 s30, v15;
	v32 =	vld.idx.msk [tilespmem:v23+s11+$0x0], $0xffff;
	[tilespmem:v62+s13+$0x0] =	vst.idx.msk $0xffff, v38  }
0x1f8: {  	s14 =	smov.u32 s8;
	s10 =	sld [smem:$0x7B8];
	s1 =	sadd.s32 $0xFFFFFCD2, s19;
	v26 =	vadd.s32 s24, v2;
	v25 =	vadd.s32 s26, v2;
	[tilespmem:v43+s13+$0x0] =	vst.idx.msk $0xffff, v35;
	v23 =	vld.idx.msk [tilespmem:v63+s11+$0x0], $0xffff  }
0x1f9: {  	v18 =	vmovc v19;
	v19 =	vmovc v39;
	s8 =	sadd.s32 $0x64, s8;
	s9 =	sld [smem:$0x7C8];
	v30 =	vadd.s32 s23, v7;
	v29 =	vadd.s32 s1, v0;
	v35 =	vadd.s32 s20, v15;
	v24 =	vld.idx.msk [tilespmem:v24+s11+$0x0], $0xffff;
	s1 =	smov.u32 s4  }
0x1fa: {  	_ =	sdelay $0x3  }
0x1fb: {  	s0 =	sadd.s32 $0xFFFFFDBC, s19;
	[tilespmem:v34+s13+$0x0] =	vst.idx.msk $0xffff, v32  }
0x1fc: {  	v58 =	vadd.s32 s0, v0;
	[tilespmem:v31+s13+$0x0] =	vst.idx.msk $0xffff, v33;
	v34 =	vld.idx.msk [tilespmem:v36+s11+$0x0], $0xffff  }
0x1fd: {  	s8 =	sadd.s32 $0xFFFFFEA6, s6;
	s4 =	sld [smem:$0x7D1]  }
0x1fe: {  	v31 =	vadd.s32 s8, v0;
	v33 =	vld.idx.msk [tilespmem:v35+s11+$0x0], $0xffff;
	_ =	sdelay $0x1  }
0x1ff: {  	v59 =	vadd.s32 s30, v7;
	v37 =	vadd.s32 s4, v0  }
0x200: {  	v60 =	vadd.s32 s20, v7;
	[tilespmem:v58+s13+$0x0] =	vst.idx.msk $0xffff, v34  }
0x201: {  	s8 =	sld [smem:$0x7D2]  }
0x202: {  	[tilespmem:v31+s13+$0x0] =	vst.idx.msk $0xffff, v33  }
0x203: {  	v38 =	vadd.s32 s14, v7;
	[tilespmem:v29+s13+$0x0] =	vst.idx.msk $0xffff, v28  }
0x204: {  	s4 =	sadd.s32 $0xFFFFFEB6, s6;
	v31 =	vld.idx.msk [tilespmem:v59+s11+$0x0], $0xffff;
	[tilespmem:v37+s13+$0x0] =	vst.idx.msk $0xffff, v20;
	v61 =	vadd.s32 s8, v0  }
0x205: {  	v62 =	vadd.s32 s4, v0;
	v28 =	vld.idx.msk [tilespmem:v60+s11+$0x0], $0xffff;
	s8 =	sadd.s32 $0xFFFFFCE2, s19;
	s19 =	sld [smem:$0x7D3]  }
0x206: {  	v29 =	vadd.s32 s30, v6  }
0x207: {  	v40 =	vadd.s32 s20, v6;
	v30 =	vld.idx.msk [tilespmem:v30+s11+$0x0], $0xffff;
	v63 =	vadd.s32 s8, v0  }
0x208: {  	v37 =	vld.idx.msk [tilespmem:v38+s11+$0x0], $0xffff;
	v20 =	vadd.s32 s19, v0  }
0x209: {  	v41 =	vadd.s32 s23, v6;
	[tilespmem:v61+s13+$0x0] =	vst.idx.msk $0xffff, v31  }
0x20a: {  	v42 =	vadd.s32 s14, v6;
	s4 =	rddreg [dreg:$0x1f];
	[tilespmem:v62+s13+$0x0] =	vst.idx.msk $0xffff, v28  }
0x20b: {  	v28 =	vld.idx.msk [tilespmem:v29+s11+$0x0], $0xffff;
	v31 =	vadd.s32 s4, v0;
	s8 =	rddreg [dreg:$0x1e]  }
0x20c: {  	[tilespmem:v63+s13+$0x0] =	vst.idx.msk $0xffff, v30;
	v30 =	vld.idx.msk [tilespmem:v40+s11+$0x0], $0xffff;
	v29 =	vadd.s32 s8, v0  }
0x20d: {  	[tilespmem:v20+s13+$0x0] =	vst.idx.msk $0xffff, v37  }
0x20e: {  	v44 =	vadd.s32 s22, v0;
	v45 =	vadd.s32 s20, v5;
	v34 =	vld.idx.msk [tilespmem:v41+s11+$0x0], $0xffff;
	s19 =	rddreg [dreg:$0x15]  }
0x20f: {  	v43 =	vadd.s32 s30, v5;
	v37 =	vld.idx.msk [tilespmem:v42+s11+$0x0], $0xffff;
	v20 =	vadd.s32 s19, v0  }
0x210: {  	v46 =	vadd.s32 s23, v5;
	[tilespmem:v31+s13+$0x0] =	vst.idx.msk $0xffff, v28  }
0x211: {  	v47 =	vadd.s32 s14, v5;
	s22 =	sld [smem:$0x7D4];
	[tilespmem:v29+s13+$0x0] =	vst.idx.msk $0xffff, v30  }
0x212: {  	s4 =	rddreg [dreg:$0xa]  }
0x213: {  	[tilespmem:v44+s13+$0x0] =	vst.idx.msk $0xffff, v34;
	v31 =	vld.idx.msk [tilespmem:v45+s11+$0x0], $0xffff;
	v30 =	vadd.s32 s4, v0  }
0x214: {  	v29 =	vld.idx.msk [tilespmem:v43+s11+$0x0], $0xffff;
	[tilespmem:v20+s13+$0x0] =	vst.idx.msk $0xffff, v37;
	v28 =	vadd.s32 s22, v0  }
0x215: {  	v49 =	vadd.s32 s31, v0;
	v34 =	vld.idx.msk [tilespmem:v46+s11+$0x0], $0xffff;
	s8 =	rddreg [dreg:$0x10]  }
0x216: {  	v48 =	vadd.s32 s30, v4;
	v51 =	vld.idx.msk [tilespmem:v47+s11+$0x0], $0xffff;
	v20 =	vadd.s32 s8, v0  }
0x217: {  	v50 =	vadd.s32 s20, v4;
	[tilespmem:v27+s13+$0x0] =	vst.idx.msk $0xffff, v21  }
0x218: {  	v52 =	vadd.s32 s23, v4;
	[tilespmem:v30+s13+$0x0] =	vst.idx.msk $0xffff, v31  }
0x219: {  	v21 =	vadd.s32 s14, v4;
	[tilespmem:v28+s13+$0x0] =	vst.idx.msk $0xffff, v29  }
0x21a: {  	s19 =	rddreg [dreg:$0x5];
	[tilespmem:v49+s13+$0x0] =	vst.idx.msk $0xffff, v34  }
0x21b: {  	v27 =	vadd.s32 s29, v0;
	v28 =	vld.idx.msk [tilespmem:v48+s11+$0x0], $0xffff;
	[tilespmem:v20+s13+$0x0] =	vst.idx.msk $0xffff, v51  }
0x21c: {  	v31 =	vadd.s32 s30, v3;
	v30 =	vld.idx.msk [tilespmem:v50+s11+$0x0], $0xffff;
	v29 =	vadd.s32 s19, v0;
	s22 =	rddreg [dreg:$0xb]  }
0x21d: {  	v54 =	vadd.s32 s20, v3;
	v20 =	vld.idx.msk [tilespmem:v52+s11+$0x0], $0xffff;
	v53 =	vadd.s32 s22, v0  }
0x21e: {  	[tilespmem:v22+s13+$0x0] =	vst.idx.msk $0xffff, v23;
	v21 =	vld.idx.msk [tilespmem:v21+s11+$0x0], $0xffff;
	v22 =	vadd.s32 s16, v0;
	v23 =	vadd.s32 s23, v3  }
0x21f: {  	v26 =	vld.idx.msk [tilespmem:v26+s11+$0x0], $0xffff;
	v55 =	vadd.s32 s10, v0;
	[tilespmem:v16+s13+$0x0] =	vst.idx.msk $0xffff, v24;
	v16 =	vadd.s32 s14, v3  }
0x220: {  	v24 =	vld.idx.msk [tilespmem:v25+s11+$0x0], $0xffff;
	v25 =	vadd.s32 s15, v0;
	[tilespmem:v27+s13+$0x0] =	vst.idx.msk $0xffff, v28  }
0x221: {  	v28 =	vld.idx.msk [tilespmem:v31+s11+$0x0], $0xffff;
	[tilespmem:v29+s13+$0x0] =	vst.idx.msk $0xffff, v30;
	v29 =	vadd.s32 s28, v0  }
0x222: {  	v31 =	vadd.s32 s2, v0;
	[tilespmem:v53+s13+$0x0] =	vst.idx.msk $0xffff, v20;
	v20 =	vld.idx.msk [tilespmem:v54+s11+$0x0], $0xffff  }
0x223: {  	v27 =	vadd.s32 s26, v1;
	[tilespmem:v22+s13+$0x0] =	vst.idx.msk $0xffff, v21;
	v22 =	vadd.s32 s5, v0;
	v21 =	vld.idx.msk [tilespmem:v23+s11+$0x0], $0xffff  }
0x224: {  	[tilespmem:v55+s13+$0x0] =	vst.idx.msk $0xffff, v26;
	v26 =	vadd.s32 s3, v0;
	v16 =	vld.idx.msk [tilespmem:v16+s11+$0x0], $0xffff  }
0x225: {  	v30 =	vadd.s32 s30, v2;
	[tilespmem:v25+s13+$0x0] =	vst.idx.msk $0xffff, v24  }
0x226: {  	v57 =	vadd.s32 s18, v0;
	v18 =	vld.idx.msk [tilespmem:v18+s11+$0x0], $0xffff;
	v24 =	vadd.s32 s14, v2;
	s2 =	rddreg [dreg:$0x19];
	[tilespmem:v29+s13+$0x0] =	vst.idx.msk $0xffff, v28  }
0x227: {  	v23 =	vadd.s32 s20, v2;
	[tilespmem:v31+s13+$0x0] =	vst.idx.msk $0xffff, v20  }
0x228: {  	v56 =	vadd.s32 s23, v2;
	v58 =	vadd.s32 s2, v0;
	v27 =	vld.idx.msk [tilespmem:v27+s11+$0x0], $0xffff;
	[tilespmem:v22+s13+$0x0] =	vst.idx.msk $0xffff, v21  }
0x229: {  	s3 =	sld [smem:$0x7D6];
	[tilespmem:v26+s13+$0x0] =	vst.idx.msk $0xffff, v16  }
0x22a: {  	v25 =	vadd.s32 s24, v1;
	v29 =	vld.idx.msk [tilespmem:v30+s11+$0x0], $0xffff;
	v30 =	vadd.s32 s1, v0;
	s4 =	sld [smem:$0x7D5]  }
0x22b: {  	[tilespmem:v57+s13+$0x0] =	vst.idx.msk $0x3ff, v18;
	v18 =	vld.idx.msk [tilespmem:v24+s11+$0x0], $0xffff  }
0x22c: {  	v28 =	vadd.s32 s21, v1;
	v20 =	vld.idx.msk [tilespmem:v23+s11+$0x0], $0xffff;
	v21 =	vadd.s32 s3, v0  }
0x22d: {  	v23 =	vadd.s32 s20, v1;
	v16 =	vld.idx.msk [tilespmem:v56+s11+$0x0], $0xffff;
	[tilespmem:v58+s13+$0x0] =	vst.idx.msk $0x3ff, v27;
	v22 =	vadd.s32 s4, v0  }
0x22e: {  	v27 =	vadd.s32 s14, v1;
	s5 =	sld [smem:$0x7D0]  }
0x22f: {  	v25 =	vld.idx.msk [tilespmem:v25+s11+$0x0], $0xffff;
	v26 =	vadd.s32 s9, v0;
	v24 =	vadd.s32 s23, v1;
	[tilespmem:v30+s13+$0x0] =	vst.idx.msk $0xffff, v29  }
0x230: {  	v29 =	vadd.s32 s17, v0;
	v19 =	vld.idx.msk [tilespmem:v19+s11+$0x0], $0xffff;
	[tilespmem:v17+s13+$0x0] =	vst.idx.msk $0xffff, v18  }
0x231: {  	v28 =	vld.idx.msk [tilespmem:v28+s11+$0x0], $0xffff;
	v31 =	vadd.s32 s5, v0;
	[tilespmem:v21+s13+$0x0] =	vst.idx.msk $0xffff, v20  }
0x232: {  	v20 =	vadd.s32 s25, v0;
	[tilespmem:v22+s13+$0x0] =	vst.idx.msk $0xffff, v16;
	v16 =	vld.idx.msk [tilespmem:v23+s11+$0x0], $0xffff  }
0x233: {  	v18 =	vld.idx.msk [tilespmem:v27+s11+$0x0], $0xffff;
	v22 =	vadd.s32 s6, v0  }
0x234: {  	[tilespmem:v26+s13+$0x0] =	vst.idx.msk $0x3ff, v25;
	v21 =	vadd.s32 s7, v0;
	v17 =	vld.idx.msk [tilespmem:v24+s11+$0x0], $0xffff  }
0x235: {  	[tilespmem:v29+s13+$0x0] =	vst.idx.msk $0x3ff, v19  }
0x236: {  	[tilespmem:v31+s13+$0x0] =	vst.idx.msk $0x3ff, v28  }
0x237: {  	[tilespmem:v20+s13+$0x0] =	vst.idx.msk $0x3ff, v16  }
0x238: {  	[tilespmem:v22+s13+$0x0] =	vst.idx.msk $0x3ff, v18  }
0x239: {  	[tilespmem:v21+s13+$0x0] =	vst.idx.msk $0x3ff, v17  }
0x23a: {  	s9 =	sld [smem:$0x7FA]  }
0x23b: {  	s24 =	simm.s32 $0x1900  }
0x23c: {  	s10 =	simm.s32 $0x1;
	s8 =	simm.s32 $0x0;
	v16 =	vadd.s32 s24, v8  }
0x23d: {  	[hbm4b:s9+s8] =	stream.linear.scatter [tilespmem:s13], [sflag:$0x2], $0x7500, $0x38;
	[tilespmem:$0x11D00] =	vst v63  }
0x23e: {  	_ =	swait.ge [sflag:s10], $0x7500  }
0x23f: {  	[sflag:s10] =	ssyncset.done $0x0  }
0x240: {  	s21 =	simm.s32 $0x194B;
	s14 =	simm.s32 $0x0;
	[sflag:s10] =	ssyncadd.s32 $0xFFFF8B00  }
0x241: {  	v18 =	vadd.s32 s14, v0;
	v17 =	vadd.s32 s21, v8;
	v16 =	vld.idx.msk [tilespmem:v16+s11+$0x0], $0xffff  }
0x242: {  	v19 =	vadd.s32 s24, v9;
	_ =	sdelay $0x1  }
0x243: {  	s1 =	simm.s32 $0x1919  }
0x244: {  	s15 =	simm.s32 $0x2BE;
	s26 =	simm.s32 $0x1932;
	v20 =	vadd.s32 s1, v8  }
0x245: {  	s16 =	simm.s32 $0x10;
	v22 =	vadd.s32 s15, v0;
	v21 =	vadd.s32 s26, v8;
	v17 =	vld.idx.msk [tilespmem:v17+s11+$0x0], $0xffff;
	[tilespmem:v18+s12+$0x0] =	vst.idx.msk $0xffff, v16  }
0x246: {  	v16 =	vadd.s32 s21, v9;
	v18 =	vld.idx.msk [tilespmem:v19+s11+$0x0], $0xffff;
	v19 =	vadd.s32 s16, v0  }
0x247: {  	v23 =	vadd.s32 s24, v10  }
0x248: {  	s17 =	simm.s32 $0xEA  }
0x249: {  	s18 =	simm.s32 $0x1D4;
	v24 =	vadd.s32 s17, v0;
	v20 =	vld.idx.msk [tilespmem:v20+s11+$0x0], $0xffff  }
0x24a: {  	s19 =	simm.s32 $0x2CE;
	v25 =	vadd.s32 s1, v9;
	v26 =	vadd.s32 s18, v0;
	v21 =	vld.idx.msk [tilespmem:v21+s11+$0x0], $0xffff;
	[tilespmem:v22+s12+$0x0] =	vst.idx.msk $0xffff, v17  }
0x24b: {  	s20 =	simm.s32 $0x20;
	v17 =	vadd.s32 s26, v9;
	v22 =	vadd.s32 s19, v0;
	v16 =	vld.idx.msk [tilespmem:v16+s11+$0x0], $0xffff;
	[tilespmem:v19+s12+$0x0] =	vst.idx.msk $0xffff, v18  }
0x24c: {  	v18 =	vadd.s32 s21, v10;
	v19 =	vld.idx.msk [tilespmem:v23+s11+$0x0], $0xffff;
	v23 =	vadd.s32 s20, v0  }
0x24d: {  	v27 =	vadd.s32 s24, v11  }
0x24e: {  	s22 =	simm.s32 $0xFA;
	[tilespmem:v24+s12+$0x0] =	vst.idx.msk $0xffff, v20  }
0x24f: {  	s23 =	simm.s32 $0x1E4;
	v24 =	vadd.s32 s22, v0;
	[tilespmem:v26+s12+$0x0] =	vst.idx.msk $0xffff, v21;
	v20 =	vld.idx.msk [tilespmem:v25+s11+$0x0], $0xffff  }
0x250: {  	s25 =	simm.s32 $0x2DE;
	v21 =	vadd.s32 s23, v0;
	v17 =	vld.idx.msk [tilespmem:v17+s11+$0x0], $0xffff;
	[tilespmem:v22+s12+$0x0] =	vst.idx.msk $0xffff, v16;
	v16 =	vadd.s32 s1, v10  }
0x251: {  	s3 =	simm.s32 $0x30;
	v25 =	vadd.s32 s26, v10;
	v22 =	vadd.s32 s25, v0;
	v18 =	vld.idx.msk [tilespmem:v18+s11+$0x0], $0xffff;
	[tilespmem:v23+s12+$0x0] =	vst.idx.msk $0xffff, v19  }
0x252: {  	v26 =	vadd.s32 s3, v0;
	v19 =	vadd.s32 s21, v11;
	v23 =	vld.idx.msk [tilespmem:v27+s11+$0x0], $0xffff  }
0x253: {  	v27 =	vadd.s32 s24, v12  }
0x254: {  	s4 =	simm.s32 $0x10A;
	[tilespmem:v24+s12+$0x0] =	vst.idx.msk $0xffff, v20  }
0x255: {  	s5 =	simm.s32 $0x1F4;
	v20 =	vadd.s32 s4, v0;
	[tilespmem:v21+s12+$0x0] =	vst.idx.msk $0xffff, v17;
	v16 =	vld.idx.msk [tilespmem:v16+s11+$0x0], $0xffff  }
0x256: {  	s6 =	simm.s32 $0x2EE;
	v17 =	vadd.s32 s1, v11;
	v21 =	vadd.s32 s5, v0;
	[tilespmem:v22+s12+$0x0] =	vst.idx.msk $0xffff, v18;
	v18 =	vld.idx.msk [tilespmem:v25+s11+$0x0], $0xffff  }
0x257: {  	s7 =	simm.s32 $0x40;
	v24 =	vadd.s32 s26, v11;
	v22 =	vadd.s32 s6, v0;
	v19 =	vld.idx.msk [tilespmem:v19+s11+$0x0], $0xffff;
	[tilespmem:v26+s12+$0x0] =	vst.idx.msk $0xffff, v23  }
0x258: {  	v23 =	vadd.s32 s21, v12;
	v26 =	vadd.s32 s7, v0;
	v25 =	vld.idx.msk [tilespmem:v27+s11+$0x0], $0xffff  }
0x259: {  	v27 =	vadd.s32 s24, v13  }
0x25a: {  	s8 =	simm.s32 $0x11A;
	[tilespmem:v20+s12+$0x0] =	vst.idx.msk $0xffff, v16  }
0x25b: {  	s9 =	simm.s32 $0x204;
	v16 =	vld.idx.msk [tilespmem:v17+s11+$0x0], $0xffff;
	v17 =	vadd.s32 s8, v0;
	[tilespmem:v21+s12+$0x0] =	vst.idx.msk $0xffff, v18  }
0x25c: {  	s10 =	simm.s32 $0x2FE;
	v20 =	vadd.s32 s9, v0;
	v18 =	vadd.s32 s1, v12;
	[tilespmem:v22+s12+$0x0] =	vst.idx.msk $0xffff, v19;
	v19 =	vld.idx.msk [tilespmem:v24+s11+$0x0], $0xffff  }
0x25d: {  	s14 =	simm.s32 $0x50;
	v22 =	vadd.s32 s10, v0;
	v21 =	vld.idx.msk [tilespmem:v23+s11+$0x0], $0xffff;
	v23 =	vadd.s32 s26, v12;
	[tilespmem:v26+s12+$0x0] =	vst.idx.msk $0xffff, v25  }
0x25e: {  	v24 =	vadd.s32 s21, v13;
	v26 =	vadd.s32 s14, v0;
	v25 =	vld.idx.msk [tilespmem:v27+s11+$0x0], $0xffff  }
0x25f: {  	v27 =	vadd.s32 s24, v14  }
0x260: {  	s15 =	simm.s32 $0x12A;
	[tilespmem:v17+s12+$0x0] =	vst.idx.msk $0xffff, v16  }
0x261: {  	s16 =	simm.s32 $0x214;
	v17 =	vadd.s32 s15, v0;
	v16 =	vld.idx.msk [tilespmem:v18+s11+$0x0], $0xffff;
	[tilespmem:v20+s12+$0x0] =	vst.idx.msk $0xffff, v19  }
0x262: {  	s17 =	simm.s32 $0x30E;
	v18 =	vadd.s32 s1, v13;
	v20 =	vadd.s32 s16, v0;
	[tilespmem:v22+s12+$0x0] =	vst.idx.msk $0xffff, v21;
	v19 =	vld.idx.msk [tilespmem:v23+s11+$0x0], $0xffff  }
0x263: {  	s18 =	simm.s32 $0x60;
	v22 =	vadd.s32 s17, v0;
	v23 =	vadd.s32 s26, v13;
	v21 =	vld.idx.msk [tilespmem:v24+s11+$0x0], $0xffff;
	[tilespmem:v26+s12+$0x0] =	vst.idx.msk $0xffff, v25  }
0x264: {  	v24 =	vadd.s32 s21, v14;
	v26 =	vadd.s32 s18, v0;
	v25 =	vld.idx.msk [tilespmem:v27+s11+$0x0], $0xffff  }
0x265: {  	v27 =	vadd.s32 s24, v15  }
0x266: {  	s19 =	simm.s32 $0x13A;
	[tilespmem:v17+s12+$0x0] =	vst.idx.msk $0xffff, v16  }
0x267: {  	s20 =	simm.s32 $0x224;
	v17 =	vadd.s32 s19, v0;
	v16 =	vld.idx.msk [tilespmem:v18+s11+$0x0], $0xffff;
	[tilespmem:v20+s12+$0x0] =	vst.idx.msk $0xffff, v19  }
0x268: {  	s22 =	simm.s32 $0x31E;
	v19 =	vadd.s32 s1, v14;
	v20 =	vadd.s32 s20, v0;
	[tilespmem:v22+s12+$0x0] =	vst.idx.msk $0xffff, v21;
	v18 =	vld.idx.msk [tilespmem:v23+s11+$0x0], $0xffff  }
0x269: {  	s23 =	simm.s32 $0x70;
	v22 =	vadd.s32 s22, v0;
	v23 =	vadd.s32 s26, v14;
	v21 =	vld.idx.msk [tilespmem:v24+s11+$0x0], $0xffff;
	[tilespmem:v26+s12+$0x0] =	vst.idx.msk $0xffff, v25  }
0x26a: {  	v24 =	vadd.s32 s21, v15;
	v26 =	vadd.s32 s23, v0;
	v25 =	vld.idx.msk [tilespmem:v27+s11+$0x0], $0xffff  }
0x26b: {  	s3 =	simm.s32 $0x19AF;
	v27 =	vadd.s32 s24, v7  }
0x26c: {  	s25 =	simm.s32 $0x14A;
	s23 =	simm.s32 $0x1964;
	[tilespmem:v17+s12+$0x0] =	vst.idx.msk $0xffff, v16;
	v16 =	vadd.s32 s3, v8  }
0x26d: {  	s2 =	simm.s32 $0x234;
	v17 =	vld.idx.msk [tilespmem:v19+s11+$0x0], $0xffff;
	[tilespmem:v20+s12+$0x0] =	vst.idx.msk $0xffff, v18;
	v18 =	vadd.s32 s25, v0;
	v19 =	vadd.s32 s23, v8  }
0x26e: {  	[tilespmem:v22+s12+$0x0] =	vst.idx.msk $0xffff, v21;
	v20 =	vld.idx.msk [tilespmem:v23+s11+$0x0], $0xffff;
	v21 =	vadd.s32 s1, v15;
	v22 =	vadd.s32 s2, v0  }
0x26f: {  	s30 =	simm.s32 $0x197D;
	s4 =	simm.s32 $0x80;
	v23 =	vld.idx.msk [tilespmem:v24+s11+$0x0], $0xffff;
	v24 =	vadd.s32 s26, v15;
	[tilespmem:v26+s12+$0x0] =	vst.idx.msk $0xffff, v25  }
0x270: {  	s5 =	simm.s32 $0x666;
	v25 =	vadd.s32 s30, v8;
	v26 =	vld.idx.msk [tilespmem:v27+s11+$0x0], $0xffff;
	v27 =	vadd.s32 s4, v0  }
0x271: {  	v30 =	vadd.s32 s5, v0;
	s6 =	simm.s32 $0x3A8;
	v29 =	vld.idx.msk [tilespmem:v16+s11+$0x0], $0xffff  }
0x272: {  	s7 =	simm.s32 $0x15A;
	[tilespmem:v18+s12+$0x0] =	vst.idx.msk $0xffff, v17;
	v17 =	vld.idx.msk [tilespmem:v19+s11+$0x0], $0xffff;
	v18 =	vadd.s32 s6, v0;
	v19 =	vadd.s32 s3, v9  }
0x273: {  	s8 =	simm.s32 $0x244;
	s20 =	simm.s32 $0x1996;
	v21 =	vld.idx.msk [tilespmem:v21+s11+$0x0], $0xffff;
	[tilespmem:v22+s12+$0x0] =	vst.idx.msk $0xffff, v20;
	v20 =	vadd.s32 s7, v0;
	v22 =	vadd.s32 s23, v9  }
0x274: {  	s9 =	simm.s32 $0x492;
	v31 =	vadd.s32 s8, v0;
	v28 =	vadd.s32 s20, v8;
	v24 =	vld.idx.msk [tilespmem:v24+s11+$0x0], $0xffff  }
0x275: {  	v60 =	vadd.s32 s9, v0;
	v25 =	vld.idx.msk [tilespmem:v25+s11+$0x0], $0xffff;
	[tilespmem:v27+s12+$0x0] =	vst.idx.msk $0xffff, v26;
	v26 =	vadd.s32 s26, v7  }
0x276: {  	s14 =	simm.s32 $0x676;
	v27 =	vadd.s32 s30, v9;
	[tilespmem:v30+s12+$0x0] =	vst.idx.msk $0xffff, v29  }
0x277: {  	s15 =	simm.s32 $0x3B8;
	v29 =	vadd.s32 s24, v6;
	[tilespmem:v18+s12+$0x0] =	vst.idx.msk $0xffff, v17;
	v18 =	vld.idx.msk [tilespmem:v19+s11+$0x0], $0xffff;
	v19 =	vadd.s32 s14, v0  }
0x278: {  	s17 =	simm.s32 $0x57C;
	[tilespmem:v20+s12+$0x0] =	vst.idx.msk $0xffff, v21;
	v20 =	vld.idx.msk [tilespmem:v22+s11+$0x0], $0xffff;
	v21 =	vadd.s32 s15, v0;
	v22 =	vadd.s32 s3, v10  }
0x279: {  	s16 =	simm.s32 $0x32E;
	v61 =	vadd.s32 s17, v0;
	v28 =	vld.idx.msk [tilespmem:v28+s11+$0x0], $0xffff;
	v30 =	vadd.s32 s23, v10;
	[tilespmem:v31+s12+$0x0] =	vst.idx.msk $0xffff, v24  }
0x27a: {  	s19 =	simm.s32 $0x254;
	v62 =	vadd.s32 s20, v9;
	v31 =	vadd.s32 s16, v0;
	[tilespmem:v60+s12+$0x0] =	vst.idx.msk $0xffff, v25;
	v25 =	vld.idx.msk [tilespmem:v26+s11+$0x0], $0xffff  }
0x27b: {  	v41 =	vadd.s32 s24, v5;
	v59 =	vadd.s32 s1, v7;
	v63 =	vadd.s32 s19, v0;
	s22 =	simm.s32 $0x4A2;
	v27 =	vld.idx.msk [tilespmem:v27+s11+$0x0], $0xffff  }
0x27c: {  	v40 =	vadd.s32 s22, v0;
	s25 =	simm.s32 $0x90;
	v26 =	vadd.s32 s21, v7;
	[tilespmem:v19+s12+$0x0] =	vst.idx.msk $0xffff, v18;
	v18 =	vld.idx.msk [tilespmem:v29+s11+$0x0], $0xffff  }
0x27d: {  	s4 =	simm.s32 $0x686;
	v19 =	vadd.s32 s26, v6;
	[tilespmem:v21+s12+$0x0] =	vst.idx.msk $0xffff, v20;
	v21 =	vld.idx.msk [tilespmem:v22+s11+$0x0], $0xffff;
	v22 =	vadd.s32 s25, v0  }
0x27e: {  	s5 =	simm.s32 $0x3C8;
	[tilespmem:v61+s12+$0x0] =	vst.idx.msk $0xffff, v28;
	v20 =	vadd.s32 s30, v10;
	v29 =	vld.idx.msk [tilespmem:v30+s11+$0x0], $0xffff;
	v30 =	vadd.s32 s4, v0  }
0x27f: {  	v43 =	vadd.s32 s20, v10;
	s6 =	simm.s32 $0x16A;
	v32 =	vld.idx.msk [tilespmem:v62+s11+$0x0], $0xffff;
	[tilespmem:v31+s12+$0x0] =	vst.idx.msk $0xffff, v23;
	v23 =	vadd.s32 s5, v0  }
0x280: {  	v28 =	vadd.s32 s3, v11;
	s7 =	simm.s32 $0x58C;
	v42 =	vadd.s32 s6, v0;
	v24 =	vld.idx.msk [tilespmem:v59+s11+$0x0], $0xffff;
	[tilespmem:v63+s12+$0x0] =	vst.idx.msk $0xffff, v25  }
0x281: {  	s8 =	simm.s32 $0x33E;
	v46 =	vadd.s32 s23, v12;
	v31 =	vadd.s32 s23, v11;
	v26 =	vld.idx.msk [tilespmem:v26+s11+$0x0], $0xffff;
	[tilespmem:v40+s12+$0x0] =	vst.idx.msk $0xffff, v27;
	v25 =	vadd.s32 s7, v0  }
0x282: {  	s9 =	simm.s32 $0x4B2;
	s10 =	simm.s32 $0x38E;
	v27 =	vadd.s32 s1, v6;
	v19 =	vld.idx.msk [tilespmem:v19+s11+$0x0], $0xffff;
	[tilespmem:v22+s12+$0x0] =	vst.idx.msk $0xffff, v18;
	v18 =	vadd.s32 s8, v0  }
0x283: {  	v16 =	vadd.s32 s10, v0;
	s10 =	simm.s32 $0x264;
	v20 =	vld.idx.msk [tilespmem:v20+s11+$0x0], $0xffff;
	v22 =	vadd.s32 s9, v0;
	[tilespmem:v30+s12+$0x0] =	vst.idx.msk $0xffff, v21  }
0x284: {  	s14 =	simm.s32 $0x696;
	v21 =	vld.idx.msk [tilespmem:v41+s11+$0x0], $0xffff;
	v30 =	vadd.s32 s21, v6;
	[tilespmem:v23+s12+$0x0] =	vst.idx.msk $0xffff, v29;
	v29 =	vadd.s32 s10, v0  }
0x285: {  	s15 =	simm.s32 $0x3D8;
	v44 =	vadd.s32 s14, v0;
	[tilespmem:v42+s12+$0x0] =	vst.idx.msk $0xffff, v24;
	v23 =	vadd.s32 s30, v11;
	v28 =	vld.idx.msk [tilespmem:v28+s11+$0x0], $0xffff  }
0x286: {  	s16 =	simm.s32 $0x17A;
	v45 =	vadd.s32 s15, v0;
	v24 =	vadd.s32 s26, v5;
	v31 =	vld.idx.msk [tilespmem:v31+s11+$0x0], $0xffff;
	[tilespmem:v25+s12+$0x0] =	vst.idx.msk $0xffff, v32  }
0x287: {  	s17 =	simm.s32 $0x59C;
	s18 =	simm.s32 $0x736;
	v47 =	vadd.s32 s16, v0;
	v25 =	vadd.s32 s3, v12;
	v27 =	vld.idx.msk [tilespmem:v27+s11+$0x0], $0xffff;
	[tilespmem:v18+s12+$0x0] =	vst.idx.msk $0xffff, v26  }
0x288: {  	v17 =	vadd.s32 s18, v0;
	s18 =	simm.s32 $0x34E;
	v34 =	vld.idx.msk [tilespmem:v43+s11+$0x0], $0xffff;
	[tilespmem:v22+s12+$0x0] =	vst.idx.msk $0xffff, v20;
	v18 =	vadd.s32 s17, v0  }
0x289: {  	s19 =	simm.s32 $0x4C2;
	v20 =	vadd.s32 s1, v5;
	v22 =	vld.idx.msk [tilespmem:v30+s11+$0x0], $0xffff;
	[tilespmem:v29+s12+$0x0] =	vst.idx.msk $0xffff, v19;
	v19 =	vadd.s32 s18, v0  }
0x28a: {  	s22 =	simm.s32 $0x274;
	v26 =	vadd.s32 s20, v11;
	v23 =	vld.idx.msk [tilespmem:v23+s11+$0x0], $0xffff;
	v29 =	vadd.s32 s19, v0;
	[tilespmem:v44+s12+$0x0] =	vst.idx.msk $0xffff, v28  }
0x28b: {  	s25 =	simm.s32 $0x6A6;
	v24 =	vld.idx.msk [tilespmem:v24+s11+$0x0], $0xffff;
	v28 =	vadd.s32 s21, v5;
	[tilespmem:v45+s12+$0x0] =	vst.idx.msk $0xffff, v31;
	v31 =	vadd.s32 s22, v0  }
0x28c: {  	s4 =	simm.s32 $0x3E8;
	v48 =	vadd.s32 s25, v0;
	v30 =	vadd.s32 s30, v12;
	v25 =	vld.idx.msk [tilespmem:v25+s11+$0x0], $0xffff;
	[tilespmem:v47+s12+$0x0] =	vst.idx.msk $0xffff, v27  }
0x28d: {  	s5 =	simm.s32 $0x18A;
	v49 =	vadd.s32 s4, v0;
	v32 =	vld.idx.msk [tilespmem:v46+s11+$0x0], $0xffff;
	v27 =	vadd.s32 s26, v4;
	[tilespmem:v18+s12+$0x0] =	vst.idx.msk $0xffff, v34  }
0x28e: {  	v50 =	vadd.s32 s23, v13;
	s6 =	simm.s32 $0x5AC;
	v51 =	vadd.s32 s5, v0;
	v20 =	vld.idx.msk [tilespmem:v20+s11+$0x0], $0xffff;
	[tilespmem:v19+s12+$0x0] =	vst.idx.msk $0xffff, v22  }
0x28f: {  	v18 =	vadd.s32 s3, v13;
	v26 =	vld.idx.msk [tilespmem:v26+s11+$0x0], $0xffff;
	[tilespmem:v29+s12+$0x0] =	vst.idx.msk $0xffff, v23;
	v19 =	vadd.s32 s6, v0  }
0x290: {  	s7 =	simm.s32 $0x35E;
	v22 =	vadd.s32 s1, v4;
	v23 =	vld.idx.msk [tilespmem:v28+s11+$0x0], $0xffff;
	[tilespmem:v31+s12+$0x0] =	vst.idx.msk $0xffff, v24  }
0x291: {  	s8 =	simm.s32 $0x4D2;
	v28 =	vld.idx.msk [tilespmem:v30+s11+$0x0], $0xffff;
	v24 =	vadd.s32 s7, v0;
	[tilespmem:v48+s12+$0x0] =	vst.idx.msk $0xffff, v25  }
0x292: {  	s9 =	simm.s32 $0xA0;
	v29 =	vadd.s32 s20, v12;
	v30 =	vadd.s32 s8, v0;
	v25 =	vld.idx.msk [tilespmem:v27+s11+$0x0], $0xffff;
	[tilespmem:v49+s12+$0x0] =	vst.idx.msk $0xffff, v32  }
0x293: {  	s10 =	simm.s32 $0x6B6;
	v52 =	vadd.s32 s9, v0;
	v27 =	vadd.s32 s21, v4;
	v53 =	vld.idx.msk [tilespmem:v50+s11+$0x0], $0xffff;
	[tilespmem:v51+s12+$0x0] =	vst.idx.msk $0xffff, v20  }
0x294: {  	s14 =	simm.s32 $0x3F8;
	s16 =	simm.s32 $0x39E;
	v54 =	vadd.s32 s10, v0;
	v31 =	vadd.s32 s30, v13;
	v18 =	vld.idx.msk [tilespmem:v18+s11+$0x0], $0xffff;
	[tilespmem:v19+s12+$0x0] =	vst.idx.msk $0xffff, v26  }
0x295: {  	v55 =	vadd.s32 s24, v4;
	v20 =	vadd.s32 s14, v0;
	v22 =	vld.idx.msk [tilespmem:v22+s11+$0x0], $0xffff;
	[smem:$0x7AF] =	sst s16  }
0x296: {  	s15 =	simm.s32 $0x19A;
	v19 =	vadd.s32 s3, v14;
	[tilespmem:v24+s12+$0x0] =	vst.idx.msk $0xffff, v23  }
0x297: {  	v56 =	vadd.s32 s15, v0;
	s18 =	simm.s32 $0x5BC;
	v29 =	vld.idx.msk [tilespmem:v29+s11+$0x0], $0xffff;
	[tilespmem:v30+s12+$0x0] =	vst.idx.msk $0xffff, v28  }
0x298: {  	v26 =	vadd.s32 s23, v14;
	v23 =	vadd.s32 s18, v0;
	[tilespmem:v52+s12+$0x0] =	vst.idx.msk $0xffff, v21;
	v27 =	vld.idx.msk [tilespmem:v27+s11+$0x0], $0xffff  }
0x299: {  	v24 =	vadd.s32 s1, v3;
	v30 =	vld.idx.msk [tilespmem:v31+s11+$0x0], $0xffff;
	[tilespmem:v54+s12+$0x0] =	vst.idx.msk $0xffff, v18  }
0x29a: {  	s19 =	simm.s32 $0x36E;
	s22 =	simm.s32 $0x2B4;
	v18 =	vld.idx.msk [tilespmem:v55+s11+$0x0], $0xffff;
	[tilespmem:v20+s12+$0x0] =	vst.idx.msk $0xffff, v53  }
0x29b: {  	v21 =	vadd.s32 s19, v0;
	v19 =	vld.idx.msk [tilespmem:v19+s11+$0x0], $0xffff;
	[dreg:$0x1a] =	wrdreg s22  }
0x29c: {  	s17 =	simm.s32 $0x284;
	v28 =	vadd.s32 s20, v13;
	[tilespmem:v56+s12+$0x0] =	vst.idx.msk $0xffff, v22  }
0x29d: {  	s25 =	simm.s32 $0x408;
	v31 =	vadd.s32 s17, v0;
	s17 =	simm.s32 $0x6D6;
	v26 =	vld.idx.msk [tilespmem:v26+s11+$0x0], $0xffff;
	[tilespmem:v23+s12+$0x0] =	vst.idx.msk $0xffff, v29  }
0x29e: {  	v22 =	vadd.s32 s25, v0;
	s25 =	simm.s32 $0x512;
	v24 =	vld.idx.msk [tilespmem:v24+s11+$0x0], $0xffff;
	[smem:$0x7B0] =	sst s17  }
0x29f: {  	v57 =	vadd.s32 s21, v3;
	s4 =	simm.s32 $0xB0;
	[smem:$0x7B1] =	sst s25  }
0x2a0: {  	v20 =	vadd.s32 s4, v0;
	s17 =	simm.s32 $0x6E6;
	[tilespmem:v21+s12+$0x0] =	vst.idx.msk $0xffff, v27  }
0x2a1: {  	v58 =	vadd.s32 s26, v3;
	s4 =	simm.s32 $0x4E2;
	s25 =	simm.s32 $0x522;
	v63 =	vld.idx.msk [tilespmem:v28+s11+$0x0], $0xffff;
	[smem:$0x7B2] =	sst s17  }
0x2a2: {  	s8 =	simm.s32 $0x6C6;
	v62 =	vadd.s32 s4, v0;
	s4 =	simm.s32 $0x5CC;
	[smem:$0x7B3] =	sst s25  }
0x2a3: {  	v59 =	vadd.s32 s8, v0;
	v39 =	vadd.s32 s4, v0;
	s4 =	simm.s32 $0x60C;
	[tilespmem:v31+s12+$0x0] =	vst.idx.msk $0xffff, v25  }
0x2a4: {  	v60 =	vadd.s32 s24, v3;
	v41 =	vld.idx.msk [tilespmem:v57+s11+$0x0], $0xffff;
	[smem:$0x7B4] =	sst s4  }
0x2a5: {  	s8 =	simm.s32 $0x61C;
	[tilespmem:v20+s12+$0x0] =	vst.idx.msk $0xffff, v18  }
0x2a6: {  	s14 =	simm.s32 $0x19AF;
	s16 =	simm.s32 $0x6F6;
	v21 =	vld.idx.msk [tilespmem:v58+s11+$0x0], $0xffff;
	[dreg:$0xc] =	wrdreg s8  }
0x2a7: {  	s31 =	simm.s32 $0x448;
	v23 =	vadd.s32 s14, v15;
	[dreg:$0x16] =	wrdreg s16  }
0x2a8: {  	s0 =	simm.s32 $0x4;
	s29 =	simm.s32 $0x542;
	s17 =	simm.s32 $0x532;
	[tilespmem:v59+s12+$0x0] =	vst.idx.msk $0xffff, v19  }
0x2a9: {  	s28 =	simm.s32 $0x552;
	v61 =	vadd.s32 s23, v15;
	s25 =	simm.s32 $0x706;
	v45 =	vld.idx.msk [tilespmem:v60+s11+$0x0], $0xffff;
	[smem:$0x7B5] =	sst s17  }
0x2aa: {  	s2 =	simm.s32 $0x1BA;
	s6 =	simm.s32 $0x1AA;
	[dreg:$0x11] =	wrdreg s25  }
0x2ab: {  	s15 =	simm.s32 $0x2A4;
	s5 =	simm.s32 $0xC0;
	v40 =	vadd.s32 s30, v14;
	v25 =	vadd.s32 s6, v0;
	s4 =	simm.s32 $0x62C;
	[tilespmem:v22+s12+$0x0] =	vst.idx.msk $0xffff, v26  }
0x2ac: {  	v42 =	vadd.s32 s20, v14;
	s9 =	simm.s32 $0xE0;
	s7 =	simm.s32 $0x37E;
	v20 =	vld.idx.msk [tilespmem:v23+s11+$0x0], $0xffff;
	[dreg:$0x6] =	wrdreg s4  }
0x2ad: {  	s10 =	simm.s32 $0xD0;
	v44 =	vadd.s32 s7, v0;
	s7 =	simm.s32 $0x4F2;
	s6 =	simm.s32 $0x458;
	[tilespmem:v62+s12+$0x0] =	vst.idx.msk $0xffff, v30  }
0x2ae: {  	v43 =	vadd.s32 s1, v2;
	v46 =	vadd.s32 s5, v0;
	s5 =	simm.s32 $0x418;
	v34 =	vadd.s32 s7, v0;
	s7 =	simm.s32 $0x488;
	v28 =	vld.idx.msk [tilespmem:v61+s11+$0x0], $0xffff;
	[dreg:$0xd] =	wrdreg s6  }
0x2af: {  	v47 =	vadd.s32 s21, v2;
	s3 =	simm.s32 $0x294;
	s18 =	simm.s32 $0x1CA;
	s19 =	simm.s32 $0x746;
	[tilespmem:v39+s12+$0x0] =	vst.idx.msk $0xffff, v63  }
0x2b0: {  	s22 =	simm.s32 $0x438;
	v29 =	vadd.s32 s5, v0;
	s5 =	simm.s32 $0x468;
	s17 =	simm.s32 $0x478;
	v32 =	vld.idx.msk [tilespmem:v40+s11+$0x0], $0xffff;
	[tilespmem:v25+s12+$0x0] =	vst.idx.msk $0xffff, v24  }
0x2b1: {  	v36 =	vadd.s32 s30, v15;
	v27 =	vadd.s32 s3, v0;
	s3 =	simm.s32 $0x726;
	s8 =	simm.s32 $0x5DC;
	v33 =	vld.idx.msk [tilespmem:v42+s11+$0x0], $0xffff;
	[smem:$0x7B6] =	sst s17  }
0x2b2: {  	v35 =	vadd.s32 s20, v15;
	v18 =	vadd.s32 s1, v1;
	s1 =	simm.s32 $0x562;
	s16 =	simm.s32 $0x716;
	v31 =	vadd.s32 s8, v0;
	s25 =	simm.s32 $0x64C;
	[tilespmem:v44+s12+$0x0] =	vst.idx.msk $0xffff, v41  }
0x2b3: {  	v19 =	vadd.s32 s30, v1;
	s8 =	simm.s32 $0x1A13;
	v22 =	vadd.s32 s2, v0;
	v26 =	vadd.s32 s24, v2;
	s2 =	simm.s32 $0x63C;
	v23 =	vld.idx.msk [tilespmem:v43+s11+$0x0], $0xffff;
	[smem:$0x7B7] =	sst s25  }
0x2b4: {  	v30 =	vadd.s32 s23, v7;
	s6 =	simm.s32 $0x746;
	v25 =	vadd.s32 s26, v2;
	s17 =	simm.s32 $0x572;
	s25 =	simm.s32 $0x65C;
	[tilespmem:v46+s12+$0x0] =	vst.idx.msk $0xffff, v45;
	v24 =	vld.idx.msk [tilespmem:v47+s11+$0x0], $0xffff  }
.LBB2_6:
0x2b5: {  	[smem:$0x79C] =	sst s31  }
0x2b6: {  	[smem:$0x7A0] =	sst s16  }
0x2b7: {  	[smem:$0x79E] =	sst s29  }
0x2b8: {  	[smem:$0x7A4] =	sst s28  }
0x2b9: {  	[smem:$0x7A9] =	sst s5  }
0x2ba: {  	[smem:$0x7AB] =	sst s2  }
0x2bb: {  	[smem:$0x7A6] =	sst s3  }
0x2bc: {  	[smem:$0x7AD] =	sst s1;
	s3 =	sadd.s32 $0xFFFFFFB5, s8  }
0x2bd: {  	[tilespmem:v27+s12+$0x0] =	vst.idx.msk $0xffff, v21;
	v21 =	vadd.s32 s21, v1;
	s21 =	sadd.s32 $0xFFFFFFE7, s8;
	s4 =	sadd.s32 $0xFFFFFCE2, s19;
	s5 =	sld [smem:$0x7B7]  }
0x2be: {  	v41 =	vadd.s32 s24, v1;
	s24 =	smov.u32 s23;
	s23 =	rddreg [dreg:$0x1a];
	v38 =	vadd.s32 s9, v0;
	s9 =	smov.u32 s7  }
0x2bf: {  	v26 =	vld.idx.msk [tilespmem:v26+s11+$0x0], $0xffff;
	[tilespmem:v29+s12+$0x0] =	vst.idx.msk $0xffff, v28;
	v28 =	vadd.s32 s10, v0;
	s10 =	sld [smem:$0x7B6];
	s7 =	sadd.s32 $0xFFFFFDBC, s19;
	s19 =	sadd.s32 $0x3A8, s19  }
0x2c0: {  	v42 =	vadd.s32 s23, v0;
	[smem:$0x7A7] =	sst s9;
	s29 =	smov.u32 s5;
	s23 =	sadd.s32 $0xFFFFFD02, s19  }
0x2c1: {  	v63 =	vadd.s32 s7, v0;
	s7 =	sadd.s32 $0xFFFFFD4C, s19;
	s5 =	sadd.s32 $0xFFFFFD12, s19;
	[smem:$0x79D] =	sst s23  }
0x2c2: {  	v37 =	vadd.s32 s8, v8;
	s9 =	sadd.s32 $0xFFFFFFCE, s8;
	v45 =	vadd.s32 s7, v0;
	s7 =	sadd.s32 $0xFFFFFFC0, s19;
	[smem:$0x7A3] =	sst s5  }
0x2c3: {  	v61 =	vadd.s32 s15, v0;
	v25 =	vld.idx.msk [tilespmem:v25+s11+$0x0], $0xffff;
	s15 =	sadd.s32 $0xFFFFFF20, s19;
	s23 =	sadd.s32 $0xFFFFFFD0, s19;
	[smem:$0x79B] =	sst s7  }
0x2c4: {  	v27 =	vadd.s32 s3, v8;
	v30 =	vld.idx.msk [tilespmem:v30+s11+$0x0], $0xffff;
	[tilespmem:v34+s12+$0x0] =	vst.idx.msk $0xffff, v32;
	v44 =	vadd.s32 s15, v0;
	s15 =	sadd.s32 $0xFFFFFE36, s19;
	s16 =	smov.u32 s10;
	[smem:$0x7A1] =	sst s23  }
0x2c5: {  	v40 =	vadd.s32 s4, v0;
	v36 =	vld.idx.msk [tilespmem:v36+s11+$0x0], $0xffff;
	[tilespmem:v31+s12+$0x0] =	vst.idx.msk $0xffff, v33;
	s10 =	sadd.s32 $0xFFFFFEA6, s6;
	v46 =	vadd.s32 s15, v0;
	s15 =	sadd.s32 $0xFFFFFDFC, s19;
	[smem:$0x797] =	sst s16  }
0x2c6: {  	v31 =	vadd.s32 s26, v1;
	[tilespmem:v16+s12+$0x0] =	vst.idx.msk $0xffff, v24;
	v35 =	vld.idx.msk [tilespmem:v35+s11+$0x0], $0xffff;
	s7 =	sadd.s32 $0xFFFFFFE0, s19;
	s16 =	smov.u32 s22;
	[smem:$0x79F] =	sst s15  }
0x2c7: {  	[tilespmem:v22+s12+$0x0] =	vst.idx.msk $0xffff, v23;
	v24 =	vld.idx.msk [tilespmem:v37+s11+$0x0], $0xffff;
	s22 =	smov.u32 s25;
	s25 =	smov.u32 s17;
	[smem:$0x7A8] =	sst s7  }
0x2c8: {  	v29 =	vadd.s32 s9, v8;
	v23 =	vld.idx.msk [tilespmem:v18+s11+$0x0], $0xffff;
	s17 =	smov.u32 s6;
	v22 =	vadd.s32 s10, v0;
	[tilespmem:v61+s12+$0x0] =	vst.idx.msk $0xffff, v25;
	s6 =	sadd.s32 $0xFFFFFDEC, s19;
	s7 =	sld [smem:$0x7AF]  }
0x2c9: {  	v62 =	vadd.s32 s21, v8;
	s4 =	sadd.s32 $0xFFFFFC62, s19;
	v21 =	vld.idx.msk [tilespmem:v21+s11+$0x0], $0xffff;
	s15 =	sadd.s32 $0xFFFFFD22, s19;
	[tilespmem:v28+s12+$0x0] =	vst.idx.msk $0xffff, v26;
	v26 =	vadd.s32 s18, v0;
	[smem:$0x79A] =	sst s6  }
0x2ca: {  	v16 =	vmov v17;
	v28 =	vadd.s32 s8, v9;
	s18 =	sadd.s32 $0xFFFFFFB0, s19;
	[smem:$0x7AA] =	sst s15;
	v17 =	vld.idx.msk [tilespmem:v27+s11+$0x0], $0xffff;
	v27 =	vadd.s32 s4, v0;
	[tilespmem:v40+s12+$0x0] =	vst.idx.msk $0xffff, v30  }
0x2cb: {  	s2 =	sadd.s32 $0xFFFFFCF2, s19;
	v25 =	vadd.s32 s3, v9;
	s15 =	sadd.s32 $0xFFFFFD32, s19;
	[smem:$0x798] =	sst s18;
	v30 =	vld.idx.msk [tilespmem:v31+s11+$0x0], $0xffff;
	[tilespmem:v63+s12+$0x0] =	vst.idx.msk $0xffff, v36  }
0x2cc: {  	s26 =	smov.u32 s20;
	s18 =	sadd.s32 $0xFFFFFEE6, s19;
	[smem:$0x7B6] =	sst s15;
	v47 =	vld.idx.msk [tilespmem:v41+s11+$0x0], $0xffff;
	[tilespmem:v44+s12+$0x0] =	vst.idx.msk $0xffff, v24  }
0x2cd: {  	v49 =	vadd.s32 s30, v7;
	s20 =	smov.u32 s21;
	[smem:$0x7A2] =	sst s18;
	s18 =	sadd.s32 $0xFFFFFEF6, s19;
	v29 =	vld.idx.msk [tilespmem:v29+s11+$0x0], $0xffff;
	[tilespmem:v22+s12+$0x0] =	vst.idx.msk $0xffff, v35  }
0x2ce: {  	s23 =	sadd.s32 $0xFFFFFF30, s19;
	v31 =	vadd.s32 s9, v9;
	[smem:$0x7AC] =	sst s18;
	v24 =	vadd.s32 s7, v0;
	s18 =	sadd.s32 $0xFFFFFE1C, s19;
	[tilespmem:v26+s12+$0x0] =	vst.idx.msk $0x3ff, v23;
	v22 =	vld.idx.msk [tilespmem:v62+s11+$0x0], $0xffff  }
0x2cf: {  	s21 =	sadd.s32 $0xFFFFFF90, s19;
	[smem:$0x7AE] =	sst s18;
	s18 =	sadd.s32 $0xFFFFFC72, s19;
	v23 =	vadd.s32 s26, v7;
	v26 =	vld.idx.msk [tilespmem:v28+s11+$0x0], $0xffff;
	[tilespmem:v27+s12+$0x0] =	vst.idx.msk $0xffff, v17;
	v27 =	vadd.s32 s23, v0  }
0x2d0: {  	s6 =	sadd.s32 $0xFFFFFE0C, s19;
	s15 =	smov.u32 s14;
	s14 =	sld [smem:$0x7B0];
	v28 =	vadd.s32 s24, v6;
	v25 =	vld.idx.msk [tilespmem:v25+s11+$0x0], $0xffff;
	[tilespmem:v42+s12+$0x0] =	vst.idx.msk $0x3ff, v30;
	v30 =	vadd.s32 s18, v0  }
0x2d1: {  	s4 =	sadd.s32 $0xFFFFFED6, s19;
	[smem:$0x7A5] =	sst s6;
	s23 =	sadd.s32 $0xFFFFFFF0, s19;
	[tilespmem:v38+s12+$0x0] =	vst.idx.msk $0x3ff, v47  }
0x2d2: {  	v50 =	vadd.s32 s8, v10;
	[smem:$0x799] =	sst s4;
	v51 =	vld.idx.msk [tilespmem:v49+s11+$0x0], $0xffff;
	v17 =	vadd.s32 s23, v0;
	s23 =	smov.u32 s3;
	s18 =	smov.u32 s21;
	[tilespmem:v45+s12+$0x0] =	vst.idx.msk $0xffff, v29  }
0x2d3: {  	v48 =	vadd.s32 s20, v9;
	s21 =	sadd.s32 $0xFFFFFD5C, s19;
	v29 =	vadd.s32 s14, v0;
	s14 =	smov.u32 s17;
	[smem:$0x7B0] =	sst s18;
	[tilespmem:v24+s12+$0x0] =	vst.idx.msk $0x3ff, v21;
	v21 =	vld.idx.msk [tilespmem:v31+s11+$0x0], $0xffff  }
0x2d4: {  	s5 =	sadd.s32 $0xFFFFFF16, s19;
	v52 =	vadd.s32 s23, v10;
	[smem:$0x7AF] =	sst s14;
	s14 =	sadd.s32 $0xFFFFFEB6, s14;
	v31 =	vadd.s32 s21, v0;
	v23 =	vld.idx.msk [tilespmem:v23+s11+$0x0], $0xffff;
	[tilespmem:v27+s12+$0x0] =	vst.idx.msk $0xffff, v26  }
0x2d5: {  	s10 =	sadd.s32 $0xFFFFFDCC, s19;
	s4 =	sadd.s32 $0xFFFFFE2C, s19;
	v24 =	vadd.s32 s14, v0;
	v26 =	vld.idx.msk [tilespmem:v28+s11+$0x0], $0xffff;
	[tilespmem:v30+s12+$0x0] =	vst.idx.msk $0xffff, v25;
	v30 =	vadd.s32 s16, v0;
	s16 =	sld [smem:$0x7B1]  }
0x2d6: {  	s18 =	smov.u32 s25;
	s17 =	smov.u32 s4;
	s25 =	smov.u32 s22;
	v25 =	vadd.s32 s9, v10  }
0x2d7: {  	v53 =	vadd.s32 s15, v7;
	[dreg:$0x1a] =	wrdreg s25;
	s25 =	smov.u32 s5;
	s5 =	sadd.s32 $0xFFFFFF40, s19;
	[tilespmem:v46+s12+$0x0] =	vst.idx.msk $0xffff, v22  }
0x2d8: {  	s22 =	smov.u32 s2;
	s4 =	sadd.s32 $0xFFFFFC82, s19;
	v54 =	vadd.s32 s5, v0;
	v28 =	vld.idx.msk [tilespmem:v50+s11+$0x0], $0xffff;
	[tilespmem:v29+s12+$0x0] =	vst.idx.msk $0xffff, v20;
	v57 =	vadd.s32 s16, v0;
	s16 =	sld [smem:$0x7B2]  }
0x2d9: {  	s2 =	sld [smem:$0x79A];
	s5 =	sadd.s32 $0xFFFFFE46, s19;
	v27 =	vadd.s32 s26, v6;
	v36 =	vld.idx.msk [tilespmem:v48+s11+$0x0], $0xffff;
	v20 =	vadd.s32 s4, v0;
	s4 =	smov.u32 s10;
	[tilespmem:v31+s12+$0x0] =	vst.idx.msk $0xffff, v21  }
0x2da: {  	s1 =	sadd.s32 $0xFFFFFFA0, s19;
	v33 =	vld.idx.msk [tilespmem:v52+s11+$0x0], $0xffff;
	[smem:$0x7B1] =	sst s4;
	v21 =	vadd.s32 s5, v0;
	s5 =	sadd.s32 $0xFFFFFD6C, s19;
	[tilespmem:v24+s12+$0x0] =	vst.idx.msk $0xffff, v23;
	v23 =	vadd.s32 s30, v6  }
0x2db: {  	s28 =	sadd.s32 $0xFFFFFEC6, s19;
	s4 =	smov.u32 s1;
	v25 =	vld.idx.msk [tilespmem:v25+s11+$0x0], $0xffff;
	[tilespmem:v30+s12+$0x0] =	vst.idx.msk $0xffff, v26;
	v30 =	vadd.s32 s5, v0;
	v26 =	vadd.s32 s16, v0;
	s16 =	sld [smem:$0x7B4]  }
0x2dc: {  	v55 =	vadd.s32 s24, v5;
	s3 =	smov.u32 s28;
	[smem:$0x7B2] =	sst s4  }
0x2dd: {  	s31 =	sadd.s32 $0xFFFFFDDC, s19;
	v22 =	vadd.s32 s8, v11;
	[smem:$0x7B4] =	sst s3  }
0x2de: {  	v29 =	vld.idx.msk [tilespmem:v53+s11+$0x0], $0xffff;
	s5 =	sadd.s32 $0xFFFFFF50, s19;
	s3 =	smov.u32 s31;
	v58 =	vadd.s32 s16, v0;
	s16 =	sld [smem:$0x7B3]  }
0x2df: {  	v24 =	vld.idx.msk [tilespmem:v27+s11+$0x0], $0xffff;
	v27 =	vadd.s32 s20, v10;
	v59 =	vadd.s32 s5, v0;
	s5 =	sadd.s32 $0xFFFFFE56, s19;
	[tilespmem:v57+s12+$0x0] =	vst.idx.msk $0xffff, v51;
	[smem:$0x7B3] =	sst s3  }
0x2e0: {  	v56 =	vadd.s32 s23, v11;
	s21 =	smov.u32 s15;
	v23 =	vld.idx.msk [tilespmem:v23+s11+$0x0], $0xffff;
	[tilespmem:v30+s12+$0x0] =	vst.idx.msk $0xffff, v25;
	v25 =	vadd.s32 s5, v0;
	s5 =	sld [smem:$0x798]  }
0x2e1: {  	v31 =	vadd.s32 s21, v6;
	s4 =	sadd.s32 $0xFFFFFC92, s19;
	[tilespmem:v54+s12+$0x0] =	vst.idx.msk $0xffff, v28;
	v28 =	vld.idx.msk [tilespmem:v55+s11+$0x0], $0xffff;
	s3 =	sld [smem:$0x79D]  }
0x2e2: {  	v60 =	vadd.s32 s26, v5;
	v61 =	vadd.s32 s4, v0;
	s4 =	rddreg [dreg:$0x16];
	[tilespmem:v20+s12+$0x0] =	vst.idx.msk $0xffff, v33;
	v22 =	vld.idx.msk [tilespmem:v22+s11+$0x0], $0xffff  }
0x2e3: {  	v20 =	vadd.s32 s9, v11;
	[tilespmem:v21+s12+$0x0] =	vst.idx.msk $0xffff, v36;
	v63 =	vadd.s32 s16, v0;
	s16 =	smov.u32 s5;
	s5 =	sld [smem:$0x799]  }
0x2e4: {  	v21 =	vadd.s32 s8, v12;
	v27 =	vld.idx.msk [tilespmem:v27+s11+$0x0], $0xffff;
	s31 =	smov.u32 s3;
	s3 =	sld [smem:$0x79F]  }
0x2e5: {  	v32 =	vld.idx.msk [tilespmem:v56+s11+$0x0], $0xffff;
	v30 =	vadd.s32 s20, v11;
	[tilespmem:v26+s12+$0x0] =	vst.idx.msk $0xffff, v29;
	[dreg:$0x16] =	wrdreg s16  }
0x2e6: {  	v26 =	vadd.s32 s30, v5;
	v29 =	vld.idx.msk [tilespmem:v31+s11+$0x0], $0xffff;
	[tilespmem:v58+s12+$0x0] =	vst.idx.msk $0xffff, v24;
	v24 =	vadd.s32 s4, v0;
	s4 =	rddreg [dreg:$0xc];
	s16 =	smov.u32 s5  }
0x2e7: {  	v40 =	vadd.s32 s21, v5;
	s1 =	sadd.s32 $0xFFFFFD7C, s19;
	[tilespmem:v59+s12+$0x0] =	vst.idx.msk $0xffff, v22;
	v22 =	vld.idx.msk [tilespmem:v60+s11+$0x0], $0xffff;
	v42 =	vadd.s32 s4, v0;
	[dreg:$0xc] =	wrdreg s16  }
0x2e8: {  	s15 =	smov.u32 s29;
	v20 =	vld.idx.msk [tilespmem:v20+s11+$0x0], $0xffff;
	v31 =	vadd.s32 s1, v0;
	s1 =	sadd.s32 $0xFFFFFF60, s19;
	s16 =	sld [smem:$0x7B5]  }
0x2e9: {  	v62 =	vadd.s32 s23, v12;
	v21 =	vld.idx.msk [tilespmem:v21+s11+$0x0], $0xffff;
	s4 =	sadd.s32 $0xFFFFFCA2, s19;
	[tilespmem:v25+s12+$0x0] =	vst.idx.msk $0xffff, v27;
	s29 =	smov.u32 s3;
	s3 =	sld [smem:$0x7A2]  }
0x2ea: {  	v44 =	vadd.s32 s1, v0;
	v45 =	vadd.s32 s4, v0;
	v30 =	vld.idx.msk [tilespmem:v30+s11+$0x0], $0xffff;
	s4 =	smov.u32 s2;
	s2 =	sld [smem:$0x79B];
	[tilespmem:v63+s12+$0x0] =	vst.idx.msk $0xffff, v23  }
0x2eb: {  	v41 =	vadd.s32 s9, v12;
	v26 =	vld.idx.msk [tilespmem:v26+s11+$0x0], $0xffff;
	[tilespmem:v24+s12+$0x0] =	vst.idx.msk $0xffff, v29;
	v46 =	vadd.s32 s16, v0;
	s16 =	rddreg [dreg:$0x11]  }
0x2ec: {  	v25 =	vadd.s32 s8, v13;
	v29 =	vld.idx.msk [tilespmem:v40+s11+$0x0], $0xffff;
	[tilespmem:v42+s12+$0x0] =	vst.idx.msk $0xffff, v22;
	v22 =	vadd.s32 s16, v0;
	s16 =	sld [smem:$0x79C]  }
0x2ed: {  	[tilespmem:v61+s12+$0x0] =	vst.idx.msk $0xffff, v32;
	s5 =	sadd.s32 $0xFFFFFE66, s19;
	v23 =	vadd.s32 s26, v4;
	[smem:$0x7B5] =	sst s4;
	s4 =	smov.u32 s2  }
0x2ee: {  	v43 =	vld.idx.msk [tilespmem:v62+s11+$0x0], $0xffff;
	v27 =	vadd.s32 s23, v13;
	[tilespmem:v31+s12+$0x0] =	vst.idx.msk $0xffff, v20;
	v20 =	vadd.s32 s5, v0;
	s5 =	sadd.s32 $0xFFFFFD8C, s19;
	[dreg:$0x11] =	wrdreg s4  }
0x2ef: {  	v24 =	vadd.s32 s30, v4;
	v48 =	vadd.s32 s5, v0;
	s5 =	sadd.s32 $0xFFFFFF70, s19;
	[tilespmem:v44+s12+$0x0] =	vst.idx.msk $0xffff, v21;
	s4 =	sadd.s32 $0xFFFFFCB2, s19;
	v50 =	vadd.s32 s16, v0;
	s16 =	sld [smem:$0x79E]  }
0x2f0: {  	v31 =	vld.idx.msk [tilespmem:v41+s11+$0x0], $0xffff;
	v51 =	vadd.s32 s5, v0;
	s5 =	sadd.s32 $0xFFFFFE76, s19;
	[tilespmem:v46+s12+$0x0] =	vst.idx.msk $0xffff, v26;
	v26 =	vadd.s32 s4, v0;
	s4 =	sld [smem:$0x7A0]  }
0x2f1: {  	v47 =	vadd.s32 s20, v12;
	v25 =	vld.idx.msk [tilespmem:v25+s11+$0x0], $0xffff;
	[tilespmem:v22+s12+$0x0] =	vst.idx.msk $0xffff, v29;
	v22 =	vadd.s32 s5, v0;
	s5 =	sld [smem:$0x7A1]  }
0x2f2: {  	s2 =	rddreg [dreg:$0x6];
	v21 =	vld.idx.msk [tilespmem:v23+s11+$0x0], $0xffff;
	v23 =	vadd.s32 s21, v4  }
0x2f3: {  	v49 =	vadd.s32 s9, v13;
	v52 =	vadd.s32 s24, v4;
	v55 =	vadd.s32 s2, v0;
	s2 =	sld [smem:$0x7A3];
	[tilespmem:v45+s12+$0x0] =	vst.idx.msk $0xffff, v43  }
0x2f4: {  	v27 =	vld.idx.msk [tilespmem:v27+s11+$0x0], $0xffff;
	v53 =	vadd.s32 s16, v0;
	[tilespmem:v50+s12+$0x0] =	vst.idx.msk $0xffff, v28;
	v28 =	vadd.s32 s4, v0;
	s16 =	smov.u32 s5;
	s4 =	smov.u32 s3;
	s5 =	rddreg [dreg:$0xd]  }
0x2f5: {  	[tilespmem:v20+s12+$0x0] =	vst.idx.msk $0xffff, v30;
	v20 =	vadd.s32 s8, v14;
	v24 =	vld.idx.msk [tilespmem:v24+s11+$0x0], $0xffff;
	s3 =	sadd.s32 $0xFFFFFD9C, s19;
	[dreg:$0x6] =	wrdreg s4  }
0x2f6: {  	v30 =	vadd.s32 s23, v14;
	v32 =	vld.idx.msk [tilespmem:v47+s11+$0x0], $0xffff;
	s4 =	smov.u32 s2;
	v59 =	vadd.s32 s3, v0;
	s3 =	sld [smem:$0x7A6]  }
0x2f7: {  	v54 =	vadd.s32 s20, v13;
	v56 =	vadd.s32 s21, v3;
	[tilespmem:v48+s12+$0x0] =	vst.idx.msk $0xffff, v31;
	v23 =	vld.idx.msk [tilespmem:v23+s11+$0x0], $0xffff;
	[dreg:$0xd] =	wrdreg s4;
	s4 =	sadd.s32 $0xFFFFFE86, s19  }
0x2f8: {  	v29 =	vadd.s32 s30, v3;
	v31 =	vld.idx.msk [tilespmem:v49+s11+$0x0], $0xffff;
	[tilespmem:v51+s12+$0x0] =	vst.idx.msk $0xffff, v25;
	v60 =	vadd.s32 s4, v0;
	s4 =	sld [smem:$0x7A8]  }
0x2f9: {  	s1 =	sadd.s32 $0xFFFFFF80, s19;
	v25 =	vld.idx.msk [tilespmem:v52+s11+$0x0], $0xffff;
	[tilespmem:v26+s12+$0x0] =	vst.idx.msk $0xffff, v27;
	v26 =	vadd.s32 s5, v0;
	v27 =	vadd.s32 s26, v3;
	s5 =	sadd.s32 $0xFFFFFCC2, s19;
	s2 =	sld [smem:$0x7A5]  }
0x2fa: {  	v57 =	vadd.s32 s1, v0;
	v20 =	vld.idx.msk [tilespmem:v20+s11+$0x0], $0xffff;
	[tilespmem:v53+s12+$0x0] =	vst.idx.msk $0xffff, v24;
	v24 =	vadd.s32 s5, v0;
	s5 =	sld [smem:$0x7A4]  }
0x2fb: {  	v58 =	vadd.s32 s24, v3;
	v30 =	vld.idx.msk [tilespmem:v30+s11+$0x0], $0xffff;
	[tilespmem:v22+s12+$0x0] =	vst.idx.msk $0xffff, v32;
	v43 =	vadd.s32 s3, v0;
	s3 =	smov.u32 s4;
	s4 =	sld [smem:$0x7AB]  }
0x2fc: {  	v22 =	vadd.s32 s8, v15;
	v33 =	vld.idx.msk [tilespmem:v54+s11+$0x0], $0xffff;
	s28 =	smov.u32 s2;
	s2 =	sld [smem:$0x7AA]  }
0x2fd: {  	[tilespmem:v55+s12+$0x0] =	vst.idx.msk $0xffff, v21;
	v38 =	vld.idx.msk [tilespmem:v29+s11+$0x0], $0xffff;
	v62 =	vadd.s32 s5, v0;
	s5 =	sld [smem:$0x7A9]  }
0x2fe: {  	[tilespmem:v28+s12+$0x0] =	vst.idx.msk $0xffff, v23;
	v21 =	vld.idx.msk [tilespmem:v27+s11+$0x0], $0xffff;
	v27 =	vadd.s32 s4, v0;
	s4 =	sld [smem:$0x7AC]  }
0x2ff: {  	v35 =	vld.idx.msk [tilespmem:v56+s11+$0x0], $0xffff;
	[tilespmem:v26+s12+$0x0] =	vst.idx.msk $0xffff, v25  }
0x300: {  	v29 =	vadd.s32 s23, v15;
	[tilespmem:v57+s12+$0x0] =	vst.idx.msk $0xffff, v20;
	v37 =	vld.idx.msk [tilespmem:v58+s11+$0x0], $0xffff  }
0x301: {  	v61 =	vadd.s32 s20, v14;
	v20 =	vld.idx.msk [tilespmem:v22+s11+$0x0], $0xffff;
	v22 =	vadd.s32 s5, v0;
	s5 =	smov.u32 s2;
	s2 =	smov.u32 s4;
	s4 =	sadd.s32 $0xFFFFFDAC, s19  }
0x302: {  	v23 =	vadd.s32 s9, v14;
	v34 =	vadd.s32 s4, v0;
	s4 =	sadd.s32 $0xFFFFFE96, s19  }
0x303: {  	s0 =	sadd.s32 $0x4, s0;
	v63 =	vadd.s32 s30, v2;
	[tilespmem:v59+s12+$0x0] =	vst.idx.msk $0xffff, v31;
	v31 =	vadd.s32 s4, v0;
	s4 =	sld [smem:$0x7AD]  }
0x304: {  	p0 =	slt.u32 s0, $0x7C;
	[tilespmem:v24+s12+$0x0] =	vst.idx.msk $0xffff, v30;
	v24 =	vadd.s32 s21, v2  }
.Ltmp2:
0x305: {  	[tilespmem:v60+s12+$0x0] =	vst.idx.msk $0xffff, v33;
	v28 =	vld.idx.msk [tilespmem:v29+s11+$0x0], $0xffff;
	(pc) =	sbr.rel @p0 .LBB2_6-.Ltmp2, $4  }
0x306: {  	s6 =	sadd.s32 $0xFFFFFF06, s19;
	s30 =	smov.u32 s9;
	v33 =	vld.idx.msk [tilespmem:v61+s11+$0x0], $0xffff;
	[tilespmem:v22+s12+$0x0] =	vst.idx.msk $0xffff, v37;
	v22 =	vadd.s32 s4, v0;
	s4 =	sld [smem:$0x7AE]  }
0x307: {  	v39 =	vadd.s32 s9, v1;
	[smem:$0x7B7] =	sst s6;
	s6 =	smov.u32 s19;
	s7 =	sadd.s32 $0xFFFFFD42, s19;
	v36 =	vadd.s32 s30, v15;
	v32 =	vld.idx.msk [tilespmem:v23+s11+$0x0], $0xffff;
	[tilespmem:v62+s12+$0x0] =	vst.idx.msk $0xffff, v38  }
0x308: {  	s14 =	smov.u32 s8;
	s10 =	sld [smem:$0x797];
	s1 =	sadd.s32 $0xFFFFFCD2, s19;
	v26 =	vadd.s32 s24, v2;
	v25 =	vadd.s32 s26, v2;
	[tilespmem:v43+s12+$0x0] =	vst.idx.msk $0xffff, v35;
	v23 =	vld.idx.msk [tilespmem:v63+s11+$0x0], $0xffff  }
0x309: {  	v18 =	vmovc v19;
	v19 =	vmovc v39;
	s8 =	sadd.s32 $0x64, s8;
	s9 =	sld [smem:$0x7A7];
	v30 =	vadd.s32 s23, v7;
	v29 =	vadd.s32 s1, v0;
	v35 =	vadd.s32 s20, v15;
	v24 =	vld.idx.msk [tilespmem:v24+s11+$0x0], $0xffff;
	s1 =	smov.u32 s4  }
0x30a: {  	_ =	sdelay $0x3  }
0x30b: {  	s0 =	sadd.s32 $0xFFFFFDBC, s19;
	[tilespmem:v34+s12+$0x0] =	vst.idx.msk $0xffff, v32  }
0x30c: {  	v58 =	vadd.s32 s0, v0;
	v34 =	vld.idx.msk [tilespmem:v36+s11+$0x0], $0xffff;
	_ =	sdelay $0x1  }
0x30d: {  	[tilespmem:v31+s12+$0x0] =	vst.idx.msk $0xffff, v33  }
0x30e: {  	s4 =	sadd.s32 $0xFFFFFEA6, s6;
	s8 =	sld [smem:$0x7B0]  }
0x30f: {  	v59 =	vadd.s32 s30, v7;
	v31 =	vadd.s32 s4, v0;
	v33 =	vld.idx.msk [tilespmem:v35+s11+$0x0], $0xffff  }
0x310: {  	v60 =	vadd.s32 s20, v7;
	[tilespmem:v58+s12+$0x0] =	vst.idx.msk $0xffff, v34  }
0x311: {  	v37 =	vadd.s32 s8, v0;
	s4 =	sld [smem:$0x7B1];
	_ =	sdelay $0x2  }
0x312: {  	s8 =	sadd.s32 $0xFFFFFEB6, s6;
	[tilespmem:v31+s12+$0x0] =	vst.idx.msk $0xffff, v33;
	v31 =	vld.idx.msk [tilespmem:v59+s11+$0x0], $0xffff;
	v61 =	vadd.s32 s4, v0  }
0x313: {  	v38 =	vadd.s32 s14, v7;
	v62 =	vadd.s32 s8, v0;
	[tilespmem:v29+s12+$0x0] =	vst.idx.msk $0xffff, v28;
	v28 =	vld.idx.msk [tilespmem:v60+s11+$0x0], $0xffff  }
0x314: {  	[tilespmem:v37+s12+$0x0] =	vst.idx.msk $0xffff, v20  }
0x315: {  	s4 =	sld [smem:$0x7B2]  }
0x316: {  	s19 =	sadd.s32 $0xFFFFFCE2, s19;
	v29 =	vadd.s32 s30, v6  }
0x317: {  	v40 =	vadd.s32 s20, v6;
	v63 =	vadd.s32 s19, v0;
	v30 =	vld.idx.msk [tilespmem:v30+s11+$0x0], $0xffff;
	[tilespmem:v61+s12+$0x0] =	vst.idx.msk $0xffff, v31  }
0x318: {  	v37 =	vld.idx.msk [tilespmem:v38+s11+$0x0], $0xffff;
	v20 =	vadd.s32 s4, v0;
	s8 =	sld [smem:$0x7B3];
	[tilespmem:v62+s12+$0x0] =	vst.idx.msk $0xffff, v28  }
0x319: {  	v41 =	vadd.s32 s23, v6;
	s19 =	sld [smem:$0x7B4]  }
0x31a: {  	v42 =	vadd.s32 s14, v6  }
0x31b: {  	v28 =	vld.idx.msk [tilespmem:v29+s11+$0x0], $0xffff;
	v31 =	vadd.s32 s8, v0  }
0x31c: {  	[tilespmem:v63+s12+$0x0] =	vst.idx.msk $0xffff, v30;
	v30 =	vld.idx.msk [tilespmem:v40+s11+$0x0], $0xffff;
	v29 =	vadd.s32 s19, v0  }
0x31d: {  	[tilespmem:v20+s12+$0x0] =	vst.idx.msk $0xffff, v37  }
0x31e: {  	v44 =	vadd.s32 s22, v0;
	v45 =	vadd.s32 s20, v5;
	v34 =	vld.idx.msk [tilespmem:v41+s11+$0x0], $0xffff;
	s4 =	rddreg [dreg:$0x16]  }
0x31f: {  	v43 =	vadd.s32 s30, v5;
	v37 =	vld.idx.msk [tilespmem:v42+s11+$0x0], $0xffff;
	v20 =	vadd.s32 s4, v0  }
0x320: {  	v46 =	vadd.s32 s23, v5;
	[tilespmem:v31+s12+$0x0] =	vst.idx.msk $0xffff, v28  }
0x321: {  	v47 =	vadd.s32 s14, v5;
	s8 =	sld [smem:$0x7B5];
	[tilespmem:v29+s12+$0x0] =	vst.idx.msk $0xffff, v30  }
0x322: {  	s19 =	rddreg [dreg:$0xc]  }
0x323: {  	[tilespmem:v44+s12+$0x0] =	vst.idx.msk $0xffff, v34;
	v31 =	vld.idx.msk [tilespmem:v45+s11+$0x0], $0xffff;
	v30 =	vadd.s32 s19, v0  }
0x324: {  	v29 =	vld.idx.msk [tilespmem:v43+s11+$0x0], $0xffff;
	[tilespmem:v20+s12+$0x0] =	vst.idx.msk $0xffff, v37;
	v28 =	vadd.s32 s8, v0  }
0x325: {  	v49 =	vadd.s32 s31, v0;
	v34 =	vld.idx.msk [tilespmem:v46+s11+$0x0], $0xffff;
	s22 =	rddreg [dreg:$0x11]  }
0x326: {  	v48 =	vadd.s32 s30, v4;
	v51 =	vld.idx.msk [tilespmem:v47+s11+$0x0], $0xffff;
	v20 =	vadd.s32 s22, v0  }
0x327: {  	v50 =	vadd.s32 s20, v4;
	[tilespmem:v27+s12+$0x0] =	vst.idx.msk $0xffff, v21  }
0x328: {  	v52 =	vadd.s32 s23, v4;
	[tilespmem:v30+s12+$0x0] =	vst.idx.msk $0xffff, v31  }
0x329: {  	v21 =	vadd.s32 s14, v4;
	[tilespmem:v28+s12+$0x0] =	vst.idx.msk $0xffff, v29  }
0x32a: {  	s4 =	rddreg [dreg:$0x6];
	[tilespmem:v49+s12+$0x0] =	vst.idx.msk $0xffff, v34  }
0x32b: {  	v27 =	vadd.s32 s29, v0;
	v28 =	vld.idx.msk [tilespmem:v48+s11+$0x0], $0xffff;
	[tilespmem:v20+s12+$0x0] =	vst.idx.msk $0xffff, v51  }
0x32c: {  	v31 =	vadd.s32 s30, v3;
	v30 =	vld.idx.msk [tilespmem:v50+s11+$0x0], $0xffff;
	v29 =	vadd.s32 s4, v0;
	s8 =	rddreg [dreg:$0xd]  }
0x32d: {  	v54 =	vadd.s32 s20, v3;
	v20 =	vld.idx.msk [tilespmem:v52+s11+$0x0], $0xffff;
	v53 =	vadd.s32 s8, v0  }
0x32e: {  	[tilespmem:v22+s12+$0x0] =	vst.idx.msk $0xffff, v23;
	v21 =	vld.idx.msk [tilespmem:v21+s11+$0x0], $0xffff;
	v22 =	vadd.s32 s16, v0;
	v23 =	vadd.s32 s23, v3  }
0x32f: {  	v26 =	vld.idx.msk [tilespmem:v26+s11+$0x0], $0xffff;
	v55 =	vadd.s32 s10, v0;
	[tilespmem:v16+s12+$0x0] =	vst.idx.msk $0xffff, v24;
	v16 =	vadd.s32 s14, v3  }
0x330: {  	v24 =	vld.idx.msk [tilespmem:v25+s11+$0x0], $0xffff;
	v25 =	vadd.s32 s15, v0;
	[tilespmem:v27+s12+$0x0] =	vst.idx.msk $0xffff, v28  }
0x331: {  	v28 =	vld.idx.msk [tilespmem:v31+s11+$0x0], $0xffff;
	[tilespmem:v29+s12+$0x0] =	vst.idx.msk $0xffff, v30;
	v29 =	vadd.s32 s28, v0  }
0x332: {  	v31 =	vadd.s32 s2, v0;
	[tilespmem:v53+s12+$0x0] =	vst.idx.msk $0xffff, v20;
	v20 =	vld.idx.msk [tilespmem:v54+s11+$0x0], $0xffff  }
0x333: {  	v27 =	vadd.s32 s26, v1;
	[tilespmem:v22+s12+$0x0] =	vst.idx.msk $0xffff, v21;
	v22 =	vadd.s32 s5, v0;
	v21 =	vld.idx.msk [tilespmem:v23+s11+$0x0], $0xffff  }
0x334: {  	[tilespmem:v55+s12+$0x0] =	vst.idx.msk $0xffff, v26;
	v26 =	vadd.s32 s3, v0;
	v16 =	vld.idx.msk [tilespmem:v16+s11+$0x0], $0xffff  }
0x335: {  	v30 =	vadd.s32 s30, v2;
	[tilespmem:v25+s12+$0x0] =	vst.idx.msk $0xffff, v24  }
0x336: {  	v57 =	vadd.s32 s18, v0;
	v18 =	vld.idx.msk [tilespmem:v18+s11+$0x0], $0xffff;
	v24 =	vadd.s32 s14, v2;
	s19 =	rddreg [dreg:$0x1a];
	[tilespmem:v29+s12+$0x0] =	vst.idx.msk $0xffff, v28  }
0x337: {  	v23 =	vadd.s32 s20, v2;
	[tilespmem:v31+s12+$0x0] =	vst.idx.msk $0xffff, v20  }
0x338: {  	v56 =	vadd.s32 s23, v2;
	v58 =	vadd.s32 s19, v0;
	v27 =	vld.idx.msk [tilespmem:v27+s11+$0x0], $0xffff;
	[tilespmem:v22+s12+$0x0] =	vst.idx.msk $0xffff, v21  }
0x339: {  	v28 =	vadd.s32 s21, v1;
	s21 =	sld [smem:$0x7B7];
	[tilespmem:v26+s12+$0x0] =	vst.idx.msk $0xffff, v16  }
0x33a: {  	v25 =	vadd.s32 s24, v1;
	v29 =	vld.idx.msk [tilespmem:v30+s11+$0x0], $0xffff;
	v30 =	vadd.s32 s1, v0;
	s22 =	sld [smem:$0x7B6]  }
0x33b: {  	[tilespmem:v57+s12+$0x0] =	vst.idx.msk $0x3ff, v18;
	v18 =	vld.idx.msk [tilespmem:v24+s11+$0x0], $0xffff  }
0x33c: {  	v20 =	vld.idx.msk [tilespmem:v23+s11+$0x0], $0xffff;
	v21 =	vadd.s32 s21, v0  }
0x33d: {  	v23 =	vadd.s32 s20, v1;
	v16 =	vld.idx.msk [tilespmem:v56+s11+$0x0], $0xffff;
	[tilespmem:v58+s12+$0x0] =	vst.idx.msk $0x3ff, v27;
	v22 =	vadd.s32 s22, v0  }
0x33e: {  	v27 =	vadd.s32 s14, v1;
	s24 =	sld [smem:$0x7AF]  }
0x33f: {  	v25 =	vld.idx.msk [tilespmem:v25+s11+$0x0], $0xffff;
	v26 =	vadd.s32 s9, v0;
	v24 =	vadd.s32 s23, v1;
	[tilespmem:v30+s12+$0x0] =	vst.idx.msk $0xffff, v29  }
0x340: {  	v29 =	vadd.s32 s17, v0;
	v19 =	vld.idx.msk [tilespmem:v19+s11+$0x0], $0xffff;
	[tilespmem:v17+s12+$0x0] =	vst.idx.msk $0xffff, v18  }
0x341: {  	v28 =	vld.idx.msk [tilespmem:v28+s11+$0x0], $0xffff;
	v31 =	vadd.s32 s24, v0;
	[tilespmem:v21+s12+$0x0] =	vst.idx.msk $0xffff, v20  }
0x342: {  	v20 =	vadd.s32 s25, v0;
	[tilespmem:v22+s12+$0x0] =	vst.idx.msk $0xffff, v16;
	v16 =	vld.idx.msk [tilespmem:v23+s11+$0x0], $0xffff  }
0x343: {  	v18 =	vld.idx.msk [tilespmem:v27+s11+$0x0], $0xffff;
	v22 =	vadd.s32 s6, v0  }
0x344: {  	[tilespmem:v26+s12+$0x0] =	vst.idx.msk $0x3ff, v25;
	v21 =	vadd.s32 s7, v0;
	v17 =	vld.idx.msk [tilespmem:v24+s11+$0x0], $0xffff  }
0x345: {  	[tilespmem:v29+s12+$0x0] =	vst.idx.msk $0x3ff, v19  }
0x346: {  	[tilespmem:v31+s12+$0x0] =	vst.idx.msk $0x3ff, v28  }
0x347: {  	[tilespmem:v20+s12+$0x0] =	vst.idx.msk $0x3ff, v16  }
0x348: {  	[tilespmem:v22+s12+$0x0] =	vst.idx.msk $0x3ff, v18  }
0x349: {  	[tilespmem:v21+s12+$0x0] =	vst.idx.msk $0x3ff, v17  }
0x34a: {  	s26 =	sld [smem:$0x7FB]  }
0x34b: {  	s24 =	simm.s32 $0x2580  }
0x34c: {  	s2 =	simm.s32 $0x2;
	s25 =	simm.s32 $0x0;
	v16 =	vadd.s32 s24, v8  }
0x34d: {  	[hbm4b:s26+s25] =	stream.linear.scatter [tilespmem:s12], [sflag:$0x1], $0x7500, $0x38;
	[tilespmem:$0x11D00] =	vst v63  }
0x34e: {  	_ =	swait.ge [sflag:s2], $0x7500  }
0x34f: {  	[sflag:s2] =	ssyncset.done $0x0  }
0x350: {  	s3 =	simm.s32 $0x0;
	s20 =	simm.s32 $0x25CB;
	[sflag:s2] =	ssyncadd.s32 $0xFFFF8B00  }
0x351: {  	v18 =	vadd.s32 s3, v0;
	v17 =	vadd.s32 s20, v8;
	v16 =	vld.idx.msk [tilespmem:v16+s11+$0x0], $0xffff  }
0x352: {  	v19 =	vadd.s32 s24, v9;
	_ =	sdelay $0x1  }
0x353: {  	s1 =	simm.s32 $0x2599  }
0x354: {  	s18 =	simm.s32 $0x25B2;
	s4 =	simm.s32 $0x2BE;
	v20 =	vadd.s32 s1, v8  }
0x355: {  	s5 =	simm.s32 $0x10;
	v22 =	vadd.s32 s4, v0;
	v21 =	vadd.s32 s18, v8;
	v17 =	vld.idx.msk [tilespmem:v17+s11+$0x0], $0xffff;
	[tilespmem:v18+s13+$0x0] =	vst.idx.msk $0xffff, v16  }
0x356: {  	v16 =	vadd.s32 s20, v9;
	v18 =	vld.idx.msk [tilespmem:v19+s11+$0x0], $0xffff;
	v19 =	vadd.s32 s5, v0  }
0x357: {  	v23 =	vadd.s32 s24, v10  }
0x358: {  	s6 =	simm.s32 $0xEA  }
0x359: {  	s7 =	simm.s32 $0x1D4;
	v24 =	vadd.s32 s6, v0;
	v20 =	vld.idx.msk [tilespmem:v20+s11+$0x0], $0xffff  }
0x35a: {  	s8 =	simm.s32 $0x2CE;
	v25 =	vadd.s32 s1, v9;
	v26 =	vadd.s32 s7, v0;
	v21 =	vld.idx.msk [tilespmem:v21+s11+$0x0], $0xffff;
	[tilespmem:v22+s13+$0x0] =	vst.idx.msk $0xffff, v17  }
0x35b: {  	s9 =	simm.s32 $0x20;
	v17 =	vadd.s32 s18, v9;
	v22 =	vadd.s32 s8, v0;
	v16 =	vld.idx.msk [tilespmem:v16+s11+$0x0], $0xffff;
	[tilespmem:v19+s13+$0x0] =	vst.idx.msk $0xffff, v18  }
0x35c: {  	v18 =	vadd.s32 s20, v10;
	v19 =	vld.idx.msk [tilespmem:v23+s11+$0x0], $0xffff;
	v23 =	vadd.s32 s9, v0  }
0x35d: {  	v27 =	vadd.s32 s24, v11  }
0x35e: {  	s10 =	simm.s32 $0xFA;
	[tilespmem:v24+s13+$0x0] =	vst.idx.msk $0xffff, v20  }
0x35f: {  	s14 =	simm.s32 $0x1E4;
	v24 =	vadd.s32 s10, v0;
	[tilespmem:v26+s13+$0x0] =	vst.idx.msk $0xffff, v21;
	v20 =	vld.idx.msk [tilespmem:v25+s11+$0x0], $0xffff  }
0x360: {  	s15 =	simm.s32 $0x2DE;
	v21 =	vadd.s32 s14, v0;
	v17 =	vld.idx.msk [tilespmem:v17+s11+$0x0], $0xffff;
	[tilespmem:v22+s13+$0x0] =	vst.idx.msk $0xffff, v16;
	v16 =	vadd.s32 s1, v10  }
0x361: {  	s16 =	simm.s32 $0x30;
	v25 =	vadd.s32 s18, v10;
	v22 =	vadd.s32 s15, v0;
	v18 =	vld.idx.msk [tilespmem:v18+s11+$0x0], $0xffff;
	[tilespmem:v23+s13+$0x0] =	vst.idx.msk $0xffff, v19  }
0x362: {  	v26 =	vadd.s32 s16, v0;
	v19 =	vadd.s32 s20, v11;
	v23 =	vld.idx.msk [tilespmem:v27+s11+$0x0], $0xffff  }
0x363: {  	v27 =	vadd.s32 s24, v12  }
0x364: {  	s17 =	simm.s32 $0x10A;
	[tilespmem:v24+s13+$0x0] =	vst.idx.msk $0xffff, v20  }
0x365: {  	s19 =	simm.s32 $0x1F4;
	v20 =	vadd.s32 s17, v0;
	[tilespmem:v21+s13+$0x0] =	vst.idx.msk $0xffff, v17;
	v16 =	vld.idx.msk [tilespmem:v16+s11+$0x0], $0xffff  }
0x366: {  	s21 =	simm.s32 $0x2EE;
	v17 =	vadd.s32 s1, v11;
	v21 =	vadd.s32 s19, v0;
	[tilespmem:v22+s13+$0x0] =	vst.idx.msk $0xffff, v18;
	v18 =	vld.idx.msk [tilespmem:v25+s11+$0x0], $0xffff  }
0x367: {  	s22 =	simm.s32 $0x40;
	v24 =	vadd.s32 s18, v11;
	v22 =	vadd.s32 s21, v0;
	v19 =	vld.idx.msk [tilespmem:v19+s11+$0x0], $0xffff;
	[tilespmem:v26+s13+$0x0] =	vst.idx.msk $0xffff, v23  }
0x368: {  	v23 =	vadd.s32 s20, v12;
	v26 =	vadd.s32 s22, v0;
	v25 =	vld.idx.msk [tilespmem:v27+s11+$0x0], $0xffff  }
0x369: {  	v27 =	vadd.s32 s24, v13  }
0x36a: {  	s23 =	simm.s32 $0x11A;
	[tilespmem:v20+s13+$0x0] =	vst.idx.msk $0xffff, v16  }
0x36b: {  	s25 =	simm.s32 $0x204;
	v16 =	vld.idx.msk [tilespmem:v17+s11+$0x0], $0xffff;
	v17 =	vadd.s32 s23, v0;
	[tilespmem:v21+s13+$0x0] =	vst.idx.msk $0xffff, v18  }
0x36c: {  	s26 =	simm.s32 $0x2FE;
	v20 =	vadd.s32 s25, v0;
	v18 =	vadd.s32 s1, v12;
	[tilespmem:v22+s13+$0x0] =	vst.idx.msk $0xffff, v19;
	v19 =	vld.idx.msk [tilespmem:v24+s11+$0x0], $0xffff  }
0x36d: {  	s2 =	simm.s32 $0x50;
	v22 =	vadd.s32 s26, v0;
	v21 =	vld.idx.msk [tilespmem:v23+s11+$0x0], $0xffff;
	v23 =	vadd.s32 s18, v12;
	[tilespmem:v26+s13+$0x0] =	vst.idx.msk $0xffff, v25  }
0x36e: {  	v24 =	vadd.s32 s20, v13;
	v26 =	vadd.s32 s2, v0;
	v25 =	vld.idx.msk [tilespmem:v27+s11+$0x0], $0xffff  }
0x36f: {  	v27 =	vadd.s32 s24, v14  }
0x370: {  	s3 =	simm.s32 $0x12A;
	[tilespmem:v17+s13+$0x0] =	vst.idx.msk $0xffff, v16  }
0x371: {  	s4 =	simm.s32 $0x214;
	v17 =	vadd.s32 s3, v0;
	v16 =	vld.idx.msk [tilespmem:v18+s11+$0x0], $0xffff;
	[tilespmem:v20+s13+$0x0] =	vst.idx.msk $0xffff, v19  }
0x372: {  	s5 =	simm.s32 $0x30E;
	v18 =	vadd.s32 s1, v13;
	v20 =	vadd.s32 s4, v0;
	[tilespmem:v22+s13+$0x0] =	vst.idx.msk $0xffff, v21;
	v19 =	vld.idx.msk [tilespmem:v23+s11+$0x0], $0xffff  }
0x373: {  	s6 =	simm.s32 $0x60;
	v22 =	vadd.s32 s5, v0;
	v23 =	vadd.s32 s18, v13;
	v21 =	vld.idx.msk [tilespmem:v24+s11+$0x0], $0xffff;
	[tilespmem:v26+s13+$0x0] =	vst.idx.msk $0xffff, v25  }
0x374: {  	v24 =	vadd.s32 s20, v14;
	v26 =	vadd.s32 s6, v0;
	v25 =	vld.idx.msk [tilespmem:v27+s11+$0x0], $0xffff  }
0x375: {  	v27 =	vadd.s32 s24, v15  }
0x376: {  	s7 =	simm.s32 $0x13A;
	[tilespmem:v17+s13+$0x0] =	vst.idx.msk $0xffff, v16  }
0x377: {  	s8 =	simm.s32 $0x224;
	v17 =	vadd.s32 s7, v0;
	v16 =	vld.idx.msk [tilespmem:v18+s11+$0x0], $0xffff;
	[tilespmem:v20+s13+$0x0] =	vst.idx.msk $0xffff, v19  }
0x378: {  	s9 =	simm.s32 $0x31E;
	v19 =	vadd.s32 s1, v14;
	v20 =	vadd.s32 s8, v0;
	[tilespmem:v22+s13+$0x0] =	vst.idx.msk $0xffff, v21;
	v18 =	vld.idx.msk [tilespmem:v23+s11+$0x0], $0xffff  }
0x379: {  	s10 =	simm.s32 $0x70;
	v22 =	vadd.s32 s9, v0;
	v23 =	vadd.s32 s18, v14;
	v21 =	vld.idx.msk [tilespmem:v24+s11+$0x0], $0xffff;
	[tilespmem:v26+s13+$0x0] =	vst.idx.msk $0xffff, v25  }
0x37a: {  	v24 =	vadd.s32 s20, v15;
	v26 =	vadd.s32 s10, v0;
	v25 =	vld.idx.msk [tilespmem:v27+s11+$0x0], $0xffff  }
0x37b: {  	s3 =	simm.s32 $0x262F;
	v27 =	vadd.s32 s24, v7  }
0x37c: {  	s14 =	simm.s32 $0x14A;
	s23 =	simm.s32 $0x25E4;
	[tilespmem:v17+s13+$0x0] =	vst.idx.msk $0xffff, v16;
	v16 =	vadd.s32 s3, v8  }
0x37d: {  	s15 =	simm.s32 $0x234;
	v17 =	vld.idx.msk [tilespmem:v19+s11+$0x0], $0xffff;
	[tilespmem:v20+s13+$0x0] =	vst.idx.msk $0xffff, v18;
	v18 =	vadd.s32 s14, v0;
	v19 =	vadd.s32 s23, v8  }
0x37e: {  	[tilespmem:v22+s13+$0x0] =	vst.idx.msk $0xffff, v21;
	v20 =	vld.idx.msk [tilespmem:v23+s11+$0x0], $0xffff;
	v21 =	vadd.s32 s1, v15;
	v22 =	vadd.s32 s15, v0  }
0x37f: {  	s16 =	simm.s32 $0x80;
	s22 =	simm.s32 $0x25FD;
	v23 =	vld.idx.msk [tilespmem:v24+s11+$0x0], $0xffff;
	v24 =	vadd.s32 s18, v15;
	[tilespmem:v26+s13+$0x0] =	vst.idx.msk $0xffff, v25  }
0x380: {  	s17 =	simm.s32 $0x666;
	v25 =	vadd.s32 s22, v8;
	v26 =	vld.idx.msk [tilespmem:v27+s11+$0x0], $0xffff;
	v27 =	vadd.s32 s16, v0  }
0x381: {  	v30 =	vadd.s32 s17, v0;
	s19 =	simm.s32 $0x3A8;
	v29 =	vld.idx.msk [tilespmem:v16+s11+$0x0], $0xffff  }
0x382: {  	s25 =	simm.s32 $0x15A;
	[tilespmem:v18+s13+$0x0] =	vst.idx.msk $0xffff, v17;
	v17 =	vld.idx.msk [tilespmem:v19+s11+$0x0], $0xffff;
	v18 =	vadd.s32 s19, v0;
	v19 =	vadd.s32 s3, v9  }
0x383: {  	s21 =	simm.s32 $0x2616;
	s26 =	simm.s32 $0x244;
	v21 =	vld.idx.msk [tilespmem:v21+s11+$0x0], $0xffff;
	[tilespmem:v22+s13+$0x0] =	vst.idx.msk $0xffff, v20;
	v20 =	vadd.s32 s25, v0;
	v22 =	vadd.s32 s23, v9  }
0x384: {  	v28 =	vadd.s32 s21, v8;
	v31 =	vadd.s32 s26, v0;
	s2 =	simm.s32 $0x492;
	v24 =	vld.idx.msk [tilespmem:v24+s11+$0x0], $0xffff  }
0x385: {  	v60 =	vadd.s32 s2, v0;
	v25 =	vld.idx.msk [tilespmem:v25+s11+$0x0], $0xffff;
	[tilespmem:v27+s13+$0x0] =	vst.idx.msk $0xffff, v26;
	v26 =	vadd.s32 s18, v7  }
0x386: {  	v59 =	vadd.s32 s1, v7;
	s5 =	simm.s32 $0x676;
	v27 =	vadd.s32 s22, v9;
	[tilespmem:v30+s13+$0x0] =	vst.idx.msk $0xffff, v29  }
0x387: {  	s6 =	simm.s32 $0x3B8;
	v29 =	vadd.s32 s24, v6;
	[tilespmem:v18+s13+$0x0] =	vst.idx.msk $0xffff, v17;
	v18 =	vld.idx.msk [tilespmem:v19+s11+$0x0], $0xffff;
	v19 =	vadd.s32 s5, v0  }
0x388: {  	s8 =	simm.s32 $0x57C;
	[tilespmem:v20+s13+$0x0] =	vst.idx.msk $0xffff, v21;
	v20 =	vld.idx.msk [tilespmem:v22+s11+$0x0], $0xffff;
	v21 =	vadd.s32 s6, v0;
	v22 =	vadd.s32 s3, v10  }
0x389: {  	v28 =	vld.idx.msk [tilespmem:v28+s11+$0x0], $0xffff;
	s7 =	simm.s32 $0x32E;
	v61 =	vadd.s32 s8, v0;
	v30 =	vadd.s32 s23, v10;
	[tilespmem:v31+s13+$0x0] =	vst.idx.msk $0xffff, v24  }
0x38a: {  	v62 =	vadd.s32 s21, v9;
	s10 =	simm.s32 $0x254;
	v31 =	vadd.s32 s7, v0;
	[tilespmem:v60+s13+$0x0] =	vst.idx.msk $0xffff, v25;
	v25 =	vld.idx.msk [tilespmem:v26+s11+$0x0], $0xffff  }
0x38b: {  	v41 =	vadd.s32 s24, v5;
	v43 =	vadd.s32 s21, v10;
	v63 =	vadd.s32 s10, v0;
	s14 =	simm.s32 $0x4A2;
	v27 =	vld.idx.msk [tilespmem:v27+s11+$0x0], $0xffff  }
0x38c: {  	s15 =	simm.s32 $0x90;
	v40 =	vadd.s32 s14, v0;
	v26 =	vadd.s32 s20, v7;
	[tilespmem:v19+s13+$0x0] =	vst.idx.msk $0xffff, v18;
	v18 =	vld.idx.msk [tilespmem:v29+s11+$0x0], $0xffff  }
0x38d: {  	s16 =	simm.s32 $0x686;
	v19 =	vadd.s32 s18, v6;
	[tilespmem:v21+s13+$0x0] =	vst.idx.msk $0xffff, v20;
	v21 =	vld.idx.msk [tilespmem:v22+s11+$0x0], $0xffff;
	v22 =	vadd.s32 s15, v0  }
0x38e: {  	s17 =	simm.s32 $0x3C8;
	[tilespmem:v61+s13+$0x0] =	vst.idx.msk $0xffff, v28;
	v20 =	vadd.s32 s22, v10;
	v29 =	vld.idx.msk [tilespmem:v30+s11+$0x0], $0xffff;
	v30 =	vadd.s32 s16, v0  }
0x38f: {  	s4 =	simm.s32 $0x38E;
	v28 =	vadd.s32 s3, v11;
	v32 =	vld.idx.msk [tilespmem:v62+s11+$0x0], $0xffff;
	s19 =	simm.s32 $0x16A;
	[tilespmem:v31+s13+$0x0] =	vst.idx.msk $0xffff, v23;
	v23 =	vadd.s32 s17, v0  }
0x390: {  	v16 =	vadd.s32 s4, v0;
	s25 =	simm.s32 $0x58C;
	v42 =	vadd.s32 s19, v0;
	v24 =	vld.idx.msk [tilespmem:v59+s11+$0x0], $0xffff;
	[tilespmem:v63+s13+$0x0] =	vst.idx.msk $0xffff, v25  }
0x391: {  	s26 =	simm.s32 $0x33E;
	v31 =	vadd.s32 s23, v11;
	v26 =	vld.idx.msk [tilespmem:v26+s11+$0x0], $0xffff;
	[tilespmem:v40+s13+$0x0] =	vst.idx.msk $0xffff, v27;
	v25 =	vadd.s32 s25, v0  }
0x392: {  	s4 =	simm.s32 $0x4B2;
	v27 =	vadd.s32 s1, v6;
	v19 =	vld.idx.msk [tilespmem:v19+s11+$0x0], $0xffff;
	[tilespmem:v22+s13+$0x0] =	vst.idx.msk $0xffff, v18;
	v18 =	vadd.s32 s26, v0  }
0x393: {  	v46 =	vadd.s32 s23, v12;
	s5 =	simm.s32 $0x264;
	v20 =	vld.idx.msk [tilespmem:v20+s11+$0x0], $0xffff;
	v22 =	vadd.s32 s4, v0;
	[tilespmem:v30+s13+$0x0] =	vst.idx.msk $0xffff, v21  }
0x394: {  	s6 =	simm.s32 $0x696;
	v21 =	vld.idx.msk [tilespmem:v41+s11+$0x0], $0xffff;
	v30 =	vadd.s32 s20, v6;
	[tilespmem:v23+s13+$0x0] =	vst.idx.msk $0xffff, v29;
	v29 =	vadd.s32 s5, v0  }
0x395: {  	s7 =	simm.s32 $0x3D8;
	v44 =	vadd.s32 s6, v0;
	[tilespmem:v42+s13+$0x0] =	vst.idx.msk $0xffff, v24;
	v23 =	vadd.s32 s22, v11;
	v28 =	vld.idx.msk [tilespmem:v28+s11+$0x0], $0xffff  }
0x396: {  	v45 =	vadd.s32 s7, v0;
	v24 =	vadd.s32 s18, v5;
	s5 =	simm.s32 $0xA0;
	v31 =	vld.idx.msk [tilespmem:v31+s11+$0x0], $0xffff;
	[tilespmem:v25+s13+$0x0] =	vst.idx.msk $0xffff, v32  }
0x397: {  	s9 =	simm.s32 $0x736;
	s8 =	simm.s32 $0x17A;
	v52 =	vadd.s32 s5, v0;
	v25 =	vadd.s32 s3, v12;
	v27 =	vld.idx.msk [tilespmem:v27+s11+$0x0], $0xffff;
	[tilespmem:v18+s13+$0x0] =	vst.idx.msk $0xffff, v26  }
0x398: {  	v47 =	vadd.s32 s8, v0;
	v17 =	vadd.s32 s9, v0;
	s9 =	simm.s32 $0x59C;
	v34 =	vld.idx.msk [tilespmem:v43+s11+$0x0], $0xffff;
	[tilespmem:v22+s13+$0x0] =	vst.idx.msk $0xffff, v20  }
0x399: {  	s10 =	simm.s32 $0x34E;
	v18 =	vadd.s32 s9, v0;
	v20 =	vadd.s32 s1, v5;
	v22 =	vld.idx.msk [tilespmem:v30+s11+$0x0], $0xffff;
	[tilespmem:v29+s13+$0x0] =	vst.idx.msk $0xffff, v19  }
0x39a: {  	s14 =	simm.s32 $0x4C2;
	v26 =	vadd.s32 s21, v11;
	v23 =	vld.idx.msk [tilespmem:v23+s11+$0x0], $0xffff;
	v19 =	vadd.s32 s10, v0;
	[tilespmem:v44+s13+$0x0] =	vst.idx.msk $0xffff, v28  }
0x39b: {  	s15 =	simm.s32 $0x274;
	v29 =	vadd.s32 s14, v0;
	v24 =	vld.idx.msk [tilespmem:v24+s11+$0x0], $0xffff;
	v28 =	vadd.s32 s20, v5;
	[tilespmem:v45+s13+$0x0] =	vst.idx.msk $0xffff, v31  }
0x39c: {  	s16 =	simm.s32 $0x6A6;
	v30 =	vadd.s32 s22, v12;
	v31 =	vadd.s32 s15, v0;
	[tilespmem:v52+s13+$0x0] =	vst.idx.msk $0xffff, v21;
	v25 =	vld.idx.msk [tilespmem:v25+s11+$0x0], $0xffff  }
0x39d: {  	s17 =	simm.s32 $0x3E8;
	v48 =	vadd.s32 s16, v0;
	v32 =	vld.idx.msk [tilespmem:v46+s11+$0x0], $0xffff;
	[tilespmem:v47+s13+$0x0] =	vst.idx.msk $0xffff, v27;
	v27 =	vadd.s32 s18, v4  }
0x39e: {  	s19 =	simm.s32 $0x18A;
	v49 =	vadd.s32 s17, v0;
	[tilespmem:v18+s13+$0x0] =	vst.idx.msk $0xffff, v34;
	v18 =	vadd.s32 s3, v13;
	v20 =	vld.idx.msk [tilespmem:v20+s11+$0x0], $0xffff  }
0x39f: {  	v50 =	vadd.s32 s23, v13;
	v51 =	vadd.s32 s19, v0;
	s25 =	simm.s32 $0x5AC;
	v26 =	vld.idx.msk [tilespmem:v26+s11+$0x0], $0xffff;
	[tilespmem:v19+s13+$0x0] =	vst.idx.msk $0xffff, v22  }
0x3a0: {  	s26 =	simm.s32 $0x35E;
	[tilespmem:v29+s13+$0x0] =	vst.idx.msk $0xffff, v23;
	v19 =	vadd.s32 s25, v0;
	v22 =	vadd.s32 s1, v4;
	v23 =	vld.idx.msk [tilespmem:v28+s11+$0x0], $0xffff  }
0x3a1: {  	s4 =	simm.s32 $0x4D2;
	v29 =	vadd.s32 s21, v12;
	v28 =	vld.idx.msk [tilespmem:v30+s11+$0x0], $0xffff;
	[tilespmem:v31+s13+$0x0] =	vst.idx.msk $0xffff, v24;
	v24 =	vadd.s32 s26, v0  }
0x3a2: {  	s6 =	simm.s32 $0x6B6;
	v30 =	vadd.s32 s4, v0;
	[tilespmem:v48+s13+$0x0] =	vst.idx.msk $0xffff, v25;
	v25 =	vld.idx.msk [tilespmem:v27+s11+$0x0], $0xffff;
	v27 =	vadd.s32 s20, v4  }
0x3a3: {  	s7 =	simm.s32 $0x3F8;
	v54 =	vadd.s32 s6, v0;
	v31 =	vadd.s32 s22, v13;
	[tilespmem:v49+s13+$0x0] =	vst.idx.msk $0xffff, v32;
	v18 =	vld.idx.msk [tilespmem:v18+s11+$0x0], $0xffff  }
0x3a4: {  	v55 =	vadd.s32 s24, v4;
	v53 =	vld.idx.msk [tilespmem:v50+s11+$0x0], $0xffff;
	[tilespmem:v51+s13+$0x0] =	vst.idx.msk $0xffff, v20;
	v20 =	vadd.s32 s7, v0  }
0x3a5: {  	s8 =	simm.s32 $0x19A;
	[tilespmem:v19+s13+$0x0] =	vst.idx.msk $0xffff, v26;
	v19 =	vadd.s32 s3, v14;
	v22 =	vld.idx.msk [tilespmem:v22+s11+$0x0], $0xffff  }
0x3a6: {  	v56 =	vadd.s32 s8, v0;
	s10 =	simm.s32 $0x5BC;
	v29 =	vld.idx.msk [tilespmem:v29+s11+$0x0], $0xffff;
	[tilespmem:v24+s13+$0x0] =	vst.idx.msk $0xffff, v23  }
0x3a7: {  	v26 =	vadd.s32 s23, v14;
	[tilespmem:v30+s13+$0x0] =	vst.idx.msk $0xffff, v28;
	v23 =	vadd.s32 s10, v0;
	v27 =	vld.idx.msk [tilespmem:v27+s11+$0x0], $0xffff  }
0x3a8: {  	v24 =	vadd.s32 s1, v3;
	v30 =	vld.idx.msk [tilespmem:v31+s11+$0x0], $0xffff;
	[tilespmem:v54+s13+$0x0] =	vst.idx.msk $0xffff, v18  }
0x3a9: {  	s16 =	simm.s32 $0x2B4;
	s15 =	simm.s32 $0x36E;
	v18 =	vld.idx.msk [tilespmem:v55+s11+$0x0], $0xffff;
	[tilespmem:v20+s13+$0x0] =	vst.idx.msk $0xffff, v53  }
0x3aa: {  	v21 =	vadd.s32 s15, v0;
	v19 =	vld.idx.msk [tilespmem:v19+s11+$0x0], $0xffff;
	[dreg:$0x1b] =	wrdreg s16  }
0x3ab: {  	v28 =	vadd.s32 s21, v13;
	[tilespmem:v56+s13+$0x0] =	vst.idx.msk $0xffff, v22  }
0x3ac: {  	s17 =	simm.s32 $0x408;
	s9 =	simm.s32 $0x284;
	s26 =	simm.s32 $0x6D6;
	v26 =	vld.idx.msk [tilespmem:v26+s11+$0x0], $0xffff;
	[tilespmem:v23+s13+$0x0] =	vst.idx.msk $0xffff, v29  }
0x3ad: {  	v31 =	vadd.s32 s9, v0;
	v22 =	vadd.s32 s17, v0;
	s17 =	simm.s32 $0x512;
	v24 =	vld.idx.msk [tilespmem:v24+s11+$0x0], $0xffff;
	[smem:$0x78F] =	sst s26  }
0x3ae: {  	v57 =	vadd.s32 s20, v3;
	s4 =	simm.s32 $0xB0;
	[smem:$0x790] =	sst s17  }
0x3af: {  	v20 =	vadd.s32 s4, v0;
	s26 =	simm.s32 $0x5CC;
	s17 =	simm.s32 $0x6E6;
	[tilespmem:v21+s13+$0x0] =	vst.idx.msk $0xffff, v27  }
0x3b0: {  	v58 =	vadd.s32 s18, v3;
	v63 =	vld.idx.msk [tilespmem:v28+s11+$0x0], $0xffff;
	v39 =	vadd.s32 s26, v0;
	s26 =	simm.s32 $0x522;
	[smem:$0x791] =	sst s17  }
0x3b1: {  	s8 =	simm.s32 $0x6C6;
	[smem:$0x792] =	sst s26  }
0x3b2: {  	v59 =	vadd.s32 s8, v0;
	s16 =	simm.s32 $0x60C;
	[tilespmem:v31+s13+$0x0] =	vst.idx.msk $0xffff, v25  }
0x3b3: {  	v60 =	vadd.s32 s24, v3;
	v41 =	vld.idx.msk [tilespmem:v57+s11+$0x0], $0xffff;
	[smem:$0x793] =	sst s16  }
0x3b4: {  	s17 =	simm.s32 $0x61C;
	[tilespmem:v20+s13+$0x0] =	vst.idx.msk $0xffff, v18  }
0x3b5: {  	s4 =	simm.s32 $0x262F;
	s26 =	simm.s32 $0x6F6;
	v21 =	vld.idx.msk [tilespmem:v58+s11+$0x0], $0xffff;
	[dreg:$0xe] =	wrdreg s17  }
0x3b6: {  	s8 =	simm.s32 $0x4E2;
	v23 =	vadd.s32 s4, v15;
	[dreg:$0x17] =	wrdreg s26  }
0x3b7: {  	s31 =	simm.s32 $0x448;
	s0 =	simm.s32 $0x4;
	v62 =	vadd.s32 s8, v0;
	s8 =	simm.s32 $0x532;
	[tilespmem:v59+s13+$0x0] =	vst.idx.msk $0xffff, v19  }
0x3b8: {  	s29 =	simm.s32 $0x63C;
	v61 =	vadd.s32 s23, v15;
	s16 =	simm.s32 $0x706;
	v45 =	vld.idx.msk [tilespmem:v60+s11+$0x0], $0xffff;
	[smem:$0x794] =	sst s8  }
0x3b9: {  	s28 =	simm.s32 $0x1CA;
	s6 =	simm.s32 $0x1AA;
	[dreg:$0x12] =	wrdreg s16  }
0x3ba: {  	s30 =	simm.s32 $0x542;
	s2 =	simm.s32 $0x1BA;
	v40 =	vadd.s32 s22, v14;
	v25 =	vadd.s32 s6, v0;
	s17 =	simm.s32 $0x62C;
	[tilespmem:v22+s13+$0x0] =	vst.idx.msk $0xffff, v26  }
0x3bb: {  	v42 =	vadd.s32 s21, v14;
	s7 =	simm.s32 $0x37E;
	s3 =	simm.s32 $0x294;
	v20 =	vld.idx.msk [tilespmem:v23+s11+$0x0], $0xffff;
	[dreg:$0x7] =	wrdreg s17  }
0x3bc: {  	s19 =	simm.s32 $0x746;
	s5 =	simm.s32 $0xC0;
	v44 =	vadd.s32 s7, v0;
	v27 =	vadd.s32 s3, v0;
	s3 =	simm.s32 $0x458;
	[tilespmem:v62+s13+$0x0] =	vst.idx.msk $0xffff, v30  }
0x3bd: {  	v43 =	vadd.s32 s1, v2;
	s14 =	simm.s32 $0x39E;
	v46 =	vadd.s32 s5, v0;
	s5 =	simm.s32 $0x4F2;
	v28 =	vld.idx.msk [tilespmem:v61+s11+$0x0], $0xffff;
	[dreg:$0x13] =	wrdreg s3  }
0x3be: {  	s15 =	simm.s32 $0x2A4;
	v34 =	vadd.s32 s5, v0;
	s5 =	simm.s32 $0x468;
	s25 =	simm.s32 $0x438;
	[tilespmem:v39+s13+$0x0] =	vst.idx.msk $0xffff, v63  }
0x3bf: {  	v47 =	vadd.s32 s20, v2;
	s7 =	simm.s32 $0x478;
	s10 =	simm.s32 $0xD0;
	s9 =	simm.s32 $0xE0;
	v32 =	vld.idx.msk [tilespmem:v40+s11+$0x0], $0xffff;
	[tilespmem:v25+s13+$0x0] =	vst.idx.msk $0xffff, v24  }
0x3c0: {  	s6 =	simm.s32 $0x5DC;
	s26 =	simm.s32 $0x418;
	v33 =	vld.idx.msk [tilespmem:v42+s11+$0x0], $0xffff;
	[smem:$0x795] =	sst s7  }
0x3c1: {  	v31 =	vadd.s32 s6, v0;
	s6 =	simm.s32 $0x746;
	v29 =	vadd.s32 s26, v0;
	s26 =	simm.s32 $0x552;
	s8 =	simm.s32 $0x572;
	[tilespmem:v44+s13+$0x0] =	vst.idx.msk $0xffff, v41  }
0x3c2: {  	v35 =	vadd.s32 s21, v15;
	v36 =	vadd.s32 s22, v15;
	v18 =	vadd.s32 s1, v1;
	s16 =	simm.s32 $0x716;
	s17 =	simm.s32 $0x64C;
	v23 =	vld.idx.msk [tilespmem:v43+s11+$0x0], $0xffff;
	[dreg:$0x3] =	wrdreg s8  }
0x3c3: {  	v19 =	vadd.s32 s22, v1;
	v22 =	vadd.s32 s2, v0;
	v26 =	vadd.s32 s24, v2;
	s2 =	simm.s32 $0x562;
	s3 =	simm.s32 $0x726;
	[smem:$0x796] =	sst s17  }
0x3c4: {  	v30 =	vadd.s32 s23, v7;
	v25 =	vadd.s32 s18, v2;
	s7 =	simm.s32 $0x488;
	s17 =	simm.s32 $0x65C;
	s8 =	simm.s32 $0x2693;
	[tilespmem:v46+s13+$0x0] =	vst.idx.msk $0xffff, v45;
	v24 =	vld.idx.msk [tilespmem:v47+s11+$0x0], $0xffff  }
.LBB2_8:
0x3c5: {  	[smem:$0x77C] =	sst s31  }
0x3c6: {  	[smem:$0x780] =	sst s16  }
0x3c7: {  	[smem:$0x77E] =	sst s30  }
0x3c8: {  	[smem:$0x78B] =	sst s29  }
0x3c9: {  	[smem:$0x784] =	sst s26  }
0x3ca: {  	[smem:$0x789] =	sst s5  }
0x3cb: {  	[smem:$0x786] =	sst s3  }
0x3cc: {  	[smem:$0x78D] =	sst s2;
	s3 =	sadd.s32 $0xFFFFFFB5, s8  }
0x3cd: {  	s1 =	smov.u32 s7;
	s26 =	sadd.s32 $0xFFFFFCE2, s19;
	s5 =	sld [smem:$0x796]  }
0x3ce: {  	v26 =	vld.idx.msk [tilespmem:v26+s11+$0x0], $0xffff;
	s7 =	sadd.s32 $0xFFFFFDBC, s19;
	s19 =	sadd.s32 $0x3A8, s19;
	[smem:$0x787] =	sst s1  }
0x3cf: {  	v61 =	vadd.s32 s15, v0;
	[tilespmem:v29+s13+$0x0] =	vst.idx.msk $0xffff, v28;
	v63 =	vadd.s32 s7, v0;
	s15 =	sadd.s32 $0xFFFFFF20, s19;
	s7 =	sadd.s32 $0xFFFFFED6, s19;
	v28 =	vadd.s32 s10, v0;
	s10 =	sld [smem:$0x795]  }
0x3d0: {  	v37 =	vadd.s32 s8, v8;
	[tilespmem:v27+s13+$0x0] =	vst.idx.msk $0xffff, v21;
	v21 =	vadd.s32 s20, v1;
	s20 =	sadd.s32 $0xFFFFFFE7, s8;
	v44 =	vadd.s32 s15, v0;
	[smem:$0x779] =	sst s7;
	s15 =	sadd.s32 $0xFFFFFD02, s19  }
0x3d1: {  	v41 =	vadd.s32 s24, v1;
	s24 =	smov.u32 s23;
	v25 =	vld.idx.msk [tilespmem:v25+s11+$0x0], $0xffff;
	s7 =	sadd.s32 $0xFFFFFDFC, s19;
	[smem:$0x77D] =	sst s15  }
0x3d2: {  	v27 =	vadd.s32 s3, v8;
	v40 =	vadd.s32 s26, v0;
	s26 =	smov.u32 s25;
	v30 =	vld.idx.msk [tilespmem:v30+s11+$0x0], $0xffff;
	[tilespmem:v34+s13+$0x0] =	vst.idx.msk $0xffff, v32;
	[smem:$0x77F] =	sst s7;
	s15 =	sadd.s32 $0xFFFFFEE6, s19  }
0x3d3: {  	s25 =	smov.u32 s17;
	s7 =	sadd.s32 $0xFFFFFE0C, s19;
	v36 =	vld.idx.msk [tilespmem:v36+s11+$0x0], $0xffff;
	[tilespmem:v31+s13+$0x0] =	vst.idx.msk $0xffff, v33;
	v31 =	vadd.s32 s18, v1;
	[smem:$0x782] =	sst s15  }
0x3d4: {  	v38 =	vadd.s32 s9, v0;
	s9 =	sadd.s32 $0xFFFFFFCE, s8;
	[tilespmem:v16+s13+$0x0] =	vst.idx.msk $0xffff, v24;
	[smem:$0x785] =	sst s7;
	s15 =	sadd.s32 $0xFFFFFFE0, s19;
	v35 =	vld.idx.msk [tilespmem:v35+s11+$0x0], $0xffff  }
0x3d5: {  	[tilespmem:v22+s13+$0x0] =	vst.idx.msk $0xffff, v23;
	s16 =	smov.u32 s10;
	s10 =	sadd.s32 $0xFFFFFEA6, s6;
	v24 =	vld.idx.msk [tilespmem:v37+s11+$0x0], $0xffff;
	[smem:$0x788] =	sst s15  }
0x3d6: {  	s17 =	smov.u32 s6;
	s2 =	sadd.s32 $0xFFFFFCF2, s19;
	v29 =	vadd.s32 s9, v8;
	v23 =	vld.idx.msk [tilespmem:v18+s11+$0x0], $0xffff;
	[smem:$0x778] =	sst s16;
	v22 =	vadd.s32 s10, v0;
	[tilespmem:v28+s13+$0x0] =	vst.idx.msk $0xffff, v26  }
0x3d7: {  	v62 =	vadd.s32 s20, v8;
	v16 =	vmov v17;
	s6 =	sadd.s32 $0xFFFFFD4C, s19;
	s15 =	sadd.s32 $0xFFFFFE1C, s19;
	s16 =	rddreg [dreg:$0x1b];
	[tilespmem:v61+s13+$0x0] =	vst.idx.msk $0xffff, v25;
	v26 =	vadd.s32 s28, v0;
	v17 =	vld.idx.msk [tilespmem:v27+s11+$0x0], $0xffff  }
0x3d8: {  	s23 =	sadd.s32 $0xFFFFFC62, s19;
	v45 =	vadd.s32 s6, v0;
	s6 =	sadd.s32 $0xFFFFFFC0, s19;
	[smem:$0x78E] =	sst s15;
	v42 =	vadd.s32 s16, v0;
	[tilespmem:v40+s13+$0x0] =	vst.idx.msk $0xffff, v30;
	v30 =	vld.idx.msk [tilespmem:v31+s11+$0x0], $0xffff  }
0x3d9: {  	s31 =	sadd.s32 $0xFFFFFDDC, s19;
	v21 =	vld.idx.msk [tilespmem:v21+s11+$0x0], $0xffff;
	v28 =	vadd.s32 s8, v9;
	[smem:$0x77B] =	sst s6;
	s6 =	sadd.s32 $0xFFFFFD12, s19;
	v27 =	vadd.s32 s23, v0;
	[tilespmem:v63+s13+$0x0] =	vst.idx.msk $0xffff, v36  }
0x3da: {  	s30 =	smov.u32 s5;
	v25 =	vadd.s32 s3, v9;
	s23 =	sadd.s32 $0xFFFFFDEC, s19;
	[smem:$0x783] =	sst s6;
	v47 =	vld.idx.msk [tilespmem:v41+s11+$0x0], $0xffff;
	[tilespmem:v44+s13+$0x0] =	vst.idx.msk $0xffff, v24  }
0x3db: {  	v49 =	vadd.s32 s22, v7;
	s5 =	sadd.s32 $0xFFFFFE36, s19;
	[smem:$0x77A] =	sst s23;
	v29 =	vld.idx.msk [tilespmem:v29+s11+$0x0], $0xffff;
	v24 =	vadd.s32 s14, v0;
	s14 =	sadd.s32 $0xFFFFFD32, s19;
	[tilespmem:v22+s13+$0x0] =	vst.idx.msk $0xffff, v35  }
0x3dc: {  	s18 =	smov.u32 s21;
	v46 =	vadd.s32 s5, v0;
	[smem:$0x795] =	sst s14;
	s14 =	sadd.s32 $0xFFFFFC72, s19;
	[tilespmem:v26+s13+$0x0] =	vst.idx.msk $0x3ff, v23  }
0x3dd: {  	s7 =	sadd.s32 $0xFFFFFF30, s19;
	s23 =	sadd.s32 $0xFFFFFFD0, s19;
	v22 =	vld.idx.msk [tilespmem:v62+s11+$0x0], $0xffff;
	v23 =	vadd.s32 s18, v7;
	[tilespmem:v42+s13+$0x0] =	vst.idx.msk $0x3ff, v30;
	v30 =	vadd.s32 s14, v0;
	s14 =	sld [smem:$0x78F]  }
0x3de: {  	s21 =	smov.u32 s20;
	v31 =	vadd.s32 s9, v9;
	[smem:$0x781] =	sst s23;
	s23 =	sadd.s32 $0xFFFFFD22, s19;
	v26 =	vld.idx.msk [tilespmem:v28+s11+$0x0], $0xffff;
	[tilespmem:v27+s13+$0x0] =	vst.idx.msk $0xffff, v17;
	v27 =	vadd.s32 s7, v0  }
0x3df: {  	s20 =	sadd.s32 $0xFFFFFF90, s19;
	s5 =	sadd.s32 $0xFFFFFF16, s19;
	[smem:$0x78A] =	sst s23;
	v28 =	vadd.s32 s24, v6;
	v25 =	vld.idx.msk [tilespmem:v25+s11+$0x0], $0xffff;
	[tilespmem:v38+s13+$0x0] =	vst.idx.msk $0x3ff, v47  }
0x3e0: {  	v48 =	vadd.s32 s21, v9;
	s23 =	sadd.s32 $0xFFFFFFF0, s19;
	v51 =	vld.idx.msk [tilespmem:v49+s11+$0x0], $0xffff;
	[tilespmem:v45+s13+$0x0] =	vst.idx.msk $0xffff, v29;
	v29 =	vadd.s32 s14, v0;
	s14 =	smov.u32 s17;
	s17 =	smov.u32 s20  }
0x3e1: {  	v50 =	vadd.s32 s8, v10;
	s15 =	smov.u32 s4;
	v17 =	vadd.s32 s23, v0;
	s23 =	smov.u32 s3;
	[tilespmem:v24+s13+$0x0] =	vst.idx.msk $0x3ff, v21;
	[smem:$0x78F] =	sst s17  }
0x3e2: {  	v23 =	vld.idx.msk [tilespmem:v23+s11+$0x0], $0xffff;
	s20 =	smov.u32 s25;
	[tilespmem:v46+s13+$0x0] =	vst.idx.msk $0xffff, v22;
	s3 =	sadd.s32 $0xFFFFFEB6, s14;
	s17 =	rddreg [dreg:$0x3]  }
0x3e3: {  	s4 =	sadd.s32 $0xFFFFFE2C, s19;
	v52 =	vadd.s32 s23, v10;
	v21 =	vld.idx.msk [tilespmem:v31+s11+$0x0], $0xffff;
	[dreg:$0x1b] =	wrdreg s20;
	[tilespmem:v27+s13+$0x0] =	vst.idx.msk $0xffff, v26;
	s28 =	smov.u32 s17;
	v24 =	vadd.s32 s3, v0  }
0x3e4: {  	v53 =	vadd.s32 s15, v7;
	v26 =	vld.idx.msk [tilespmem:v28+s11+$0x0], $0xffff;
	s17 =	smov.u32 s4;
	s4 =	sadd.s32 $0xFFFFFD5C, s19;
	[tilespmem:v30+s13+$0x0] =	vst.idx.msk $0xffff, v25;
	v30 =	vadd.s32 s26, v0;
	s26 =	sld [smem:$0x790]  }
0x3e5: {  	s10 =	sadd.s32 $0xFFFFFDCC, s19;
	v27 =	vadd.s32 s18, v6;
	v36 =	vld.idx.msk [tilespmem:v48+s11+$0x0], $0xffff;
	s3 =	sadd.s32 $0xFFFFFF40, s19;
	[dreg:$0x3] =	wrdreg s17;
	v31 =	vadd.s32 s4, v0  }
0x3e6: {  	v55 =	vadd.s32 s24, v5;
	v28 =	vld.idx.msk [tilespmem:v50+s11+$0x0], $0xffff;
	s17 =	smov.u32 s5;
	s5 =	sadd.s32 $0xFFFFFC82, s19;
	v54 =	vadd.s32 s3, v0;
	s3 =	sld [smem:$0x792]  }
0x3e7: {  	s16 =	sadd.s32 $0xFFFFFFA0, s19;
	v25 =	vadd.s32 s9, v10;
	[tilespmem:v29+s13+$0x0] =	vst.idx.msk $0xffff, v20;
	v20 =	vadd.s32 s5, v0;
	v57 =	vadd.s32 s26, v0;
	s5 =	smov.u32 s10;
	s26 =	sld [smem:$0x791]  }
0x3e8: {  	s1 =	sadd.s32 $0xFFFFFEC6, s19;
	v22 =	vadd.s32 s8, v11;
	v33 =	vld.idx.msk [tilespmem:v52+s11+$0x0], $0xffff;
	[smem:$0x790] =	sst s5;
	s5 =	smov.u32 s16;
	[tilespmem:v24+s13+$0x0] =	vst.idx.msk $0xffff, v23  }
0x3e9: {  	v60 =	vadd.s32 s18, v5;
	v56 =	vadd.s32 s23, v11;
	s25 =	smov.u32 s2;
	s2 =	sadd.s32 $0xFFFFFE46, s19;
	v29 =	vld.idx.msk [tilespmem:v53+s11+$0x0], $0xffff;
	[tilespmem:v30+s13+$0x0] =	vst.idx.msk $0xffff, v26;
	[smem:$0x791] =	sst s5  }
0x3ea: {  	s20 =	smov.u32 s15;
	v23 =	vadd.s32 s22, v6;
	s5 =	smov.u32 s1;
	[tilespmem:v31+s13+$0x0] =	vst.idx.msk $0xffff, v21;
	v24 =	vld.idx.msk [tilespmem:v27+s11+$0x0], $0xffff;
	v26 =	vadd.s32 s26, v0;
	s26 =	sld [smem:$0x793]  }
0x3eb: {  	v21 =	vadd.s32 s2, v0;
	s2 =	sadd.s32 $0xFFFFFD6C, s19;
	[tilespmem:v54+s13+$0x0] =	vst.idx.msk $0xffff, v28;
	v28 =	vld.idx.msk [tilespmem:v55+s11+$0x0], $0xffff;
	v31 =	vadd.s32 s20, v6;
	[smem:$0x793] =	sst s5;
	s5 =	smov.u32 s31  }
0x3ec: {  	v62 =	vadd.s32 s23, v12;
	v27 =	vadd.s32 s21, v10;
	v25 =	vld.idx.msk [tilespmem:v25+s11+$0x0], $0xffff;
	v30 =	vadd.s32 s2, v0;
	[smem:$0x792] =	sst s5  }
0x3ed: {  	v22 =	vld.idx.msk [tilespmem:v22+s11+$0x0], $0xffff;
	s2 =	sadd.s32 $0xFFFFFF50, s19;
	s5 =	rddreg [dreg:$0xe];
	[tilespmem:v20+s13+$0x0] =	vst.idx.msk $0xffff, v33;
	v20 =	vadd.s32 s9, v11;
	v58 =	vadd.s32 s26, v0  }
0x3ee: {  	s16 =	sadd.s32 $0xFFFFFC92, s19;
	v59 =	vadd.s32 s2, v0;
	[tilespmem:v57+s13+$0x0] =	vst.idx.msk $0xffff, v51;
	v42 =	vadd.s32 s5, v0;
	s5 =	sld [smem:$0x794];
	v32 =	vld.idx.msk [tilespmem:v56+s11+$0x0], $0xffff  }
0x3ef: {  	v63 =	vadd.s32 s3, v0;
	v61 =	vadd.s32 s16, v0;
	s16 =	sadd.s32 $0xFFFFFD7C, s19;
	s2 =	sld [smem:$0x781];
	v23 =	vld.idx.msk [tilespmem:v23+s11+$0x0], $0xffff;
	[tilespmem:v26+s13+$0x0] =	vst.idx.msk $0xffff, v29  }
0x3f0: {  	s26 =	sadd.s32 $0xFFFFFE56, s19;
	[tilespmem:v21+s13+$0x0] =	vst.idx.msk $0xffff, v36;
	v21 =	vadd.s32 s8, v12;
	v29 =	vld.idx.msk [tilespmem:v31+s11+$0x0], $0xffff;
	v31 =	vadd.s32 s16, v0;
	s16 =	sld [smem:$0x779]  }
0x3f1: {  	v46 =	vadd.s32 s5, v0;
	s5 =	rddreg [dreg:$0x12];
	v27 =	vld.idx.msk [tilespmem:v27+s11+$0x0], $0xffff;
	[tilespmem:v30+s13+$0x0] =	vst.idx.msk $0xffff, v25;
	v25 =	vadd.s32 s26, v0  }
0x3f2: {  	s29 =	sadd.s32 $0xFFFFFFB0, s19;
	v26 =	vadd.s32 s22, v5;
	s26 =	rddreg [dreg:$0x17];
	v20 =	vld.idx.msk [tilespmem:v20+s11+$0x0], $0xffff;
	[tilespmem:v58+s13+$0x0] =	vst.idx.msk $0xffff, v24  }
0x3f3: {  	s3 =	smov.u32 s29;
	v30 =	vadd.s32 s21, v11;
	[tilespmem:v59+s13+$0x0] =	vst.idx.msk $0xffff, v22;
	v24 =	vadd.s32 s26, v0;
	v22 =	vld.idx.msk [tilespmem:v60+s11+$0x0], $0xffff;
	s26 =	smov.u32 s16;
	s16 =	sld [smem:$0x77A]  }
0x3f4: {  	[dreg:$0x17] =	wrdreg s3;
	[tilespmem:v61+s13+$0x0] =	vst.idx.msk $0xffff, v32  }
0x3f5: {  	v40 =	vadd.s32 s20, v5;
	s1 =	sadd.s32 $0xFFFFFF60, s19;
	v43 =	vld.idx.msk [tilespmem:v62+s11+$0x0], $0xffff;
	[tilespmem:v63+s13+$0x0] =	vst.idx.msk $0xffff, v23;
	[dreg:$0xe] =	wrdreg s26  }
0x3f6: {  	v41 =	vadd.s32 s9, v12;
	v44 =	vadd.s32 s1, v0;
	s3 =	sadd.s32 $0xFFFFFCA2, s19;
	v21 =	vld.idx.msk [tilespmem:v21+s11+$0x0], $0xffff;
	[tilespmem:v25+s13+$0x0] =	vst.idx.msk $0xffff, v27;
	s26 =	smov.u32 s16;
	s16 =	sld [smem:$0x77B]  }
0x3f7: {  	v45 =	vadd.s32 s3, v0;
	v23 =	vadd.s32 s18, v4;
	v26 =	vld.idx.msk [tilespmem:v26+s11+$0x0], $0xffff;
	[tilespmem:v31+s13+$0x0] =	vst.idx.msk $0xffff, v20;
	[smem:$0x794] =	sst s26  }
0x3f8: {  	s1 =	sadd.s32 $0xFFFFFE66, s19;
	v25 =	vadd.s32 s8, v13;
	v30 =	vld.idx.msk [tilespmem:v30+s11+$0x0], $0xffff;
	[tilespmem:v42+s13+$0x0] =	vst.idx.msk $0xffff, v22;
	v22 =	vadd.s32 s5, v0;
	s5 =	sld [smem:$0x77C]  }
0x3f9: {  	v27 =	vadd.s32 s23, v13;
	v20 =	vadd.s32 s1, v0;
	[tilespmem:v24+s13+$0x0] =	vst.idx.msk $0xffff, v29;
	s26 =	smov.u32 s16;
	s16 =	sld [smem:$0x77D]  }
0x3fa: {  	s1 =	sadd.s32 $0xFFFFFD8C, s19;
	v24 =	vadd.s32 s22, v4;
	v29 =	vld.idx.msk [tilespmem:v40+s11+$0x0], $0xffff;
	[dreg:$0x12] =	wrdreg s26  }
0x3fb: {  	v31 =	vld.idx.msk [tilespmem:v41+s11+$0x0], $0xffff;
	v48 =	vadd.s32 s1, v0;
	[tilespmem:v44+s13+$0x0] =	vst.idx.msk $0xffff, v21;
	s26 =	sadd.s32 $0xFFFFFCB2, s19;
	v50 =	vadd.s32 s5, v0;
	s5 =	sld [smem:$0x77E]  }
0x3fc: {  	v47 =	vadd.s32 s21, v12;
	s3 =	sadd.s32 $0xFFFFFF70, s19;
	v21 =	vld.idx.msk [tilespmem:v23+s11+$0x0], $0xffff;
	[tilespmem:v46+s13+$0x0] =	vst.idx.msk $0xffff, v26;
	v26 =	vadd.s32 s26, v0;
	s26 =	sld [smem:$0x780]  }
0x3fd: {  	v51 =	vadd.s32 s3, v0;
	[tilespmem:v45+s13+$0x0] =	vst.idx.msk $0xffff, v43;
	v23 =	vadd.s32 s20, v4;
	v25 =	vld.idx.msk [tilespmem:v25+s11+$0x0], $0xffff;
	s31 =	smov.u32 s16;
	s16 =	sld [smem:$0x77F]  }
0x3fe: {  	v52 =	vadd.s32 s24, v4;
	s3 =	sadd.s32 $0xFFFFFE76, s19;
	v27 =	vld.idx.msk [tilespmem:v27+s11+$0x0], $0xffff;
	[tilespmem:v20+s13+$0x0] =	vst.idx.msk $0xffff, v30;
	v53 =	vadd.s32 s5, v0;
	s5 =	sld [smem:$0x782]  }
0x3ff: {  	v49 =	vadd.s32 s9, v13;
	s15 =	smov.u32 s30;
	[tilespmem:v22+s13+$0x0] =	vst.idx.msk $0xffff, v29;
	v22 =	vadd.s32 s3, v0;
	s3 =	rddreg [dreg:$0x7]  }
0x400: {  	v20 =	vadd.s32 s8, v14;
	v24 =	vld.idx.msk [tilespmem:v24+s11+$0x0], $0xffff;
	[tilespmem:v48+s13+$0x0] =	vst.idx.msk $0xffff, v31;
	v55 =	vadd.s32 s3, v0;
	s3 =	rddreg [dreg:$0x13];
	s30 =	smov.u32 s16;
	s16 =	smov.u32 s2  }
0x401: {  	v32 =	vld.idx.msk [tilespmem:v47+s11+$0x0], $0xffff;
	s2 =	sadd.s32 $0xFFFFFE86, s19;
	[tilespmem:v50+s13+$0x0] =	vst.idx.msk $0xffff, v28;
	v28 =	vadd.s32 s26, v0;
	s26 =	smov.u32 s5;
	s5 =	sld [smem:$0x783]  }
0x402: {  	v23 =	vld.idx.msk [tilespmem:v23+s11+$0x0], $0xffff;
	[tilespmem:v51+s13+$0x0] =	vst.idx.msk $0xffff, v25;
	v60 =	vadd.s32 s2, v0;
	s2 =	sld [smem:$0x788]  }
0x403: {  	s1 =	sadd.s32 $0xFFFFFF80, s19;
	v25 =	vld.idx.msk [tilespmem:v52+s11+$0x0], $0xffff;
	[tilespmem:v26+s13+$0x0] =	vst.idx.msk $0xffff, v27;
	v26 =	vadd.s32 s3, v0;
	s3 =	sld [smem:$0x784]  }
0x404: {  	v56 =	vadd.s32 s20, v3;
	v30 =	vadd.s32 s23, v14;
	v31 =	vld.idx.msk [tilespmem:v49+s11+$0x0], $0xffff;
	[dreg:$0x7] =	wrdreg s26;
	s26 =	smov.u32 s5;
	s5 =	sadd.s32 $0xFFFFFCC2, s19  }
0x405: {  	v57 =	vadd.s32 s1, v0;
	v20 =	vld.idx.msk [tilespmem:v20+s11+$0x0], $0xffff;
	[tilespmem:v53+s13+$0x0] =	vst.idx.msk $0xffff, v24;
	v24 =	vadd.s32 s5, v0;
	s5 =	sld [smem:$0x785]  }
0x406: {  	[tilespmem:v22+s13+$0x0] =	vst.idx.msk $0xffff, v32;
	v22 =	vadd.s32 s8, v15;
	v62 =	vadd.s32 s3, v0;
	s3 =	smov.u32 s2;
	s2 =	sld [smem:$0x78A]  }
0x407: {  	v54 =	vadd.s32 s21, v13;
	[dreg:$0x13] =	wrdreg s26;
	s26 =	sadd.s32 $0xFFFFFD9C, s19  }
0x408: {  	v29 =	vadd.s32 s22, v3;
	v59 =	vadd.s32 s26, v0;
	s26 =	smov.u32 s5;
	s5 =	sld [smem:$0x789]  }
0x409: {  	v27 =	vadd.s32 s18, v3;
	v30 =	vld.idx.msk [tilespmem:v30+s11+$0x0], $0xffff;
	[tilespmem:v28+s13+$0x0] =	vst.idx.msk $0xffff, v23  }
0x40a: {  	v35 =	vld.idx.msk [tilespmem:v56+s11+$0x0], $0xffff;
	[tilespmem:v57+s13+$0x0] =	vst.idx.msk $0xffff, v20  }
0x40b: {  	s6 =	sadd.s32 $0xFFFFFEF6, s19;
	v20 =	vld.idx.msk [tilespmem:v22+s11+$0x0], $0xffff;
	v22 =	vadd.s32 s5, v0;
	s5 =	smov.u32 s2;
	s2 =	sld [smem:$0x78B]  }
0x40c: {  	[smem:$0x78C] =	sst s6;
	v58 =	vadd.s32 s24, v3;
	v33 =	vld.idx.msk [tilespmem:v54+s11+$0x0], $0xffff  }
0x40d: {  	v63 =	vadd.s32 s22, v2;
	s22 =	sld [smem:$0x786];
	[tilespmem:v55+s13+$0x0] =	vst.idx.msk $0xffff, v21;
	v38 =	vld.idx.msk [tilespmem:v29+s11+$0x0], $0xffff;
	v29 =	vadd.s32 s23, v15  }
0x40e: {  	v61 =	vadd.s32 s21, v14;
	v21 =	vld.idx.msk [tilespmem:v27+s11+$0x0], $0xffff;
	v27 =	vadd.s32 s2, v0;
	s2 =	sld [smem:$0x78C]  }
0x40f: {  	s0 =	sadd.s32 $0x4, s0;
	v23 =	vadd.s32 s9, v14  }
0x410: {  	p0 =	slt.u32 s0, $0x7C;
	v43 =	vadd.s32 s22, v0;
	[tilespmem:v26+s13+$0x0] =	vst.idx.msk $0xffff, v25  }
0x411: {  	s1 =	sadd.s32 $0xFFFFFCD2, s19;
	v37 =	vld.idx.msk [tilespmem:v58+s11+$0x0], $0xffff;
	[tilespmem:v24+s13+$0x0] =	vst.idx.msk $0xffff, v30;
	v24 =	vadd.s32 s20, v2;
	s29 =	smov.u32 s2;
	s2 =	sadd.s32 $0xFFFFFDAC, s19  }
.Ltmp3:
0x412: {  	[tilespmem:v60+s13+$0x0] =	vst.idx.msk $0xffff, v33;
	v28 =	vld.idx.msk [tilespmem:v29+s11+$0x0], $0xffff;
	v29 =	vadd.s32 s1, v0;
	s1 =	sld [smem:$0x78E];
	v34 =	vadd.s32 s2, v0;
	s2 =	sadd.s32 $0xFFFFFE96, s19;
	(pc) =	sbr.rel @p0 .LBB2_8-.Ltmp3, $4  }
0x413: {  	v39 =	vadd.s32 s9, v1;
	s6 =	sadd.s32 $0xFFFFFF06, s19;
	s22 =	smov.u32 s9;
	v33 =	vld.idx.msk [tilespmem:v61+s11+$0x0], $0xffff;
	[tilespmem:v59+s13+$0x0] =	vst.idx.msk $0xffff, v31;
	v31 =	vadd.s32 s2, v0;
	s2 =	sld [smem:$0x78D]  }
0x414: {  	[smem:$0x796] =	sst s6;
	s6 =	smov.u32 s19;
	v36 =	vadd.s32 s22, v15;
	v26 =	vadd.s32 s24, v2;
	v32 =	vld.idx.msk [tilespmem:v23+s11+$0x0], $0xffff;
	[tilespmem:v62+s13+$0x0] =	vst.idx.msk $0xffff, v38  }
0x415: {  	s7 =	sadd.s32 $0xFFFFFD42, s19;
	s4 =	smov.u32 s8;
	s10 =	sld [smem:$0x778];
	v25 =	vadd.s32 s18, v2;
	v30 =	vadd.s32 s23, v7;
	[tilespmem:v43+s13+$0x0] =	vst.idx.msk $0xffff, v35;
	v23 =	vld.idx.msk [tilespmem:v63+s11+$0x0], $0xffff  }
0x416: {  	v18 =	vmovc v19;
	v19 =	vmov v39;
	s8 =	sadd.s32 $0x64, s8;
	s9 =	sld [smem:$0x787];
	v35 =	vadd.s32 s21, v15;
	v24 =	vld.idx.msk [tilespmem:v24+s11+$0x0], $0xffff;
	[tilespmem:v22+s13+$0x0] =	vst.idx.msk $0xffff, v37;
	v22 =	vadd.s32 s2, v0;
	s2 =	smov.u32 s1  }
0x417: {  	_ =	sdelay $0x3  }
0x418: {  	s0 =	sadd.s32 $0xFFFFFDBC, s19;
	[tilespmem:v34+s13+$0x0] =	vst.idx.msk $0xffff, v32  }
0x419: {  	v8 =	vadd.s32 s0, v0;
	v9 =	vld.idx.msk [tilespmem:v36+s11+$0x0], $0xffff;
	_ =	sdelay $0x2  }
0x41a: {  	s1 =	sadd.s32 $0xFFFFFEA6, s6;
	[tilespmem:v31+s13+$0x0] =	vst.idx.msk $0xffff, v33  }
0x41b: {  	v12 =	vadd.s32 s22, v7;
	v10 =	vadd.s32 s1, v0;
	v11 =	vld.idx.msk [tilespmem:v35+s11+$0x0], $0xffff;
	s8 =	sld [smem:$0x78F]  }
0x41c: {  	v13 =	vadd.s32 s21, v7;
	[tilespmem:v8+s13+$0x0] =	vst.idx.msk $0xffff, v9  }
0x41d: {  	s1 =	sld [smem:$0x790]  }
0x41e: {  	v14 =	vadd.s32 s8, v0;
	_ =	sdelay $0x1  }
0x41f: {  	s8 =	sadd.s32 $0xFFFFFEB6, s6;
	[tilespmem:v10+s13+$0x0] =	vst.idx.msk $0xffff, v11;
	v9 =	vld.idx.msk [tilespmem:v12+s11+$0x0], $0xffff;
	v39 =	vadd.s32 s1, v0  }
0x420: {  	v40 =	vadd.s32 s8, v0;
	v11 =	vld.idx.msk [tilespmem:v13+s11+$0x0], $0xffff  }
0x421: {  	v38 =	vadd.s32 s4, v7;
	[tilespmem:v29+s13+$0x0] =	vst.idx.msk $0xffff, v28  }
0x422: {  	[tilespmem:v14+s13+$0x0] =	vst.idx.msk $0xffff, v20  }
0x423: {  	v41 =	vadd.s32 s22, v6;
	s8 =	sld [smem:$0x791]  }
0x424: {  	v43 =	vadd.s32 s21, v6;
	s1 =	sadd.s32 $0xFFFFFCE2, s19;
	[tilespmem:v39+s13+$0x0] =	vst.idx.msk $0xffff, v9  }
0x425: {  	v15 =	vld.idx.msk [tilespmem:v30+s11+$0x0], $0xffff;
	v42 =	vadd.s32 s1, v0;
	s19 =	sld [smem:$0x792];
	[tilespmem:v40+s13+$0x0] =	vst.idx.msk $0xffff, v11  }
0x426: {  	v7 =	vld.idx.msk [tilespmem:v38+s11+$0x0], $0xffff;
	v44 =	vadd.s32 s8, v0;
	s1 =	sld [smem:$0x793]  }
0x427: {  	v45 =	vadd.s32 s23, v6  }
0x428: {  	v46 =	vadd.s32 s4, v6;
	v9 =	vld.idx.msk [tilespmem:v41+s11+$0x0], $0xffff;
	v47 =	vadd.s32 s19, v0  }
0x429: {  	v11 =	vld.idx.msk [tilespmem:v43+s11+$0x0], $0xffff;
	v48 =	vadd.s32 s1, v0  }
0x42a: {  	[tilespmem:v42+s13+$0x0] =	vst.idx.msk $0xffff, v15  }
0x42b: {  	v51 =	vadd.s32 s21, v5;
	[tilespmem:v44+s13+$0x0] =	vst.idx.msk $0xffff, v7  }
0x42c: {  	v49 =	vadd.s32 s22, v5;
	v50 =	vadd.s32 s25, v0;
	v15 =	vld.idx.msk [tilespmem:v45+s11+$0x0], $0xffff;
	s8 =	rddreg [dreg:$0x17]  }
0x42d: {  	v53 =	vadd.s32 s23, v5;
	v6 =	vld.idx.msk [tilespmem:v46+s11+$0x0], $0xffff;
	v52 =	vadd.s32 s8, v0;
	[tilespmem:v47+s13+$0x0] =	vst.idx.msk $0xffff, v9  }
0x42e: {  	s19 =	sld [smem:$0x794];
	[tilespmem:v48+s13+$0x0] =	vst.idx.msk $0xffff, v11  }
0x42f: {  	v54 =	vadd.s32 s4, v5;
	s25 =	rddreg [dreg:$0xe]  }
0x430: {  	v11 =	vld.idx.msk [tilespmem:v51+s11+$0x0], $0xffff;
	v56 =	vadd.s32 s25, v0  }
0x431: {  	v9 =	vld.idx.msk [tilespmem:v49+s11+$0x0], $0xffff;
	[tilespmem:v50+s13+$0x0] =	vst.idx.msk $0xffff, v15;
	v55 =	vadd.s32 s19, v0  }
0x432: {  	v57 =	vadd.s32 s22, v4;
	v58 =	vadd.s32 s31, v0;
	[tilespmem:v52+s13+$0x0] =	vst.idx.msk $0xffff, v6;
	v14 =	vld.idx.msk [tilespmem:v53+s11+$0x0], $0xffff  }
0x433: {  	v59 =	vadd.s32 s21, v4;
	s1 =	rddreg [dreg:$0x12]  }
0x434: {  	v61 =	vadd.s32 s23, v4;
	v5 =	vld.idx.msk [tilespmem:v54+s11+$0x0], $0xffff;
	[tilespmem:v27+s13+$0x0] =	vst.idx.msk $0xffff, v21;
	v60 =	vadd.s32 s1, v0  }
0x435: {  	v62 =	vadd.s32 s4, v4;
	[tilespmem:v56+s13+$0x0] =	vst.idx.msk $0xffff, v11  }
0x436: {  	[tilespmem:v55+s13+$0x0] =	vst.idx.msk $0xffff, v9  }
0x437: {  	v63 =	vadd.s32 s30, v0;
	v9 =	vld.idx.msk [tilespmem:v57+s11+$0x0], $0xffff;
	s8 =	rddreg [dreg:$0x7];
	[tilespmem:v58+s13+$0x0] =	vst.idx.msk $0xffff, v14  }
0x438: {  	v28 =	vadd.s32 s22, v3;
	v11 =	vld.idx.msk [tilespmem:v59+s11+$0x0], $0xffff;
	v27 =	vadd.s32 s8, v0;
	s19 =	rddreg [dreg:$0x13]  }
0x439: {  	v31 =	vadd.s32 s21, v3;
	[tilespmem:v60+s13+$0x0] =	vst.idx.msk $0xffff, v5;
	v30 =	vld.idx.msk [tilespmem:v61+s11+$0x0], $0xffff;
	v29 =	vadd.s32 s19, v0  }
0x43a: {  	v33 =	vadd.s32 s23, v3;
	v32 =	vadd.s32 s16, v0;
	[tilespmem:v22+s13+$0x0] =	vst.idx.msk $0xffff, v23;
	v4 =	vld.idx.msk [tilespmem:v62+s11+$0x0], $0xffff  }
0x43b: {  	v34 =	vadd.s32 s10, v0;
	v35 =	vld.idx.msk [tilespmem:v26+s11+$0x0], $0xffff;
	v3 =	vadd.s32 s4, v3;
	[tilespmem:v16+s13+$0x0] =	vst.idx.msk $0xffff, v24  }
0x43c: {  	v36 =	vadd.s32 s15, v0;
	v21 =	vld.idx.msk [tilespmem:v25+s11+$0x0], $0xffff;
	[tilespmem:v63+s13+$0x0] =	vst.idx.msk $0xffff, v9  }
0x43d: {  	v38 =	vadd.s32 s26, v0;
	v12 =	vld.idx.msk [tilespmem:v28+s11+$0x0], $0xffff;
	[tilespmem:v27+s13+$0x0] =	vst.idx.msk $0xffff, v11  }
0x43e: {  	v37 =	vadd.s32 s18, v1;
	v40 =	vadd.s32 s29, v0;
	[tilespmem:v29+s13+$0x0] =	vst.idx.msk $0xffff, v30;
	v41 =	vld.idx.msk [tilespmem:v31+s11+$0x0], $0xffff  }
0x43f: {  	v39 =	vadd.s32 s22, v2;
	v42 =	vadd.s32 s5, v0;
	[tilespmem:v32+s13+$0x0] =	vst.idx.msk $0xffff, v4;
	v43 =	vld.idx.msk [tilespmem:v33+s11+$0x0], $0xffff  }
0x440: {  	v45 =	vadd.s32 s3, v0;
	[tilespmem:v34+s13+$0x0] =	vst.idx.msk $0xffff, v35;
	v3 =	vld.idx.msk [tilespmem:v3+s11+$0x0], $0xffff  }
0x441: {  	v44 =	vadd.s32 s21, v2;
	v46 =	vadd.s32 s23, v2;
	v2 =	vadd.s32 s4, v2;
	[tilespmem:v36+s13+$0x0] =	vst.idx.msk $0xffff, v21  }
0x442: {  	v47 =	vadd.s32 s28, v0;
	v18 =	vld.idx.msk [tilespmem:v18+s11+$0x0], $0xffff;
	s22 =	rddreg [dreg:$0x1b];
	[tilespmem:v38+s13+$0x0] =	vst.idx.msk $0xffff, v12  }
0x443: {  	v8 =	vld.idx.msk [tilespmem:v37+s11+$0x0], $0xffff;
	v49 =	vadd.s32 s22, v0;
	[tilespmem:v40+s13+$0x0] =	vst.idx.msk $0xffff, v41  }
0x444: {  	v48 =	vadd.s32 s24, v1;
	v51 =	vadd.s32 s2, v0;
	v10 =	vld.idx.msk [tilespmem:v39+s11+$0x0], $0xffff;
	s24 =	sld [smem:$0x796];
	[tilespmem:v42+s13+$0x0] =	vst.idx.msk $0xffff, v43  }
0x445: {  	v50 =	vadd.s32 s20, v1;
	s25 =	sld [smem:$0x795];
	[tilespmem:v45+s13+$0x0] =	vst.idx.msk $0xffff, v3  }
0x446: {  	v56 =	vadd.s32 s23, v1;
	v55 =	vadd.s32 s21, v1;
	v2 =	vld.idx.msk [tilespmem:v2+s11+$0x0], $0xffff  }
0x447: {  	v1 =	vadd.s32 s4, v1;
	v53 =	vld.idx.msk [tilespmem:v44+s11+$0x0], $0xffff;
	[tilespmem:v47+s13+$0x0] =	vst.idx.msk $0x3ff, v18;
	v52 =	vadd.s32 s24, v0  }
0x448: {  	v3 =	vld.idx.msk [tilespmem:v46+s11+$0x0], $0xffff;
	[tilespmem:v49+s13+$0x0] =	vst.idx.msk $0x3ff, v8;
	v54 =	vadd.s32 s25, v0  }
0x449: {  	v57 =	vadd.s32 s9, v0;
	v58 =	vld.idx.msk [tilespmem:v48+s11+$0x0], $0xffff;
	[tilespmem:v51+s13+$0x0] =	vst.idx.msk $0xffff, v10  }
0x44a: {  	v59 =	vadd.s32 s14, v0;
	v9 =	vld.idx.msk [tilespmem:v50+s11+$0x0], $0xffff;
	s26 =	rddreg [dreg:$0x3]  }
0x44b: {  	v12 =	vld.idx.msk [tilespmem:v19+s11+$0x0], $0xffff;
	v60 =	vadd.s32 s26, v0;
	[tilespmem:v17+s13+$0x0] =	vst.idx.msk $0xffff, v2  }
0x44c: {  	v63 =	vadd.s32 s6, v0;
	[tilespmem:v52+s13+$0x0] =	vst.idx.msk $0xffff, v53;
	v1 =	vld.idx.msk [tilespmem:v1+s11+$0x0], $0xffff  }
0x44d: {  	v61 =	vadd.s32 s17, v0;
	[tilespmem:v54+s13+$0x0] =	vst.idx.msk $0xffff, v3;
	v3 =	vld.idx.msk [tilespmem:v55+s11+$0x0], $0xffff  }
0x44e: {  	v62 =	vadd.s32 s7, v0;
	[tilespmem:v57+s13+$0x0] =	vst.idx.msk $0x3ff, v58;
	v2 =	vld.idx.msk [tilespmem:v56+s11+$0x0], $0xffff  }
0x44f: {  	[tilespmem:v59+s13+$0x0] =	vst.idx.msk $0x3ff, v9  }
0x450: {  	[tilespmem:v60+s13+$0x0] =	vst.idx.msk $0x3ff, v12  }
0x451: {  	[tilespmem:v63+s13+$0x0] =	vst.idx.msk $0x3ff, v1  }
0x452: {  	[tilespmem:v61+s13+$0x0] =	vst.idx.msk $0x3ff, v3  }
0x453: {  	[tilespmem:v62+s13+$0x0] =	vst.idx.msk $0x3ff, v2  }
0x454: {  	s28 =	sld [smem:$0x7FC];
	_ =	sdelay $0x1  }
0x455: {  	s29 =	simm.s32 $0x1;
	s6 =	simm.s32 $0x0  }
0x456: {  	[hbm4b:s28+s6] =	stream.linear.scatter [tilespmem:s13], [sflag:$0x2], $0x7500, $0x38;
	[tilespmem:$0x11D00] =	vst v63  }
0x457: {  	_ =	swait.ge [sflag:s29], $0x7500  }
0x458: {  	[sflag:s29] =	ssyncset.done $0x0  }
0x459: {  	s1 =	simm.s32 $0x2;
	[sflag:s29] =	ssyncadd.s32 $0xFFFF8B00  }
0x45a: {  	_ =	swait.ge [sflag:s1], $0x7500  }
0x45b: {  	s30 =	sld [smem:$0x7EF]  }
0x45c: {  	s31 =	sld [smem:$0x7FD];
	_ =	sdelay $0x1  }
0x45d: {  	s2 =	sadd.s32 $0x1, s30  }
0x45e: {  	p0 =	sne.s32 s2, s31  }
.Ltmp4:
0x45f: {  	_ = 	snop;
	(pc) =	sbr.rel @p0 .LBB2_1-.Ltmp4, $3  }
0x460: {  	_ =	sdelay $0x1  }
0x461: {  	[sflag:s1] =	ssyncset.done $0x0  }
0x462: {  	[sflag:s1] =	ssyncadd.s32 $0xFFFF8B00  }
0x463: {  	_ =	sfence.sel $0x180000  }
0x464: {  	[bflag:$0x0] =	sbarrier.arrive $0xFFFF  }
0x465: {  	_ =	strace $0x90000047  }
0x466: {  	s0 =	stileid.u32;
	[bflag:$0x2] =	sbarrier.arrive $0xFFFF  }
0x467: {  	p0 =	sne.s32 s0, $0x0;
	s0 =	rddreg [dreg:$0x2]  }
0x468: {  	s0 =	sadd.s32 @!p0 $0x100000, s0  }
0x469: {  	[sflag:s0] =	ssyncadd.tile.s32 @!p0 $0x1;
	_ =	shalt  }
.Lfunc_end2:
_tile_overlayer_lowered:
.L_overlay_start_2:
0x46a: {  	(tag) =	ssettag $0x2  }
0x46b: {  	s0 =	rddreg [dreg:$0x0];
	s2 =	stileid.u32  }
0x46c: {  	s1 =	rddreg [dreg:$0x1];
	p0 =	sne.s32 s2, $0x0  }
0x46d: {  	s3 =	rddreg [dreg:$0x2];
	[bflag:$0x3] =	sbarrier.arrive $0xFFFF;
	s2 =	simm.s32 @!p0 $0x1C03  }
0x46e: {  	[timem:s3], [sflag:s2] =	dma.local @!p0 [hbm:s0], s1  }
0x46f: {  	s0 =	simm.s32 @!p0 $0x3  }
0x470: {  	_ =	swait.ge @!p0 [sflag:s0], s1  }
0x471: {  	s1 =	ssub.s32 @!p0 $0x0, s1;
	[sflag:s0] =	ssyncset.done @!p0 $0x0  }
0x472: {  	[sflag:s0] =	ssyncadd.s32 @!p0 s1  }
0x473: {  	[bflag:$0x3] =	sbarrier.arrive $0xFFFF  }
0x474: {  	_ =	shalt  }

</sc_bundles>
